<compile_context>
chip_gen: v7x
topology: tpu7x:2x2x1
jax: 0.10.2.dev20260603
libtpu: 0.0.44.dev20260713+nightly
codegen_flags: <defaults>
</compile_context>

<pallas_src>
import functools

import jax
import jax.numpy as jnp
from jax import lax
from jax.experimental import pallas as pl
from jax.experimental.pallas import tpu as pltpu
from jax.experimental.pallas import tpu_sc as plsc

_LIST_OF_N = [100000] * 8
_H = len(_LIST_OF_N)
_N = _LIST_OF_N[0]
_D = 64

_INFO = plsc.get_sparse_core_info()
_NC = _INFO.num_cores
_NS = _INFO.num_subcores
_NW = _NC * _NS
_LANES = _INFO.num_lanes

_TOTAL = 4 * 4096 * _H
_PER_W = _TOTAL // _NW
_C = 128
_CHUNKS = _PER_W // _C
_NBUF = 2


def _sc_body(ids_hbm, table_hbm, drain_hbm, out_hbm, idx_v, rows0, rows1,
             g0, g1):
  w = lax.axis_index("s") * _NC + lax.axis_index("c")
  base = w * _PER_W

  pltpu.sync_copy(ids_hbm.at[lax.div(w, _H), lax.rem(w, _H)], idx_v)

  off = jnp.broadcast_to((lax.rem(w, _H) * _N).astype(jnp.int32), (_LANES,))

  def add_body(c, carry):
    for k in range(_C // _LANES):
      sl = pl.ds(k * _LANES, _LANES)
      idx_v[c, sl] = idx_v[c, sl] + off
    return carry

  lax.fori_loop(0, _CHUNKS, add_body, 0)

  bufs = (rows0, rows1)
  sems = (g0, g1)

  def start(c, b):
    def group(g, carry):
      v = idx_v[c, pl.ds(g * _LANES, _LANES)]
      vg = lax.shift_right_logical(v, 3)
      vs = lax.bitwise_and(v, 7)
      for j in range(_LANES):
        i = g * _LANES + j
        pltpu.async_copy(table_hbm.at[vg[j], vs[j]],
                         bufs[b].at[lax.div(i, 8), lax.rem(i, 8)], sems[b])
      return carry

    lax.fori_loop(0, _C // _LANES, group, 0)

  def wait(b):
    pltpu.make_async_copy(drain_hbm, bufs[b], sems[b]).wait()

  def store(c, b):
    pltpu.sync_copy(bufs[b],
                    out_hbm.at[pl.ds((base + c * _C) // 8, _C // 8)])

  for b in range(_NBUF):
    start(b, b)

  def outer(i, carry):
    c0 = i * _NBUF
    for b in range(_NBUF):
      c = c0 + b
      wait(b)
      store(c, b)
      start(c + _NBUF, b)
    return carry

  lax.fori_loop(0, (_CHUNKS - _NBUF) // _NBUF, outer, 0)

  for b in range(_NBUF):
    c = _CHUNKS - _NBUF + b
    wait(b)
    store(c, b)


_sc_call = functools.partial(
    pl.kernel,
    out_type=jax.ShapeDtypeStruct((_TOTAL // 8, 8, _D), jnp.float32),
    mesh=plsc.VectorSubcoreMesh(core_axis_name="c", subcore_axis_name="s"),
    scratch_types=[
        pltpu.VMEM((_CHUNKS, _C), jnp.int32),
        pltpu.VMEM((_C // 8, 8, _D), jnp.float32),
        pltpu.VMEM((_C // 8, 8, _D), jnp.float32),
        pltpu.SemaphoreType.DMA,
        pltpu.SemaphoreType.DMA,
    ],
    compiler_params=pltpu.CompilerParams(use_tc_tiling_on_sc=True),
)(_sc_body)


@jax.jit
def kernel(input_ids, embedding_weight):
  b, s, h = input_ids.shape
  ids = input_ids.transpose(0, 2, 1).reshape(b, h, _CHUNKS, _C)
  table = embedding_weight.reshape(embedding_weight.shape[0] // 8, 8, _D)
  drain = jnp.zeros((_C // 8, 8, _D), jnp.float32)
  out = _sc_call(ids, table, drain)
  return out.reshape(b, h, s, _D).transpose(0, 2, 1, 3)

# --- scband reference (transcript-rebuilt; emitter-appended) ---
"""Pipeline reference for scband-multi-head-embedding-14886356648846 (READ-ONLY COPY).

The authoritative reference and input builder live on the scoring server;
editing this copy changes nothing except your own understanding.
"""

import jax, jax.numpy as jnp
import numpy as np

LIST_OF_N = [100000] * 8
EMBED_DIM = 64
BATCH = 4
SEQ = 4096
NUM_HEADS = len(LIST_OF_N)
TOTAL_ROWS = sum(LIST_OF_N)


def _offsets():
    # offsets = [0, cumsum(list_of_N[:-1])]
    return jnp.concatenate([
        jnp.zeros((1,), dtype=jnp.int64),
        jnp.cumsum(jnp.asarray(LIST_OF_N[:-1], dtype=jnp.int64))
    ]).astype(jnp.int32)


def setup_inputs(seed: int = 0) -> dict:
    key = jax.random.key(seed)
    k1, k2 = jax.random.split(key)
    input_ids = jax.random.randint(k1, (BATCH, SEQ, NUM_HEADS), 0, LIST_OF_N[0], dtype=jnp.int32)
    embedding_weight = jax.random.normal(k2, (TOTAL_ROWS, EMBED_DIM), dtype=jnp.float32) * 0.02
    return {"input_ids": input_ids, "embedding_weight": embedding_weight}


def reference(input_ids, embedding_weight):
    # shifted_input_ids = input_ids + offsets  (offsets broadcast over last dim = heads)
    offsets = _offsets()
    shifted = input_ids + offsets  # [B, S, H]
    # F.embedding(shifted, weight) -> gather rows
    output = jnp.take(embedding_weight, shifted, axis=0)  # [B, S, H, D]
    return output

if __name__ == "__main__":
    import jax
    _d = setup_inputs()
    print(jax.jit(kernel)(*tuple(_d.values())))

</pallas_src>

<mosaic_0001>
#map = affine_map<(d0, d1) -> (0, 0, 0, 0)>
#map1 = affine_map<(d0, d1) -> (0, 0, 0)>
module attributes {stable_mosaic.version = 14 : i64} {
  func.func @_sc_body(%arg0: i32, %arg1: i32, %arg2: memref<4x8x32x128xi32, #tpu.memory_space<hbm>>, %arg3: memref<100000x8x64xf32, #tpu.memory_space<hbm>>, %arg4: memref<16x8x64xf32, #tpu.memory_space<hbm>>, %arg5: memref<16384x8x64xf32, #tpu.memory_space<hbm>>, %arg6: memref<32x128xi32, #tpu.memory_space<vmem>>, %arg7: memref<16x8x64xf32, #tpu.memory_space<vmem>>, %arg8: memref<16x8x64xf32, #tpu.memory_space<vmem>>, %arg9: memref<!tpu.dma_semaphore, #tpu.memory_space<semaphore_mem>>, %arg10: memref<!tpu.dma_semaphore, #tpu.memory_space<semaphore_mem>>) attributes {dimension_semantics = [#tpu.dimension_semantics<core_parallel>, #tpu.dimension_semantics<subcore_parallel>], iteration_bounds = array<i64: 2, 16>, scalar_prefetch = 0 : i64, scratch_operands = 5 : i64, tpu.core_type = #tpu.core_type<sc_vector_subcore>, window_params = [{transform_indices = #map}, {transform_indices = #map1}, {transform_indices = #map1}, {transform_indices = #map1}]} {
    %mul3A = arith.constant 2 : i32
    %mul3A_0 = arith.muli %arg1, %mul3A : i32
    %add3A = arith.addi %mul3A_0, %arg0 : i32
    %mul3A_1 = arith.constant 4096 : i32
    %mul3A_2 = arith.muli %add3A, %mul3A_1 : i32
    %div3A = arith.constant 8 : i32
    %div3A_3 = arith.divsi %add3A, %div3A : i32
    %rem3A = arith.constant 8 : i32
    %rem3A_4 = arith.remsi %add3A, %rem3A : i32
    "tpu.region"() ({
      %run_scoped3A = tpu.sem_alloc : memref<!tpu.dma_semaphore, #tpu.memory_space<semaphore_mem>>
      %dma_start3A = arith.constant 0 : i32
      %dma_start3A_78 = arith.constant 0 : i32
      %dma_start3A_79 = tpu.memref_slice %arg2[%div3A_3, %rem3A_4, %dma_start3A, %dma_start3A_78] : memref<4x8x32x128xi32, #tpu.memory_space<hbm>> -> memref<1x1x32x128xi32, #tpu.memory_space<hbm>>
      %dma_start3A_80 = tpu.memref_squeeze %dma_start3A_79 : memref<1x1x32x128xi32, #tpu.memory_space<hbm>> -> memref<32x128xi32, #tpu.memory_space<hbm>>
      %dma_start3A_81 = arith.constant 0 : i32
      %dma_start3A_82 = arith.constant 0 : i32
      %dma_start3A_83 = tpu.memref_slice %arg2[%div3A_3, %rem3A_4, %dma_start3A_81, %dma_start3A_82] : memref<4x8x32x128xi32, #tpu.memory_space<hbm>> -> memref<1x1x32x128xi32, #tpu.memory_space<hbm>>
      %dma_start3A_84 = tpu.memref_squeeze %dma_start3A_83 : memref<1x1x32x128xi32, #tpu.memory_space<hbm>> -> memref<32x128xi32, #tpu.memory_space<hbm>>
      tpu.enqueue_dma source(%dma_start3A_84 : memref<32x128xi32, #tpu.memory_space<hbm>>) target(%arg6 : memref<32x128xi32, #tpu.memory_space<vmem>>) target_semaphore(%run_scoped3A : memref<!tpu.dma_semaphore, #tpu.memory_space<semaphore_mem>>)
      %dma_wait3A = arith.constant 0 : i32
      %dma_wait3A_85 = arith.constant 0 : i32
      %dma_wait3A_86 = tpu.memref_slice %arg2[%div3A_3, %rem3A_4, %dma_wait3A, %dma_wait3A_85] : memref<4x8x32x128xi32, #tpu.memory_space<hbm>> -> memref<1x1x32x128xi32, #tpu.memory_space<hbm>>
      %dma_wait3A_87 = tpu.memref_squeeze %dma_wait3A_86 : memref<1x1x32x128xi32, #tpu.memory_space<hbm>> -> memref<32x128xi32, #tpu.memory_space<hbm>>
      %dma_wait3A_88 = arith.constant 0 : i32
      %dma_wait3A_89 = arith.constant 0 : i32
      %dma_wait3A_90 = tpu.memref_slice %arg2[%div3A_3, %rem3A_4, %dma_wait3A_88, %dma_wait3A_89] : memref<4x8x32x128xi32, #tpu.memory_space<hbm>> -> memref<1x1x32x128xi32, #tpu.memory_space<hbm>>
      %dma_wait3A_91 = tpu.memref_squeeze %dma_wait3A_90 : memref<1x1x32x128xi32, #tpu.memory_space<hbm>> -> memref<32x128xi32, #tpu.memory_space<hbm>>
      tpu.wait_dma2 semaphore(%run_scoped3A : memref<!tpu.dma_semaphore, #tpu.memory_space<semaphore_mem>>) src(%dma_wait3A_91 : memref<32x128xi32, #tpu.memory_space<hbm>>) dst(%arg6 : memref<32x128xi32, #tpu.memory_space<vmem>>)
      tpu.yield
    }) : () -> ()
    %rem3A_5 = arith.constant 8 : i32
    %rem3A_6 = arith.remsi %add3A, %rem3A_5 : i32
    %mul3A_7 = arith.constant 100000 : i32
    %mul3A_8 = arith.muli %rem3A_6, %mul3A_7 : i32
    %broadcast_in_dim3A = vector.broadcast %mul3A_8 : i32 to vector<16xi32>
    %scan3A = arith.constant 0 : i32
    %scan3A_9 = arith.constant 0 : i32
    %scan3A_10 = arith.constant 32 : i32
    %scan3A_11 = arith.addi %scan3A_9, %scan3A_10 : i32
    %scan3A_12 = arith.constant 1 : i32
    scf.for %scan3A_78 = %scan3A_9 to %scan3A_11 step %scan3A_12  : i32 {
      %get3A = arith.index_cast %scan3A_78 : i32 to index
      %get3A_79 = arith.constant 0 : index
      %get3A_80 = tpu.vector_load %arg6[%get3A, %get3A_79] {strides = array<i32>} : memref<32x128xi32, #tpu.memory_space<vmem>>, vector<1x16xi32>,
      %get3A_81 = vector.shape_cast %get3A_80 : vector<1x16xi32> to vector<16xi32>
      %add3A_82 = arith.addi %get3A_81, %broadcast_in_dim3A : vector<16xi32>
      %swap3A = arith.index_cast %scan3A_78 : i32 to index
      %swap3A_83 = arith.constant 0 : index
      %swap3A_84 = tpu.vector_load %arg6[%swap3A, %swap3A_83] {strides = array<i32>} : memref<32x128xi32, #tpu.memory_space<vmem>>, vector<1x16xi32>,
      %swap3A_85 = vector.shape_cast %swap3A_84 : vector<1x16xi32> to vector<16xi32>
      %swap3A_86 = vector.shape_cast %add3A_82 : vector<16xi32> to vector<1x16xi32>
      tpu.vector_store %arg6[%swap3A, %swap3A_83], %swap3A_86 {strides = array<i32>} : memref<32x128xi32, #tpu.memory_space<vmem>>, vector<1x16xi32>,
      %get3A_87 = arith.index_cast %scan3A_78 : i32 to index
      %get3A_88 = arith.constant 16 : index
      %get3A_89 = tpu.vector_load %arg6[%get3A_87, %get3A_88] {strides = array<i32>} : memref<32x128xi32, #tpu.memory_space<vmem>>, vector<1x16xi32>,
      %get3A_90 = vector.shape_cast %get3A_89 : vector<1x16xi32> to vector<16xi32>
      %add3A_91 = arith.addi %get3A_90, %broadcast_in_dim3A : vector<16xi32>
      %swap3A_92 = arith.index_cast %scan3A_78 : i32 to index
      %swap3A_93 = arith.constant 16 : index
      %swap3A_94 = tpu.vector_load %arg6[%swap3A_92, %swap3A_93] {strides = array<i32>} : memref<32x128xi32, #tpu.memory_space<vmem>>, vector<1x16xi32>,
      %swap3A_95 = vector.shape_cast %swap3A_94 : vector<1x16xi32> to vector<16xi32>
      %swap3A_96 = vector.shape_cast %add3A_91 : vector<16xi32> to vector<1x16xi32>
      tpu.vector_store %arg6[%swap3A_92, %swap3A_93], %swap3A_96 {strides = array<i32>} : memref<32x128xi32, #tpu.memory_space<vmem>>, vector<1x16xi32>,
      %get3A_97 = arith.index_cast %scan3A_78 : i32 to index
      %get3A_98 = arith.constant 32 : index
      %get3A_99 = tpu.vector_load %arg6[%get3A_97, %get3A_98] {strides = array<i32>} : memref<32x128xi32, #tpu.memory_space<vmem>>, vector<1x16xi32>,
      %get3A_100 = vector.shape_cast %get3A_99 : vector<1x16xi32> to vector<16xi32>
      %add3A_101 = arith.addi %get3A_100, %broadcast_in_dim3A : vector<16xi32>
      %swap3A_102 = arith.index_cast %scan3A_78 : i32 to index
      %swap3A_103 = arith.constant 32 : index
      %swap3A_104 = tpu.vector_load %arg6[%swap3A_102, %swap3A_103] {strides = array<i32>} : memref<32x128xi32, #tpu.memory_space<vmem>>, vector<1x16xi32>,
      %swap3A_105 = vector.shape_cast %swap3A_104 : vector<1x16xi32> to vector<16xi32>
      %swap3A_106 = vector.shape_cast %add3A_101 : vector<16xi32> to vector<1x16xi32>
      tpu.vector_store %arg6[%swap3A_102, %swap3A_103], %swap3A_106 {strides = array<i32>} : memref<32x128xi32, #tpu.memory_space<vmem>>, vector<1x16xi32>,
      %get3A_107 = arith.index_cast %scan3A_78 : i32 to index
      %get3A_108 = arith.constant 48 : index
      %get3A_109 = tpu.vector_load %arg6[%get3A_107, %get3A_108] {strides = array<i32>} : memref<32x128xi32, #tpu.memory_space<vmem>>, vector<1x16xi32>,
      %get3A_110 = vector.shape_cast %get3A_109 : vector<1x16xi32> to vector<16xi32>
      %add3A_111 = arith.addi %get3A_110, %broadcast_in_dim3A : vector<16xi32>
      %swap3A_112 = arith.index_cast %scan3A_78 : i32 to index
      %swap3A_113 = arith.constant 48 : index
      %swap3A_114 = tpu.vector_load %arg6[%swap3A_112, %swap3A_113] {strides = array<i32>} : memref<32x128xi32, #tpu.memory_space<vmem>>, vector<1x16xi32>,
      %swap3A_115 = vector.shape_cast %swap3A_114 : vector<1x16xi32> to vector<16xi32>
      %swap3A_116 = vector.shape_cast %add3A_111 : vector<16xi32> to vector<1x16xi32>
      tpu.vector_store %arg6[%swap3A_112, %swap3A_113], %swap3A_116 {strides = array<i32>} : memref<32x128xi32, #tpu.memory_space<vmem>>, vector<1x16xi32>,
      %get3A_117 = arith.index_cast %scan3A_78 : i32 to index
      %get3A_118 = arith.constant 64 : index
      %get3A_119 = tpu.vector_load %arg6[%get3A_117, %get3A_118] {strides = array<i32>} : memref<32x128xi32, #tpu.memory_space<vmem>>, vector<1x16xi32>,
      %get3A_120 = vector.shape_cast %get3A_119 : vector<1x16xi32> to vector<16xi32>
      %add3A_121 = arith.addi %get3A_120, %broadcast_in_dim3A : vector<16xi32>
      %swap3A_122 = arith.index_cast %scan3A_78 : i32 to index
      %swap3A_123 = arith.constant 64 : index
      %swap3A_124 = tpu.vector_load %arg6[%swap3A_122, %swap3A_123] {strides = array<i32>} : memref<32x128xi32, #tpu.memory_space<vmem>>, vector<1x16xi32>,
      %swap3A_125 = vector.shape_cast %swap3A_124 : vector<1x16xi32> to vector<16xi32>
      %swap3A_126 = vector.shape_cast %add3A_121 : vector<16xi32> to vector<1x16xi32>
      tpu.vector_store %arg6[%swap3A_122, %swap3A_123], %swap3A_126 {strides = array<i32>} : memref<32x128xi32, #tpu.memory_space<vmem>>, vector<1x16xi32>,
      %get3A_127 = arith.index_cast %scan3A_78 : i32 to index
      %get3A_128 = arith.constant 80 : index
      %get3A_129 = tpu.vector_load %arg6[%get3A_127, %get3A_128] {strides = array<i32>} : memref<32x128xi32, #tpu.memory_space<vmem>>, vector<1x16xi32>,
      %get3A_130 = vector.shape_cast %get3A_129 : vector<1x16xi32> to vector<16xi32>
      %add3A_131 = arith.addi %get3A_130, %broadcast_in_dim3A : vector<16xi32>
      %swap3A_132 = arith.index_cast %scan3A_78 : i32 to index
      %swap3A_133 = arith.constant 80 : index
      %swap3A_134 = tpu.vector_load %arg6[%swap3A_132, %swap3A_133] {strides = array<i32>} : memref<32x128xi32, #tpu.memory_space<vmem>>, vector<1x16xi32>,
      %swap3A_135 = vector.shape_cast %swap3A_134 : vector<1x16xi32> to vector<16xi32>
      %swap3A_136 = vector.shape_cast %add3A_131 : vector<16xi32> to vector<1x16xi32>
      tpu.vector_store %arg6[%swap3A_132, %swap3A_133], %swap3A_136 {strides = array<i32>} : memref<32x128xi32, #tpu.memory_space<vmem>>, vector<1x16xi32>,
      %get3A_137 = arith.index_cast %scan3A_78 : i32 to index
      %get3A_138 = arith.constant 96 : index
      %get3A_139 = tpu.vector_load %arg6[%get3A_137, %get3A_138] {strides = array<i32>} : memref<32x128xi32, #tpu.memory_space<vmem>>, vector<1x16xi32>,
      %get3A_140 = vector.shape_cast %get3A_139 : vector<1x16xi32> to vector<16xi32>
      %add3A_141 = arith.addi %get3A_140, %broadcast_in_dim3A : vector<16xi32>
      %swap3A_142 = arith.index_cast %scan3A_78 : i32 to index
      %swap3A_143 = arith.constant 96 : index
      %swap3A_144 = tpu.vector_load %arg6[%swap3A_142, %swap3A_143] {strides = array<i32>} : memref<32x128xi32, #tpu.memory_space<vmem>>, vector<1x16xi32>,
      %swap3A_145 = vector.shape_cast %swap3A_144 : vector<1x16xi32> to vector<16xi32>
      %swap3A_146 = vector.shape_cast %add3A_141 : vector<16xi32> to vector<1x16xi32>
      tpu.vector_store %arg6[%swap3A_142, %swap3A_143], %swap3A_146 {strides = array<i32>} : memref<32x128xi32, #tpu.memory_space<vmem>>, vector<1x16xi32>,
      %get3A_147 = arith.index_cast %scan3A_78 : i32 to index
      %get3A_148 = arith.constant 112 : index
      %get3A_149 = tpu.vector_load %arg6[%get3A_147, %get3A_148] {strides = array<i32>} : memref<32x128xi32, #tpu.memory_space<vmem>>, vector<1x16xi32>,
      %get3A_150 = vector.shape_cast %get3A_149 : vector<1x16xi32> to vector<16xi32>
      %add3A_151 = arith.addi %get3A_150, %broadcast_in_dim3A : vector<16xi32>
      %swap3A_152 = arith.index_cast %scan3A_78 : i32 to index
      %swap3A_153 = arith.constant 112 : index
      %swap3A_154 = tpu.vector_load %arg6[%swap3A_152, %swap3A_153] {strides = array<i32>} : memref<32x128xi32, #tpu.memory_space<vmem>>, vector<1x16xi32>,
      %swap3A_155 = vector.shape_cast %swap3A_154 : vector<1x16xi32> to vector<16xi32>
      %swap3A_156 = vector.shape_cast %add3A_151 : vector<16xi32> to vector<1x16xi32>
      tpu.vector_store %arg6[%swap3A_152, %swap3A_153], %swap3A_156 {strides = array<i32>} : memref<32x128xi32, #tpu.memory_space<vmem>>, vector<1x16xi32>,
    }
    %scan3A_13 = arith.constant 32 : i32
    %scan3A_14 = arith.constant 0 : i32
    %scan3A_15 = arith.constant 0 : i32
    %scan3A_16 = arith.constant 8 : i32
    %scan3A_17 = arith.addi %scan3A_15, %scan3A_16 : i32
    %scan3A_18 = arith.constant 1 : i32
    scf.for %scan3A_78 = %scan3A_15 to %scan3A_17 step %scan3A_18  : i32 {
      %mul3A_79 = arith.constant 16 : i32
      %mul3A_80 = arith.muli %scan3A_78, %mul3A_79 : i32
      %get3A = arith.constant 0 : i32
      %get3A_81 = arith.index_cast %get3A : i32 to index
      %get3A_82 = arith.index_cast %mul3A_80 : i32 to index
      %get3A_83 = tpu.vector_load %arg6[%get3A_81, %get3A_82] {strides = array<i32>} : memref<32x128xi32, #tpu.memory_space<vmem>>, vector<1x16xi32>,
      %get3A_84 = vector.shape_cast %get3A_83 : vector<1x16xi32> to vector<16xi32>
      %shift_right_logical3A = arith.constant 3 : i32
      %shift_right_logical3A_85 = vector.broadcast %shift_right_logical3A : i32 to vector<16xi32>
      %shift_right_logical3A_86 = arith.shrui %get3A_84, %shift_right_logical3A_85 : vector<16xi32>
      %and3A_87 = arith.constant 7 : i32
      %and3A_88 = vector.broadcast %and3A_87 : i32 to vector<16xi32>
      %and3A_89 = arith.andi %get3A_84, %and3A_88 : vector<16xi32>
      %mul3A_90 = arith.constant 16 : i32
      %mul3A_91 = arith.muli %scan3A_78, %mul3A_90 : i32
      %add3A_92 = arith.constant 0 : i32
      %add3A_93 = arith.addi %mul3A_91, %add3A_92 : i32
      %slice3A = vector.extract_strided_slice %shift_right_logical3A_86 {offsets = [0], sizes = [1], strides = [1]} : vector<16xi32> to vector<1xi32>
      %squeeze3A = vector.extract %slice3A[0] : i32 from vector<1xi32>
      %slice3A_94 = vector.extract_strided_slice %and3A_89 {offsets = [0], sizes = [1], strides = [1]} : vector<16xi32> to vector<1xi32>
      %squeeze3A_95 = vector.extract %slice3A_94[0] : i32 from vector<1xi32>
      %div3A_96 = arith.constant 8 : i32
      %div3A_97 = arith.divsi %add3A_93, %div3A_96 : i32
      %rem3A_98 = arith.constant 8 : i32
      %rem3A_99 = arith.remsi %add3A_93, %rem3A_98 : i32
      %dma_start3A = arith.constant 0 : i32
      %dma_start3A_100 = tpu.memref_slice %arg7[%div3A_97, %rem3A_99, %dma_start3A] : memref<16x8x64xf32, #tpu.memory_space<vmem>> -> memref<1x1x64xf32, #tpu.memory_space<vmem>>
      %dma_start3A_101 = tpu.memref_squeeze %dma_start3A_100 : memref<1x1x64xf32, #tpu.memory_space<vmem>> -> memref<64xf32, #tpu.memory_space<vmem>>
      %dma_start3A_102 = arith.constant 0 : i32
      %dma_start3A_103 = tpu.memref_slice %arg3[%squeeze3A, %squeeze3A_95, %dma_start3A_102] : memref<100000x8x64xf32, #tpu.memory_space<hbm>> -> memref<1x1x64xf32, #tpu.memory_space<hbm>>
      %dma_start3A_104 = tpu.memref_squeeze %dma_start3A_103 : memref<1x1x64xf32, #tpu.memory_space<hbm>> -> memref<64xf32, #tpu.memory_space<hbm>>
      %dma_start3A_105 = arith.constant 0 : i32
      %dma_start3A_106 = tpu.memref_slice %arg7[%div3A_97, %rem3A_99, %dma_start3A_105] : memref<16x8x64xf32, #tpu.memory_space<vmem>> -> memref<1x1x64xf32, #tpu.memory_space<vmem>>
      %dma_start3A_107 = tpu.memref_squeeze %dma_start3A_106 : memref<1x1x64xf32, #tpu.memory_space<vmem>> -> memref<64xf32, #tpu.memory_space<vmem>>
      %dma_start3A_108 = arith.constant 0 : i32
      %dma_start3A_109 = tpu.memref_slice %arg3[%squeeze3A, %squeeze3A_95, %dma_start3A_108] : memref<100000x8x64xf32, #tpu.memory_space<hbm>> -> memref<1x1x64xf32, #tpu.memory_space<hbm>>
      %dma_start3A_110 = tpu.memref_squeeze %dma_start3A_109 : memref<1x1x64xf32, #tpu.memory_space<hbm>> -> memref<64xf32, #tpu.memory_space<hbm>>
      tpu.enqueue_dma source(%dma_start3A_110 : memref<64xf32, #tpu.memory_space<hbm>>) target(%dma_start3A_107 : memref<64xf32, #tpu.memory_space<vmem>>) target_semaphore(%arg9 : memref<!tpu.dma_semaphore, #tpu.memory_space<semaphore_mem>>)
      %mul3A_111 = arith.constant 16 : i32
      %mul3A_112 = arith.muli %scan3A_78, %mul3A_111 : i32
      %add3A_113 = arith.constant 1 : i32
      %add3A_114 = arith.addi %mul3A_112, %add3A_113 : i32
      %slice3A_115 = vector.extract_strided_slice %shift_right_logical3A_86 {offsets = [1], sizes = [1], strides = [1]} : vector<16xi32> to vector<1xi32>
      %squeeze3A_116 = vector.extract %slice3A_115[0] : i32 from vector<1xi32>
      %slice3A_117 = vector.extract_strided_slice %and3A_89 {offsets = [1], sizes = [1], strides = [1]} : vector<16xi32> to vector<1xi32>
      %squeeze3A_118 = vector.extract %slice3A_117[0] : i32 from vector<1xi32>
      %div3A_119 = arith.constant 8 : i32
      %div3A_120 = arith.divsi %add3A_114, %div3A_119 : i32
      %rem3A_121 = arith.constant 8 : i32
      %rem3A_122 = arith.remsi %add3A_114, %rem3A_121 : i32
      %dma_start3A_123 = arith.constant 0 : i32
      %dma_start3A_124 = tpu.memref_slice %arg7[%div3A_120, %rem3A_122, %dma_start3A_123] : memref<16x8x64xf32, #tpu.memory_space<vmem>> -> memref<1x1x64xf32, #tpu.memory_space<vmem>>
      %dma_start3A_125 = tpu.memref_squeeze %dma_start3A_124 : memref<1x1x64xf32, #tpu.memory_space<vmem>> -> memref<64xf32, #tpu.memory_space<vmem>>
      %dma_start3A_126 = arith.constant 0 : i32
      %dma_start3A_127 = tpu.memref_slice %arg3[%squeeze3A_116, %squeeze3A_118, %dma_start3A_126] : memref<100000x8x64xf32, #tpu.memory_space<hbm>> -> memref<1x1x64xf32, #tpu.memory_space<hbm>>
      %dma_start3A_128 = tpu.memref_squeeze %dma_start3A_127 : memref<1x1x64xf32, #tpu.memory_space<hbm>> -> memref<64xf32, #tpu.memory_space<hbm>>
      %dma_start3A_129 = arith.constant 0 : i32
      %dma_start3A_130 = tpu.memref_slice %arg7[%div3A_120, %rem3A_122, %dma_start3A_129] : memref<16x8x64xf32, #tpu.memory_space<vmem>> -> memref<1x1x64xf32, #tpu.memory_space<vmem>>
      %dma_start3A_131 = tpu.memref_squeeze %dma_start3A_130 : memref<1x1x64xf32, #tpu.memory_space<vmem>> -> memref<64xf32, #tpu.memory_space<vmem>>
      %dma_start3A_132 = arith.constant 0 : i32
      %dma_start3A_133 = tpu.memref_slice %arg3[%squeeze3A_116, %squeeze3A_118, %dma_start3A_132] : memref<100000x8x64xf32, #tpu.memory_space<hbm>> -> memref<1x1x64xf32, #tpu.memory_space<hbm>>
      %dma_start3A_134 = tpu.memref_squeeze %dma_start3A_133 : memref<1x1x64xf32, #tpu.memory_space<hbm>> -> memref<64xf32, #tpu.memory_space<hbm>>
      tpu.enqueue_dma source(%dma_start3A_134 : memref<64xf32, #tpu.memory_space<hbm>>) target(%dma_start3A_131 : memref<64xf32, #tpu.memory_space<vmem>>) target_semaphore(%arg9 : memref<!tpu.dma_semaphore, #tpu.memory_space<semaphore_mem>>)
      %mul3A_135 = arith.constant 16 : i32
      %mul3A_136 = arith.muli %scan3A_78, %mul3A_135 : i32
      %add3A_137 = arith.constant 2 : i32
      %add3A_138 = arith.addi %mul3A_136, %add3A_137 : i32
      %slice3A_139 = vector.extract_strided_slice %shift_right_logical3A_86 {offsets = [2], sizes = [1], strides = [1]} : vector<16xi32> to vector<1xi32>
      %squeeze3A_140 = vector.extract %slice3A_139[0] : i32 from vector<1xi32>
      %slice3A_141 = vector.extract_strided_slice %and3A_89 {offsets = [2], sizes = [1], strides = [1]} : vector<16xi32> to vector<1xi32>
      %squeeze3A_142 = vector.extract %slice3A_141[0] : i32 from vector<1xi32>
      %div3A_143 = arith.constant 8 : i32
      %div3A_144 = arith.divsi %add3A_138, %div3A_143 : i32
      %rem3A_145 = arith.constant 8 : i32
      %rem3A_146 = arith.remsi %add3A_138, %rem3A_145 : i32
      %dma_start3A_147 = arith.constant 0 : i32
      %dma_start3A_148 = tpu.memref_slice %arg7[%div3A_144, %rem3A_146, %dma_start3A_147] : memref<16x8x64xf32, #tpu.memory_space<vmem>> -> memref<1x1x64xf32, #tpu.memory_space<vmem>>
      %dma_start3A_149 = tpu.memref_squeeze %dma_start3A_148 : memref<1x1x64xf32, #tpu.memory_space<vmem>> -> memref<64xf32, #tpu.memory_space<vmem>>
      %dma_start3A_150 = arith.constant 0 : i32
      %dma_start3A_151 = tpu.memref_slice %arg3[%squeeze3A_140, %squeeze3A_142, %dma_start3A_150] : memref<100000x8x64xf32, #tpu.memory_space<hbm>> -> memref<1x1x64xf32, #tpu.memory_space<hbm>>
      %dma_start3A_152 = tpu.memref_squeeze %dma_start3A_151 : memref<1x1x64xf32, #tpu.memory_space<hbm>> -> memref<64xf32, #tpu.memory_space<hbm>>
      %dma_start3A_153 = arith.constant 0 : i32
      %dma_start3A_154 = tpu.memref_slice %arg7[%div3A_144, %rem3A_146, %dma_start3A_153] : memref<16x8x64xf32, #tpu.memory_space<vmem>> -> memref<1x1x64xf32, #tpu.memory_space<vmem>>
      %dma_start3A_155 = tpu.memref_squeeze %dma_start3A_154 : memref<1x1x64xf32, #tpu.memory_space<vmem>> -> memref<64xf32, #tpu.memory_space<vmem>>
      %dma_start3A_156 = arith.constant 0 : i32
      %dma_start3A_157 = tpu.memref_slice %arg3[%squeeze3A_140, %squeeze3A_142, %dma_start3A_156] : memref<100000x8x64xf32, #tpu.memory_space<hbm>> -> memref<1x1x64xf32, #tpu.memory_space<hbm>>
      %dma_start3A_158 = tpu.memref_squeeze %dma_start3A_157 : memref<1x1x64xf32, #tpu.memory_space<hbm>> -> memref<64xf32, #tpu.memory_space<hbm>>
      tpu.enqueue_dma source(%dma_start3A_158 : memref<64xf32, #tpu.memory_space<hbm>>) target(%dma_start3A_155 : memref<64xf32, #tpu.memory_space<vmem>>) target_semaphore(%arg9 : memref<!tpu.dma_semaphore, #tpu.memory_space<semaphore_mem>>)
      %mul3A_159 = arith.constant 16 : i32
      %mul3A_160 = arith.muli %scan3A_78, %mul3A_159 : i32
      %add3A_161 = arith.constant 3 : i32
      %add3A_162 = arith.addi %mul3A_160, %add3A_161 : i32
      %slice3A_163 = vector.extract_strided_slice %shift_right_logical3A_86 {offsets = [3], sizes = [1], strides = [1]} : vector<16xi32> to vector<1xi32>
      %squeeze3A_164 = vector.extract %slice3A_163[0] : i32 from vector<1xi32>
      %slice3A_165 = vector.extract_strided_slice %and3A_89 {offsets = [3], sizes = [1], strides = [1]} : vector<16xi32> to vector<1xi32>
      %squeeze3A_166 = vector.extract %slice3A_165[0] : i32 from vector<1xi32>
      %div3A_167 = arith.constant 8 : i32
      %div3A_168 = arith.divsi %add3A_162, %div3A_167 : i32
      %rem3A_169 = arith.constant 8 : i32
      %rem3A_170 = arith.remsi %add3A_162, %rem3A_169 : i32
      %dma_start3A_171 = arith.constant 0 : i32
      %dma_start3A_172 = tpu.memref_slice %arg7[%div3A_168, %rem3A_170, %dma_start3A_171] : memref<16x8x64xf32, #tpu.memory_space<vmem>> -> memref<1x1x64xf32, #tpu.memory_space<vmem>>
      %dma_start3A_173 = tpu.memref_squeeze %dma_start3A_172 : memref<1x1x64xf32, #tpu.memory_space<vmem>> -> memref<64xf32, #tpu.memory_space<vmem>>
      %dma_start3A_174 = arith.constant 0 : i32
      %dma_start3A_175 = tpu.memref_slice %arg3[%squeeze3A_164, %squeeze3A_166, %dma_start3A_174] : memref<100000x8x64xf32, #tpu.memory_space<hbm>> -> memref<1x1x64xf32, #tpu.memory_space<hbm>>
      %dma_start3A_176 = tpu.memref_squeeze %dma_start3A_175 : memref<1x1x64xf32, #tpu.memory_space<hbm>> -> memref<64xf32, #tpu.memory_space<hbm>>
      %dma_start3A_177 = arith.constant 0 : i32
      %dma_start3A_178 = tpu.memref_slice %arg7[%div3A_168, %rem3A_170, %dma_start3A_177] : memref<16x8x64xf32, #tpu.memory_space<vmem>> -> memref<1x1x64xf32, #tpu.memory_space<vmem>>
      %dma_start3A_179 = tpu.memref_squeeze %dma_start3A_178 : memref<1x1x64xf32, #tpu.memory_space<vmem>> -> memref<64xf32, #tpu.memory_space<vmem>>
      %dma_start3A_180 = arith.constant 0 : i32
      %dma_start3A_181 = tpu.memref_slice %arg3[%squeeze3A_164, %squeeze3A_166, %dma_start3A_180] : memref<100000x8x64xf32, #tpu.memory_space<hbm>> -> memref<1x1x64xf32, #tpu.memory_space<hbm>>
      %dma_start3A_182 = tpu.memref_squeeze %dma_start3A_181 : memref<1x1x64xf32, #tpu.memory_space<hbm>> -> memref<64xf32, #tpu.memory_space<hbm>>
      tpu.enqueue_dma source(%dma_start3A_182 : memref<64xf32, #tpu.memory_space<hbm>>) target(%dma_start3A_179 : memref<64xf32, #tpu.memory_space<vmem>>) target_semaphore(%arg9 : memref<!tpu.dma_semaphore, #tpu.memory_space<semaphore_mem>>)
      %mul3A_183 = arith.constant 16 : i32
      %mul3A_184 = arith.muli %scan3A_78, %mul3A_183 : i32
      %add3A_185 = arith.constant 4 : i32
      %add3A_186 = arith.addi %mul3A_184, %add3A_185 : i32
      %slice3A_187 = vector.extract_strided_slice %shift_right_logical3A_86 {offsets = [4], sizes = [1], strides = [1]} : vector<16xi32> to vector<1xi32>
      %squeeze3A_188 = vector.extract %slice3A_187[0] : i32 from vector<1xi32>
      %slice3A_189 = vector.extract_strided_slice %and3A_89 {offsets = [4], sizes = [1], strides = [1]} : vector<16xi32> to vector<1xi32>
      %squeeze3A_190 = vector.extract %slice3A_189[0] : i32 from vector<1xi32>
      %div3A_191 = arith.constant 8 : i32
      %div3A_192 = arith.divsi %add3A_186, %div3A_191 : i32
      %rem3A_193 = arith.constant 8 : i32
      %rem3A_194 = arith.remsi %add3A_186, %rem3A_193 : i32
      %dma_start3A_195 = arith.constant 0 : i32
      %dma_start3A_196 = tpu.memref_slice %arg7[%div3A_192, %rem3A_194, %dma_start3A_195] : memref<16x8x64xf32, #tpu.memory_space<vmem>> -> memref<1x1x64xf32, #tpu.memory_space<vmem>>
      %dma_start3A_197 = tpu.memref_squeeze %dma_start3A_196 : memref<1x1x64xf32, #tpu.memory_space<vmem>> -> memref<64xf32, #tpu.memory_space<vmem>>
      %dma_start3A_198 = arith.constant 0 : i32
      %dma_start3A_199 = tpu.memref_slice %arg3[%squeeze3A_188, %squeeze3A_190, %dma_start3A_198] : memref<100000x8x64xf32, #tpu.memory_space<hbm>> -> memref<1x1x64xf32, #tpu.memory_space<hbm>>
      %dma_start3A_200 = tpu.memref_squeeze %dma_start3A_199 : memref<1x1x64xf32, #tpu.memory_space<hbm>> -> memref<64xf32, #tpu.memory_space<hbm>>
      %dma_start3A_201 = arith.constant 0 : i32
      %dma_start3A_202 = tpu.memref_slice %arg7[%div3A_192, %rem3A_194, %dma_start3A_201] : memref<16x8x64xf32, #tpu.memory_space<vmem>> -> memref<1x1x64xf32, #tpu.memory_space<vmem>>
      %dma_start3A_203 = tpu.memref_squeeze %dma_start3A_202 : memref<1x1x64xf32, #tpu.memory_space<vmem>> -> memref<64xf32, #tpu.memory_space<vmem>>
      %dma_start3A_204 = arith.constant 0 : i32
      %dma_start3A_205 = tpu.memref_slice %arg3[%squeeze3A_188, %squeeze3A_190, %dma_start3A_204] : memref<100000x8x64xf32, #tpu.memory_space<hbm>> -> memref<1x1x64xf32, #tpu.memory_space<hbm>>
      %dma_start3A_206 = tpu.memref_squeeze %dma_start3A_205 : memref<1x1x64xf32, #tpu.memory_space<hbm>> -> memref<64xf32, #tpu.memory_space<hbm>>
      tpu.enqueue_dma source(%dma_start3A_206 : memref<64xf32, #tpu.memory_space<hbm>>) target(%dma_start3A_203 : memref<64xf32, #tpu.memory_space<vmem>>) target_semaphore(%arg9 : memref<!tpu.dma_semaphore, #tpu.memory_space<semaphore_mem>>)
      %mul3A_207 = arith.constant 16 : i32
      %mul3A_208 = arith.muli %scan3A_78, %mul3A_207 : i32
      %add3A_209 = arith.constant 5 : i32
      %add3A_210 = arith.addi %mul3A_208, %add3A_209 : i32
      %slice3A_211 = vector.extract_strided_slice %shift_right_logical3A_86 {offsets = [5], sizes = [1], strides = [1]} : vector<16xi32> to vector<1xi32>
      %squeeze3A_212 = vector.extract %slice3A_211[0] : i32 from vector<1xi32>
      %slice3A_213 = vector.extract_strided_slice %and3A_89 {offsets = [5], sizes = [1], strides = [1]} : vector<16xi32> to vector<1xi32>
      %squeeze3A_214 = vector.extract %slice3A_213[0] : i32 from vector<1xi32>
      %div3A_215 = arith.constant 8 : i32
      %div3A_216 = arith.divsi %add3A_210, %div3A_215 : i32
      %rem3A_217 = arith.constant 8 : i32
      %rem3A_218 = arith.remsi %add3A_210, %rem3A_217 : i32
      %dma_start3A_219 = arith.constant 0 : i32
      %dma_start3A_220 = tpu.memref_slice %arg7[%div3A_216, %rem3A_218, %dma_start3A_219] : memref<16x8x64xf32, #tpu.memory_space<vmem>> -> memref<1x1x64xf32, #tpu.memory_space<vmem>>
      %dma_start3A_221 = tpu.memref_squeeze %dma_start3A_220 : memref<1x1x64xf32, #tpu.memory_space<vmem>> -> memref<64xf32, #tpu.memory_space<vmem>>
      %dma_start3A_222 = arith.constant 0 : i32
      %dma_start3A_223 = tpu.memref_slice %arg3[%squeeze3A_212, %squeeze3A_214, %dma_start3A_222] : memref<100000x8x64xf32, #tpu.memory_space<hbm>> -> memref<1x1x64xf32, #tpu.memory_space<hbm>>
      %dma_start3A_224 = tpu.memref_squeeze %dma_start3A_223 : memref<1x1x64xf32, #tpu.memory_space<hbm>> -> memref<64xf32, #tpu.memory_space<hbm>>
      %dma_start3A_225 = arith.constant 0 : i32
      %dma_start3A_226 = tpu.memref_slice %arg7[%div3A_216, %rem3A_218, %dma_start3A_225] : memref<16x8x64xf32, #tpu.memory_space<vmem>> -> memref<1x1x64xf32, #tpu.memory_space<vmem>>
      %dma_start3A_227 = tpu.memref_squeeze %dma_start3A_226 : memref<1x1x64xf32, #tpu.memory_space<vmem>> -> memref<64xf32, #tpu.memory_space<vmem>>
      %dma_start3A_228 = arith.constant 0 : i32
      %dma_start3A_229 = tpu.memref_slice %arg3[%squeeze3A_212, %squeeze3A_214, %dma_start3A_228] : memref<100000x8x64xf32, #tpu.memory_space<hbm>> -> memref<1x1x64xf32, #tpu.memory_space<hbm>>
      %dma_start3A_230 = tpu.memref_squeeze %dma_start3A_229 : memref<1x1x64xf32, #tpu.memory_space<hbm>> -> memref<64xf32, #tpu.memory_space<hbm>>
      tpu.enqueue_dma source(%dma_start3A_230 : memref<64xf32, #tpu.memory_space<hbm>>) target(%dma_start3A_227 : memref<64xf32, #tpu.memory_space<vmem>>) target_semaphore(%arg9 : memref<!tpu.dma_semaphore, #tpu.memory_space<semaphore_mem>>)
      %mul3A_231 = arith.constant 16 : i32
      %mul3A_232 = arith.muli %scan3A_78, %mul3A_231 : i32
      %add3A_233 = arith.constant 6 : i32
      %add3A_234 = arith.addi %mul3A_232, %add3A_233 : i32
      %slice3A_235 = vector.extract_strided_slice %shift_right_logical3A_86 {offsets = [6], sizes = [1], strides = [1]} : vector<16xi32> to vector<1xi32>
      %squeeze3A_236 = vector.extract %slice3A_235[0] : i32 from vector<1xi32>
      %slice3A_237 = vector.extract_strided_slice %and3A_89 {offsets = [6], sizes = [1], strides = [1]} : vector<16xi32> to vector<1xi32>
      %squeeze3A_238 = vector.extract %slice3A_237[0] : i32 from vector<1xi32>
      %div3A_239 = arith.constant 8 : i32
      %div3A_240 = arith.divsi %add3A_234, %div3A_239 : i32
      %rem3A_241 = arith.constant 8 : i32
      %rem3A_242 = arith.remsi %add3A_234, %rem3A_241 : i32
      %dma_start3A_243 = arith.constant 0 : i32
      %dma_start3A_244 = tpu.memref_slice %arg7[%div3A_240, %rem3A_242, %dma_start3A_243] : memref<16x8x64xf32, #tpu.memory_space<vmem>> -> memref<1x1x64xf32, #tpu.memory_space<vmem>>
      %dma_start3A_245 = tpu.memref_squeeze %dma_start3A_244 : memref<1x1x64xf32, #tpu.memory_space<vmem>> -> memref<64xf32, #tpu.memory_space<vmem>>
      %dma_start3A_246 = arith.constant 0 : i32
      %dma_start3A_247 = tpu.memref_slice %arg3[%squeeze3A_236, %squeeze3A_238, %dma_start3A_246] : memref<100000x8x64xf32, #tpu.memory_space<hbm>> -> memref<1x1x64xf32, #tpu.memory_space<hbm>>
      %dma_start3A_248 = tpu.memref_squeeze %dma_start3A_247 : memref<1x1x64xf32, #tpu.memory_space<hbm>> -> memref<64xf32, #tpu.memory_space<hbm>>
      %dma_start3A_249 = arith.constant 0 : i32
      %dma_start3A_250 = tpu.memref_slice %arg7[%div3A_240, %rem3A_242, %dma_start3A_249] : memref<16x8x64xf32, #tpu.memory_space<vmem>> -> memref<1x1x64xf32, #tpu.memory_space<vmem>>
      %dma_start3A_251 = tpu.memref_squeeze %dma_start3A_250 : memref<1x1x64xf32, #tpu.memory_space<vmem>> -> memref<64xf32, #tpu.memory_space<vmem>>
      %dma_start3A_252 = arith.constant 0 : i32
      %dma_start3A_253 = tpu.memref_slice %arg3[%squeeze3A_236, %squeeze3A_238, %dma_start3A_252] : memref<100000x8x64xf32, #tpu.memory_space<hbm>> -> memref<1x1x64xf32, #tpu.memory_space<hbm>>
      %dma_start3A_254 = tpu.memref_squeeze %dma_start3A_253 : memref<1x1x64xf32, #tpu.memory_space<hbm>> -> memref<64xf32, #tpu.memory_space<hbm>>
      tpu.enqueue_dma source(%dma_start3A_254 : memref<64xf32, #tpu.memory_space<hbm>>) target(%dma_start3A_251 : memref<64xf32, #tpu.memory_space<vmem>>) target_semaphore(%arg9 : memref<!tpu.dma_semaphore, #tpu.memory_space<semaphore_mem>>)
      %mul3A_255 = arith.constant 16 : i32
      %mul3A_256 = arith.muli %scan3A_78, %mul3A_255 : i32
      %add3A_257 = arith.constant 7 : i32
      %add3A_258 = arith.addi %mul3A_256, %add3A_257 : i32
      %slice3A_259 = vector.extract_strided_slice %shift_right_logical3A_86 {offsets = [7], sizes = [1], strides = [1]} : vector<16xi32> to vector<1xi32>
      %squeeze3A_260 = vector.extract %slice3A_259[0] : i32 from vector<1xi32>
      %slice3A_261 = vector.extract_strided_slice %and3A_89 {offsets = [7], sizes = [1], strides = [1]} : vector<16xi32> to vector<1xi32>
      %squeeze3A_262 = vector.extract %slice3A_261[0] : i32 from vector<1xi32>
      %div3A_263 = arith.constant 8 : i32
      %div3A_264 = arith.divsi %add3A_258, %div3A_263 : i32
      %rem3A_265 = arith.constant 8 : i32
      %rem3A_266 = arith.remsi %add3A_258, %rem3A_265 : i32
      %dma_start3A_267 = arith.constant 0 : i32
      %dma_start3A_268 = tpu.memref_slice %arg7[%div3A_264, %rem3A_266, %dma_start3A_267] : memref<16x8x64xf32, #tpu.memory_space<vmem>> -> memref<1x1x64xf32, #tpu.memory_space<vmem>>
      %dma_start3A_269 = tpu.memref_squeeze %dma_start3A_268 : memref<1x1x64xf32, #tpu.memory_space<vmem>> -> memref<64xf32, #tpu.memory_space<vmem>>
      %dma_start3A_270 = arith.constant 0 : i32
      %dma_start3A_271 = tpu.memref_slice %arg3[%squeeze3A_260, %squeeze3A_262, %dma_start3A_270] : memref<100000x8x64xf32, #tpu.memory_space<hbm>> -> memref<1x1x64xf32, #tpu.memory_space<hbm>>
      %dma_start3A_272 = tpu.memref_squeeze %dma_start3A_271 : memref<1x1x64xf32, #tpu.memory_space<hbm>> -> memref<64xf32, #tpu.memory_space<hbm>>
      %dma_start3A_273 = arith.constant 0 : i32
      %dma_start3A_274 = tpu.memref_slice %arg7[%div3A_264, %rem3A_266, %dma_start3A_273] : memref<16x8x64xf32, #tpu.memory_space<vmem>> -> memref<1x1x64xf32, #tpu.memory_space<vmem>>
      %dma_start3A_275 = tpu.memref_squeeze %dma_start3A_274 : memref<1x1x64xf32, #tpu.memory_space<vmem>> -> memref<64xf32, #tpu.memory_space<vmem>>
      %dma_start3A_276 = arith.constant 0 : i32
      %dma_start3A_277 = tpu.memref_slice %arg3[%squeeze3A_260, %squeeze3A_262, %dma_start3A_276] : memref<100000x8x64xf32, #tpu.memory_space<hbm>> -> memref<1x1x64xf32, #tpu.memory_space<hbm>>
      %dma_start3A_278 = tpu.memref_squeeze %dma_start3A_277 : memref<1x1x64xf32, #tpu.memory_space<hbm>> -> memref<64xf32, #tpu.memory_space<hbm>>
      tpu.enqueue_dma source(%dma_start3A_278 : memref<64xf32, #tpu.memory_space<hbm>>) target(%dma_start3A_275 : memref<64xf32, #tpu.memory_space<vmem>>) target_semaphore(%arg9 : memref<!tpu.dma_semaphore, #tpu.memory_space<semaphore_mem>>)
      %mul3A_279 = arith.constant 16 : i32
      %mul3A_280 = arith.muli %scan3A_78, %mul3A_279 : i32
      %add3A_281 = arith.constant 8 : i32
      %add3A_282 = arith.addi %mul3A_280, %add3A_281 : i32
      %slice3A_283 = vector.extract_strided_slice %shift_right_logical3A_86 {offsets = [8], sizes = [1], strides = [1]} : vector<16xi32> to vector<1xi32>
      %squeeze3A_284 = vector.extract %slice3A_283[0] : i32 from vector<1xi32>
      %slice3A_285 = vector.extract_strided_slice %and3A_89 {offsets = [8], sizes = [1], strides = [1]} : vector<16xi32> to vector<1xi32>
      %squeeze3A_286 = vector.extract %slice3A_285[0] : i32 from vector<1xi32>
      %div3A_287 = arith.constant 8 : i32
      %div3A_288 = arith.divsi %add3A_282, %div3A_287 : i32
      %rem3A_289 = arith.constant 8 : i32
      %rem3A_290 = arith.remsi %add3A_282, %rem3A_289 : i32
      %dma_start3A_291 = arith.constant 0 : i32
      %dma_start3A_292 = tpu.memref_slice %arg7[%div3A_288, %rem3A_290, %dma_start3A_291] : memref<16x8x64xf32, #tpu.memory_space<vmem>> -> memref<1x1x64xf32, #tpu.memory_space<vmem>>
      %dma_start3A_293 = tpu.memref_squeeze %dma_start3A_292 : memref<1x1x64xf32, #tpu.memory_space<vmem>> -> memref<64xf32, #tpu.memory_space<vmem>>
      %dma_start3A_294 = arith.constant 0 : i32
      %dma_start3A_295 = tpu.memref_slice %arg3[%squeeze3A_284, %squeeze3A_286, %dma_start3A_294] : memref<100000x8x64xf32, #tpu.memory_space<hbm>> -> memref<1x1x64xf32, #tpu.memory_space<hbm>>
      %dma_start3A_296 = tpu.memref_squeeze %dma_start3A_295 : memref<1x1x64xf32, #tpu.memory_space<hbm>> -> memref<64xf32, #tpu.memory_space<hbm>>
      %dma_start3A_297 = arith.constant 0 : i32
      %dma_start3A_298 = tpu.memref_slice %arg7[%div3A_288, %rem3A_290, %dma_start3A_297] : memref<16x8x64xf32, #tpu.memory_space<vmem>> -> memref<1x1x64xf32, #tpu.memory_space<vmem>>
      %dma_start3A_299 = tpu.memref_squeeze %dma_start3A_298 : memref<1x1x64xf32, #tpu.memory_space<vmem>> -> memref<64xf32, #tpu.memory_space<vmem>>
      %dma_start3A_300 = arith.constant 0 : i32
      %dma_start3A_301 = tpu.memref_slice %arg3[%squeeze3A_284, %squeeze3A_286, %dma_start3A_300] : memref<100000x8x64xf32, #tpu.memory_space<hbm>> -> memref<1x1x64xf32, #tpu.memory_space<hbm>>
      %dma_start3A_302 = tpu.memref_squeeze %dma_start3A_301 : memref<1x1x64xf32, #tpu.memory_space<hbm>> -> memref<64xf32, #tpu.memory_space<hbm>>
      tpu.enqueue_dma source(%dma_start3A_302 : memref<64xf32, #tpu.memory_space<hbm>>) target(%dma_start3A_299 : memref<64xf32, #tpu.memory_space<vmem>>) target_semaphore(%arg9 : memref<!tpu.dma_semaphore, #tpu.memory_space<semaphore_mem>>)
      %mul3A_303 = arith.constant 16 : i32
      %mul3A_304 = arith.muli %scan3A_78, %mul3A_303 : i32
      %add3A_305 = arith.constant 9 : i32
      %add3A_306 = arith.addi %mul3A_304, %add3A_305 : i32
      %slice3A_307 = vector.extract_strided_slice %shift_right_logical3A_86 {offsets = [9], sizes = [1], strides = [1]} : vector<16xi32> to vector<1xi32>
      %squeeze3A_308 = vector.extract %slice3A_307[0] : i32 from vector<1xi32>
      %slice3A_309 = vector.extract_strided_slice %and3A_89 {offsets = [9], sizes = [1], strides = [1]} : vector<16xi32> to vector<1xi32>
      %squeeze3A_310 = vector.extract %slice3A_309[0] : i32 from vector<1xi32>
      %div3A_311 = arith.constant 8 : i32
      %div3A_312 = arith.divsi %add3A_306, %div3A_311 : i32
      %rem3A_313 = arith.constant 8 : i32
      %rem3A_314 = arith.remsi %add3A_306, %rem3A_313 : i32
      %dma_start3A_315 = arith.constant 0 : i32
      %dma_start3A_316 = tpu.memref_slice %arg7[%div3A_312, %rem3A_314, %dma_start3A_315] : memref<16x8x64xf32, #tpu.memory_space<vmem>> -> memref<1x1x64xf32, #tpu.memory_space<vmem>>
      %dma_start3A_317 = tpu.memref_squeeze %dma_start3A_316 : memref<1x1x64xf32, #tpu.memory_space<vmem>> -> memref<64xf32, #tpu.memory_space<vmem>>
      %dma_start3A_318 = arith.constant 0 : i32
      %dma_start3A_319 = tpu.memref_slice %arg3[%squeeze3A_308, %squeeze3A_310, %dma_start3A_318] : memref<100000x8x64xf32, #tpu.memory_space<hbm>> -> memref<1x1x64xf32, #tpu.memory_space<hbm>>
      %dma_start3A_320 = tpu.memref_squeeze %dma_start3A_319 : memref<1x1x64xf32, #tpu.memory_space<hbm>> -> memref<64xf32, #tpu.memory_space<hbm>>
      %dma_start3A_321 = arith.constant 0 : i32
      %dma_start3A_322 = tpu.memref_slice %arg7[%div3A_312, %rem3A_314, %dma_start3A_321] : memref<16x8x64xf32, #tpu.memory_space<vmem>> -> memref<1x1x64xf32, #tpu.memory_space<vmem>>
      %dma_start3A_323 = tpu.memref_squeeze %dma_start3A_322 : memref<1x1x64xf32, #tpu.memory_space<vmem>> -> memref<64xf32, #tpu.memory_space<vmem>>
      %dma_start3A_324 = arith.constant 0 : i32
      %dma_start3A_325 = tpu.memref_slice %arg3[%squeeze3A_308, %squeeze3A_310, %dma_start3A_324] : memref<100000x8x64xf32, #tpu.memory_space<hbm>> -> memref<1x1x64xf32, #tpu.memory_space<hbm>>
      %dma_start3A_326 = tpu.memref_squeeze %dma_start3A_325 : memref<1x1x64xf32, #tpu.memory_space<hbm>> -> memref<64xf32, #tpu.memory_space<hbm>>
      tpu.enqueue_dma source(%dma_start3A_326 : memref<64xf32, #tpu.memory_space<hbm>>) target(%dma_start3A_323 : memref<64xf32, #tpu.memory_space<vmem>>) target_semaphore(%arg9 : memref<!tpu.dma_semaphore, #tpu.memory_space<semaphore_mem>>)
      %mul3A_327 = arith.constant 16 : i32
      %mul3A_328 = arith.muli %scan3A_78, %mul3A_327 : i32
      %add3A_329 = arith.constant 10 : i32
      %add3A_330 = arith.addi %mul3A_328, %add3A_329 : i32
      %slice3A_331 = vector.extract_strided_slice %shift_right_logical3A_86 {offsets = [10], sizes = [1], strides = [1]} : vector<16xi32> to vector<1xi32>
      %squeeze3A_332 = vector.extract %slice3A_331[0] : i32 from vector<1xi32>
      %slice3A_333 = vector.extract_strided_slice %and3A_89 {offsets = [10], sizes = [1], strides = [1]} : vector<16xi32> to vector<1xi32>
      %squeeze3A_334 = vector.extract %slice3A_333[0] : i32 from vector<1xi32>
      %div3A_335 = arith.constant 8 : i32
      %div3A_336 = arith.divsi %add3A_330, %div3A_335 : i32
      %rem3A_337 = arith.constant 8 : i32
      %rem3A_338 = arith.remsi %add3A_330, %rem3A_337 : i32
      %dma_start3A_339 = arith.constant 0 : i32
      %dma_start3A_340 = tpu.memref_slice %arg7[%div3A_336, %rem3A_338, %dma_start3A_339] : memref<16x8x64xf32, #tpu.memory_space<vmem>> -> memref<1x1x64xf32, #tpu.memory_space<vmem>>
      %dma_start3A_341 = tpu.memref_squeeze %dma_start3A_340 : memref<1x1x64xf32, #tpu.memory_space<vmem>> -> memref<64xf32, #tpu.memory_space<vmem>>
      %dma_start3A_342 = arith.constant 0 : i32
      %dma_start3A_343 = tpu.memref_slice %arg3[%squeeze3A_332, %squeeze3A_334, %dma_start3A_342] : memref<100000x8x64xf32, #tpu.memory_space<hbm>> -> memref<1x1x64xf32, #tpu.memory_space<hbm>>
      %dma_start3A_344 = tpu.memref_squeeze %dma_start3A_343 : memref<1x1x64xf32, #tpu.memory_space<hbm>> -> memref<64xf32, #tpu.memory_space<hbm>>
      %dma_start3A_345 = arith.constant 0 : i32
      %dma_start3A_346 = tpu.memref_slice %arg7[%div3A_336, %rem3A_338, %dma_start3A_345] : memref<16x8x64xf32, #tpu.memory_space<vmem>> -> memref<1x1x64xf32, #tpu.memory_space<vmem>>
      %dma_start3A_347 = tpu.memref_squeeze %dma_start3A_346 : memref<1x1x64xf32, #tpu.memory_space<vmem>> -> memref<64xf32, #tpu.memory_space<vmem>>
      %dma_start3A_348 = arith.constant 0 : i32
      %dma_start3A_349 = tpu.memref_slice %arg3[%squeeze3A_332, %squeeze3A_334, %dma_start3A_348] : memref<100000x8x64xf32, #tpu.memory_space<hbm>> -> memref<1x1x64xf32, #tpu.memory_space<hbm>>
      %dma_start3A_350 = tpu.memref_squeeze %dma_start3A_349 : memref<1x1x64xf32, #tpu.memory_space<hbm>> -> memref<64xf32, #tpu.memory_space<hbm>>
      tpu.enqueue_dma source(%dma_start3A_350 : memref<64xf32, #tpu.memory_space<hbm>>) target(%dma_start3A_347 : memref<64xf32, #tpu.memory_space<vmem>>) target_semaphore(%arg9 : memref<!tpu.dma_semaphore, #tpu.memory_space<semaphore_mem>>)
      %mul3A_351 = arith.constant 16 : i32
      %mul3A_352 = arith.muli %scan3A_78, %mul3A_351 : i32
      %add3A_353 = arith.constant 11 : i32
      %add3A_354 = arith.addi %mul3A_352, %add3A_353 : i32
      %slice3A_355 = vector.extract_strided_slice %shift_right_logical3A_86 {offsets = [11], sizes = [1], strides = [1]} : vector<16xi32> to vector<1xi32>
      %squeeze3A_356 = vector.extract %slice3A_355[0] : i32 from vector<1xi32>
      %slice3A_357 = vector.extract_strided_slice %and3A_89 {offsets = [11], sizes = [1], strides = [1]} : vector<16xi32> to vector<1xi32>
      %squeeze3A_358 = vector.extract %slice3A_357[0] : i32 from vector<1xi32>
      %div3A_359 = arith.constant 8 : i32
      %div3A_360 = arith.divsi %add3A_354, %div3A_359 : i32
      %rem3A_361 = arith.constant 8 : i32
      %rem3A_362 = arith.remsi %add3A_354, %rem3A_361 : i32
      %dma_start3A_363 = arith.constant 0 : i32
      %dma_start3A_364 = tpu.memref_slice %arg7[%div3A_360, %rem3A_362, %dma_start3A_363] : memref<16x8x64xf32, #tpu.memory_space<vmem>> -> memref<1x1x64xf32, #tpu.memory_space<vmem>>
      %dma_start3A_365 = tpu.memref_squeeze %dma_start3A_364 : memref<1x1x64xf32, #tpu.memory_space<vmem>> -> memref<64xf32, #tpu.memory_space<vmem>>
      %dma_start3A_366 = arith.constant 0 : i32
      %dma_start3A_367 = tpu.memref_slice %arg3[%squeeze3A_356, %squeeze3A_358, %dma_start3A_366] : memref<100000x8x64xf32, #tpu.memory_space<hbm>> -> memref<1x1x64xf32, #tpu.memory_space<hbm>>
      %dma_start3A_368 = tpu.memref_squeeze %dma_start3A_367 : memref<1x1x64xf32, #tpu.memory_space<hbm>> -> memref<64xf32, #tpu.memory_space<hbm>>
      %dma_start3A_369 = arith.constant 0 : i32
      %dma_start3A_370 = tpu.memref_slice %arg7[%div3A_360, %rem3A_362, %dma_start3A_369] : memref<16x8x64xf32, #tpu.memory_space<vmem>> -> memref<1x1x64xf32, #tpu.memory_space<vmem>>
      %dma_start3A_371 = tpu.memref_squeeze %dma_start3A_370 : memref<1x1x64xf32, #tpu.memory_space<vmem>> -> memref<64xf32, #tpu.memory_space<vmem>>
      %dma_start3A_372 = arith.constant 0 : i32
      %dma_start3A_373 = tpu.memref_slice %arg3[%squeeze3A_356, %squeeze3A_358, %dma_start3A_372] : memref<100000x8x64xf32, #tpu.memory_space<hbm>> -> memref<1x1x64xf32, #tpu.memory_space<hbm>>
      %dma_start3A_374 = tpu.memref_squeeze %dma_start3A_373 : memref<1x1x64xf32, #tpu.memory_space<hbm>> -> memref<64xf32, #tpu.memory_space<hbm>>
      tpu.enqueue_dma source(%dma_start3A_374 : memref<64xf32, #tpu.memory_space<hbm>>) target(%dma_start3A_371 : memref<64xf32, #tpu.memory_space<vmem>>) target_semaphore(%arg9 : memref<!tpu.dma_semaphore, #tpu.memory_space<semaphore_mem>>)
      %mul3A_375 = arith.constant 16 : i32
      %mul3A_376 = arith.muli %scan3A_78, %mul3A_375 : i32
      %add3A_377 = arith.constant 12 : i32
      %add3A_378 = arith.addi %mul3A_376, %add3A_377 : i32
      %slice3A_379 = vector.extract_strided_slice %shift_right_logical3A_86 {offsets = [12], sizes = [1], strides = [1]} : vector<16xi32> to vector<1xi32>
      %squeeze3A_380 = vector.extract %slice3A_379[0] : i32 from vector<1xi32>
      %slice3A_381 = vector.extract_strided_slice %and3A_89 {offsets = [12], sizes = [1], strides = [1]} : vector<16xi32> to vector<1xi32>
      %squeeze3A_382 = vector.extract %slice3A_381[0] : i32 from vector<1xi32>
      %div3A_383 = arith.constant 8 : i32
      %div3A_384 = arith.divsi %add3A_378, %div3A_383 : i32
      %rem3A_385 = arith.constant 8 : i32
      %rem3A_386 = arith.remsi %add3A_378, %rem3A_385 : i32
      %dma_start3A_387 = arith.constant 0 : i32
      %dma_start3A_388 = tpu.memref_slice %arg7[%div3A_384, %rem3A_386, %dma_start3A_387] : memref<16x8x64xf32, #tpu.memory_space<vmem>> -> memref<1x1x64xf32, #tpu.memory_space<vmem>>
      %dma_start3A_389 = tpu.memref_squeeze %dma_start3A_388 : memref<1x1x64xf32, #tpu.memory_space<vmem>> -> memref<64xf32, #tpu.memory_space<vmem>>
      %dma_start3A_390 = arith.constant 0 : i32
      %dma_start3A_391 = tpu.memref_slice %arg3[%squeeze3A_380, %squeeze3A_382, %dma_start3A_390] : memref<100000x8x64xf32, #tpu.memory_space<hbm>> -> memref<1x1x64xf32, #tpu.memory_space<hbm>>
      %dma_start3A_392 = tpu.memref_squeeze %dma_start3A_391 : memref<1x1x64xf32, #tpu.memory_space<hbm>> -> memref<64xf32, #tpu.memory_space<hbm>>
      %dma_start3A_393 = arith.constant 0 : i32
      %dma_start3A_394 = tpu.memref_slice %arg7[%div3A_384, %rem3A_386, %dma_start3A_393] : memref<16x8x64xf32, #tpu.memory_space<vmem>> -> memref<1x1x64xf32, #tpu.memory_space<vmem>>
      %dma_start3A_395 = tpu.memref_squeeze %dma_start3A_394 : memref<1x1x64xf32, #tpu.memory_space<vmem>> -> memref<64xf32, #tpu.memory_space<vmem>>
      %dma_start3A_396 = arith.constant 0 : i32
      %dma_start3A_397 = tpu.memref_slice %arg3[%squeeze3A_380, %squeeze3A_382, %dma_start3A_396] : memref<100000x8x64xf32, #tpu.memory_space<hbm>> -> memref<1x1x64xf32, #tpu.memory_space<hbm>>
      %dma_start3A_398 = tpu.memref_squeeze %dma_start3A_397 : memref<1x1x64xf32, #tpu.memory_space<hbm>> -> memref<64xf32, #tpu.memory_space<hbm>>
      tpu.enqueue_dma source(%dma_start3A_398 : memref<64xf32, #tpu.memory_space<hbm>>) target(%dma_start3A_395 : memref<64xf32, #tpu.memory_space<vmem>>) target_semaphore(%arg9 : memref<!tpu.dma_semaphore, #tpu.memory_space<semaphore_mem>>)
      %mul3A_399 = arith.constant 16 : i32
      %mul3A_400 = arith.muli %scan3A_78, %mul3A_399 : i32
      %add3A_401 = arith.constant 13 : i32
      %add3A_402 = arith.addi %mul3A_400, %add3A_401 : i32
      %slice3A_403 = vector.extract_strided_slice %shift_right_logical3A_86 {offsets = [13], sizes = [1], strides = [1]} : vector<16xi32> to vector<1xi32>
      %squeeze3A_404 = vector.extract %slice3A_403[0] : i32 from vector<1xi32>
      %slice3A_405 = vector.extract_strided_slice %and3A_89 {offsets = [13], sizes = [1], strides = [1]} : vector<16xi32> to vector<1xi32>
      %squeeze3A_406 = vector.extract %slice3A_405[0] : i32 from vector<1xi32>
      %div3A_407 = arith.constant 8 : i32
      %div3A_408 = arith.divsi %add3A_402, %div3A_407 : i32
      %rem3A_409 = arith.constant 8 : i32
      %rem3A_410 = arith.remsi %add3A_402, %rem3A_409 : i32
      %dma_start3A_411 = arith.constant 0 : i32
      %dma_start3A_412 = tpu.memref_slice %arg7[%div3A_408, %rem3A_410, %dma_start3A_411] : memref<16x8x64xf32, #tpu.memory_space<vmem>> -> memref<1x1x64xf32, #tpu.memory_space<vmem>>
      %dma_start3A_413 = tpu.memref_squeeze %dma_start3A_412 : memref<1x1x64xf32, #tpu.memory_space<vmem>> -> memref<64xf32, #tpu.memory_space<vmem>>
      %dma_start3A_414 = arith.constant 0 : i32
      %dma_start3A_415 = tpu.memref_slice %arg3[%squeeze3A_404, %squeeze3A_406, %dma_start3A_414] : memref<100000x8x64xf32, #tpu.memory_space<hbm>> -> memref<1x1x64xf32, #tpu.memory_space<hbm>>
      %dma_start3A_416 = tpu.memref_squeeze %dma_start3A_415 : memref<1x1x64xf32, #tpu.memory_space<hbm>> -> memref<64xf32, #tpu.memory_space<hbm>>
      %dma_start3A_417 = arith.constant 0 : i32
      %dma_start3A_418 = tpu.memref_slice %arg7[%div3A_408, %rem3A_410, %dma_start3A_417] : memref<16x8x64xf32, #tpu.memory_space<vmem>> -> memref<1x1x64xf32, #tpu.memory_space<vmem>>
      %dma_start3A_419 = tpu.memref_squeeze %dma_start3A_418 : memref<1x1x64xf32, #tpu.memory_space<vmem>> -> memref<64xf32, #tpu.memory_space<vmem>>
      %dma_start3A_420 = arith.constant 0 : i32
      %dma_start3A_421 = tpu.memref_slice %arg3[%squeeze3A_404, %squeeze3A_406, %dma_start3A_420] : memref<100000x8x64xf32, #tpu.memory_space<hbm>> -> memref<1x1x64xf32, #tpu.memory_space<hbm>>
      %dma_start3A_422 = tpu.memref_squeeze %dma_start3A_421 : memref<1x1x64xf32, #tpu.memory_space<hbm>> -> memref<64xf32, #tpu.memory_space<hbm>>
      tpu.enqueue_dma source(%dma_start3A_422 : memref<64xf32, #tpu.memory_space<hbm>>) target(%dma_start3A_419 : memref<64xf32, #tpu.memory_space<vmem>>) target_semaphore(%arg9 : memref<!tpu.dma_semaphore, #tpu.memory_space<semaphore_mem>>)
      %mul3A_423 = arith.constant 16 : i32
      %mul3A_424 = arith.muli %scan3A_78, %mul3A_423 : i32
      %add3A_425 = arith.constant 14 : i32
      %add3A_426 = arith.addi %mul3A_424, %add3A_425 : i32
      %slice3A_427 = vector.extract_strided_slice %shift_right_logical3A_86 {offsets = [14], sizes = [1], strides = [1]} : vector<16xi32> to vector<1xi32>
      %squeeze3A_428 = vector.extract %slice3A_427[0] : i32 from vector<1xi32>
      %slice3A_429 = vector.extract_strided_slice %and3A_89 {offsets = [14], sizes = [1], strides = [1]} : vector<16xi32> to vector<1xi32>
      %squeeze3A_430 = vector.extract %slice3A_429[0] : i32 from vector<1xi32>
      %div3A_431 = arith.constant 8 : i32
      %div3A_432 = arith.divsi %add3A_426, %div3A_431 : i32
      %rem3A_433 = arith.constant 8 : i32
      %rem3A_434 = arith.remsi %add3A_426, %rem3A_433 : i32
      %dma_start3A_435 = arith.constant 0 : i32
      %dma_start3A_436 = tpu.memref_slice %arg7[%div3A_432, %rem3A_434, %dma_start3A_435] : memref<16x8x64xf32, #tpu.memory_space<vmem>> -> memref<1x1x64xf32, #tpu.memory_space<vmem>>
      %dma_start3A_437 = tpu.memref_squeeze %dma_start3A_436 : memref<1x1x64xf32, #tpu.memory_space<vmem>> -> memref<64xf32, #tpu.memory_space<vmem>>
      %dma_start3A_438 = arith.constant 0 : i32
      %dma_start3A_439 = tpu.memref_slice %arg3[%squeeze3A_428, %squeeze3A_430, %dma_start3A_438] : memref<100000x8x64xf32, #tpu.memory_space<hbm>> -> memref<1x1x64xf32, #tpu.memory_space<hbm>>
      %dma_start3A_440 = tpu.memref_squeeze %dma_start3A_439 : memref<1x1x64xf32, #tpu.memory_space<hbm>> -> memref<64xf32, #tpu.memory_space<hbm>>
      %dma_start3A_441 = arith.constant 0 : i32
      %dma_start3A_442 = tpu.memref_slice %arg7[%div3A_432, %rem3A_434, %dma_start3A_441] : memref<16x8x64xf32, #tpu.memory_space<vmem>> -> memref<1x1x64xf32, #tpu.memory_space<vmem>>
      %dma_start3A_443 = tpu.memref_squeeze %dma_start3A_442 : memref<1x1x64xf32, #tpu.memory_space<vmem>> -> memref<64xf32, #tpu.memory_space<vmem>>
      %dma_start3A_444 = arith.constant 0 : i32
      %dma_start3A_445 = tpu.memref_slice %arg3[%squeeze3A_428, %squeeze3A_430, %dma_start3A_444] : memref<100000x8x64xf32, #tpu.memory_space<hbm>> -> memref<1x1x64xf32, #tpu.memory_space<hbm>>
      %dma_start3A_446 = tpu.memref_squeeze %dma_start3A_445 : memref<1x1x64xf32, #tpu.memory_space<hbm>> -> memref<64xf32, #tpu.memory_space<hbm>>
      tpu.enqueue_dma source(%dma_start3A_446 : memref<64xf32, #tpu.memory_space<hbm>>) target(%dma_start3A_443 : memref<64xf32, #tpu.memory_space<vmem>>) target_semaphore(%arg9 : memref<!tpu.dma_semaphore, #tpu.memory_space<semaphore_mem>>)
      %mul3A_447 = arith.constant 16 : i32
      %mul3A_448 = arith.muli %scan3A_78, %mul3A_447 : i32
      %add3A_449 = arith.constant 15 : i32
      %add3A_450 = arith.addi %mul3A_448, %add3A_449 : i32
      %slice3A_451 = vector.extract_strided_slice %shift_right_logical3A_86 {offsets = [15], sizes = [1], strides = [1]} : vector<16xi32> to vector<1xi32>
      %squeeze3A_452 = vector.extract %slice3A_451[0] : i32 from vector<1xi32>
      %slice3A_453 = vector.extract_strided_slice %and3A_89 {offsets = [15], sizes = [1], strides = [1]} : vector<16xi32> to vector<1xi32>
      %squeeze3A_454 = vector.extract %slice3A_453[0] : i32 from vector<1xi32>
      %div3A_455 = arith.constant 8 : i32
      %div3A_456 = arith.divsi %add3A_450, %div3A_455 : i32
      %rem3A_457 = arith.constant 8 : i32
      %rem3A_458 = arith.remsi %add3A_450, %rem3A_457 : i32
      %dma_start3A_459 = arith.constant 0 : i32
      %dma_start3A_460 = tpu.memref_slice %arg7[%div3A_456, %rem3A_458, %dma_start3A_459] : memref<16x8x64xf32, #tpu.memory_space<vmem>> -> memref<1x1x64xf32, #tpu.memory_space<vmem>>
      %dma_start3A_461 = tpu.memref_squeeze %dma_start3A_460 : memref<1x1x64xf32, #tpu.memory_space<vmem>> -> memref<64xf32, #tpu.memory_space<vmem>>
      %dma_start3A_462 = arith.constant 0 : i32
      %dma_start3A_463 = tpu.memref_slice %arg3[%squeeze3A_452, %squeeze3A_454, %dma_start3A_462] : memref<100000x8x64xf32, #tpu.memory_space<hbm>> -> memref<1x1x64xf32, #tpu.memory_space<hbm>>
      %dma_start3A_464 = tpu.memref_squeeze %dma_start3A_463 : memref<1x1x64xf32, #tpu.memory_space<hbm>> -> memref<64xf32, #tpu.memory_space<hbm>>
      %dma_start3A_465 = arith.constant 0 : i32
      %dma_start3A_466 = tpu.memref_slice %arg7[%div3A_456, %rem3A_458, %dma_start3A_465] : memref<16x8x64xf32, #tpu.memory_space<vmem>> -> memref<1x1x64xf32, #tpu.memory_space<vmem>>
      %dma_start3A_467 = tpu.memref_squeeze %dma_start3A_466 : memref<1x1x64xf32, #tpu.memory_space<vmem>> -> memref<64xf32, #tpu.memory_space<vmem>>
      %dma_start3A_468 = arith.constant 0 : i32
      %dma_start3A_469 = tpu.memref_slice %arg3[%squeeze3A_452, %squeeze3A_454, %dma_start3A_468] : memref<100000x8x64xf32, #tpu.memory_space<hbm>> -> memref<1x1x64xf32, #tpu.memory_space<hbm>>
      %dma_start3A_470 = tpu.memref_squeeze %dma_start3A_469 : memref<1x1x64xf32, #tpu.memory_space<hbm>> -> memref<64xf32, #tpu.memory_space<hbm>>
      tpu.enqueue_dma source(%dma_start3A_470 : memref<64xf32, #tpu.memory_space<hbm>>) target(%dma_start3A_467 : memref<64xf32, #tpu.memory_space<vmem>>) target_semaphore(%arg9 : memref<!tpu.dma_semaphore, #tpu.memory_space<semaphore_mem>>)
    }
    %scan3A_19 = arith.constant 8 : i32
    %scan3A_20 = arith.constant 0 : i32
    %scan3A_21 = arith.constant 0 : i32
    %scan3A_22 = arith.constant 8 : i32
    %scan3A_23 = arith.addi %scan3A_21, %scan3A_22 : i32
    %scan3A_24 = arith.constant 1 : i32
    scf.for %scan3A_78 = %scan3A_21 to %scan3A_23 step %scan3A_24  : i32 {
      %mul3A_79 = arith.constant 16 : i32
      %mul3A_80 = arith.muli %scan3A_78, %mul3A_79 : i32
      %get3A = arith.constant 1 : i32
      %get3A_81 = arith.index_cast %get3A : i32 to index
      %get3A_82 = arith.index_cast %mul3A_80 : i32 to index
      %get3A_83 = tpu.vector_load %arg6[%get3A_81, %get3A_82] {strides = array<i32>} : memref<32x128xi32, #tpu.memory_space<vmem>>, vector<1x16xi32>,
      %get3A_84 = vector.shape_cast %get3A_83 : vector<1x16xi32> to vector<16xi32>
      %shift_right_logical3A = arith.constant 3 : i32
      %shift_right_logical3A_85 = vector.broadcast %shift_right_logical3A : i32 to vector<16xi32>
      %shift_right_logical3A_86 = arith.shrui %get3A_84, %shift_right_logical3A_85 : vector<16xi32>
      %and3A_87 = arith.constant 7 : i32
      %and3A_88 = vector.broadcast %and3A_87 : i32 to vector<16xi32>
      %and3A_89 = arith.andi %get3A_84, %and3A_88 : vector<16xi32>
      %mul3A_90 = arith.constant 16 : i32
      %mul3A_91 = arith.muli %scan3A_78, %mul3A_90 : i32
      %add3A_92 = arith.constant 0 : i32
      %add3A_93 = arith.addi %mul3A_91, %add3A_92 : i32
      %slice3A = vector.extract_strided_slice %shift_right_logical3A_86 {offsets = [0], sizes = [1], strides = [1]} : vector<16xi32> to vector<1xi32>
      %squeeze3A = vector.extract %slice3A[0] : i32 from vector<1xi32>
      %slice3A_94 = vector.extract_strided_slice %and3A_89 {offsets = [0], sizes = [1], strides = [1]} : vector<16xi32> to vector<1xi32>
      %squeeze3A_95 = vector.extract %slice3A_94[0] : i32 from vector<1xi32>
      %div3A_96 = arith.constant 8 : i32
      %div3A_97 = arith.divsi %add3A_93, %div3A_96 : i32
      %rem3A_98 = arith.constant 8 : i32
      %rem3A_99 = arith.remsi %add3A_93, %rem3A_98 : i32
      %dma_start3A = arith.constant 0 : i32
      %dma_start3A_100 = tpu.memref_slice %arg8[%div3A_97, %rem3A_99, %dma_start3A] : memref<16x8x64xf32, #tpu.memory_space<vmem>> -> memref<1x1x64xf32, #tpu.memory_space<vmem>>
      %dma_start3A_101 = tpu.memref_squeeze %dma_start3A_100 : memref<1x1x64xf32, #tpu.memory_space<vmem>> -> memref<64xf32, #tpu.memory_space<vmem>>
      %dma_start3A_102 = arith.constant 0 : i32
      %dma_start3A_103 = tpu.memref_slice %arg3[%squeeze3A, %squeeze3A_95, %dma_start3A_102] : memref<100000x8x64xf32, #tpu.memory_space<hbm>> -> memref<1x1x64xf32, #tpu.memory_space<hbm>>
      %dma_start3A_104 = tpu.memref_squeeze %dma_start3A_103 : memref<1x1x64xf32, #tpu.memory_space<hbm>> -> memref<64xf32, #tpu.memory_space<hbm>>
      %dma_start3A_105 = arith.constant 0 : i32
      %dma_start3A_106 = tpu.memref_slice %arg8[%div3A_97, %rem3A_99, %dma_start3A_105] : memref<16x8x64xf32, #tpu.memory_space<vmem>> -> memref<1x1x64xf32, #tpu.memory_space<vmem>>
      %dma_start3A_107 = tpu.memref_squeeze %dma_start3A_106 : memref<1x1x64xf32, #tpu.memory_space<vmem>> -> memref<64xf32, #tpu.memory_space<vmem>>
      %dma_start3A_108 = arith.constant 0 : i32
      %dma_start3A_109 = tpu.memref_slice %arg3[%squeeze3A, %squeeze3A_95, %dma_start3A_108] : memref<100000x8x64xf32, #tpu.memory_space<hbm>> -> memref<1x1x64xf32, #tpu.memory_space<hbm>>
      %dma_start3A_110 = tpu.memref_squeeze %dma_start3A_109 : memref<1x1x64xf32, #tpu.memory_space<hbm>> -> memref<64xf32, #tpu.memory_space<hbm>>
      tpu.enqueue_dma source(%dma_start3A_110 : memref<64xf32, #tpu.memory_space<hbm>>) target(%dma_start3A_107 : memref<64xf32, #tpu.memory_space<vmem>>) target_semaphore(%arg10 : memref<!tpu.dma_semaphore, #tpu.memory_space<semaphore_mem>>)
      %mul3A_111 = arith.constant 16 : i32
      %mul3A_112 = arith.muli %scan3A_78, %mul3A_111 : i32
      %add3A_113 = arith.constant 1 : i32
      %add3A_114 = arith.addi %mul3A_112, %add3A_113 : i32
      %slice3A_115 = vector.extract_strided_slice %shift_right_logical3A_86 {offsets = [1], sizes = [1], strides = [1]} : vector<16xi32> to vector<1xi32>
      %squeeze3A_116 = vector.extract %slice3A_115[0] : i32 from vector<1xi32>
      %slice3A_117 = vector.extract_strided_slice %and3A_89 {offsets = [1], sizes = [1], strides = [1]} : vector<16xi32> to vector<1xi32>
      %squeeze3A_118 = vector.extract %slice3A_117[0] : i32 from vector<1xi32>
      %div3A_119 = arith.constant 8 : i32
      %div3A_120 = arith.divsi %add3A_114, %div3A_119 : i32
      %rem3A_121 = arith.constant 8 : i32
      %rem3A_122 = arith.remsi %add3A_114, %rem3A_121 : i32
      %dma_start3A_123 = arith.constant 0 : i32
      %dma_start3A_124 = tpu.memref_slice %arg8[%div3A_120, %rem3A_122, %dma_start3A_123] : memref<16x8x64xf32, #tpu.memory_space<vmem>> -> memref<1x1x64xf32, #tpu.memory_space<vmem>>
      %dma_start3A_125 = tpu.memref_squeeze %dma_start3A_124 : memref<1x1x64xf32, #tpu.memory_space<vmem>> -> memref<64xf32, #tpu.memory_space<vmem>>
      %dma_start3A_126 = arith.constant 0 : i32
      %dma_start3A_127 = tpu.memref_slice %arg3[%squeeze3A_116, %squeeze3A_118, %dma_start3A_126] : memref<100000x8x64xf32, #tpu.memory_space<hbm>> -> memref<1x1x64xf32, #tpu.memory_space<hbm>>
      %dma_start3A_128 = tpu.memref_squeeze %dma_start3A_127 : memref<1x1x64xf32, #tpu.memory_space<hbm>> -> memref<64xf32, #tpu.memory_space<hbm>>
      %dma_start3A_129 = arith.constant 0 : i32
      %dma_start3A_130 = tpu.memref_slice %arg8[%div3A_120, %rem3A_122, %dma_start3A_129] : memref<16x8x64xf32, #tpu.memory_space<vmem>> -> memref<1x1x64xf32, #tpu.memory_space<vmem>>
      %dma_start3A_131 = tpu.memref_squeeze %dma_start3A_130 : memref<1x1x64xf32, #tpu.memory_space<vmem>> -> memref<64xf32, #tpu.memory_space<vmem>>
      %dma_start3A_132 = arith.constant 0 : i32
      %dma_start3A_133 = tpu.memref_slice %arg3[%squeeze3A_116, %squeeze3A_118, %dma_start3A_132] : memref<100000x8x64xf32, #tpu.memory_space<hbm>> -> memref<1x1x64xf32, #tpu.memory_space<hbm>>
      %dma_start3A_134 = tpu.memref_squeeze %dma_start3A_133 : memref<1x1x64xf32, #tpu.memory_space<hbm>> -> memref<64xf32, #tpu.memory_space<hbm>>
      tpu.enqueue_dma source(%dma_start3A_134 : memref<64xf32, #tpu.memory_space<hbm>>) target(%dma_start3A_131 : memref<64xf32, #tpu.memory_space<vmem>>) target_semaphore(%arg10 : memref<!tpu.dma_semaphore, #tpu.memory_space<semaphore_mem>>)
      %mul3A_135 = arith.constant 16 : i32
      %mul3A_136 = arith.muli %scan3A_78, %mul3A_135 : i32
      %add3A_137 = arith.constant 2 : i32
      %add3A_138 = arith.addi %mul3A_136, %add3A_137 : i32
      %slice3A_139 = vector.extract_strided_slice %shift_right_logical3A_86 {offsets = [2], sizes = [1], strides = [1]} : vector<16xi32> to vector<1xi32>
      %squeeze3A_140 = vector.extract %slice3A_139[0] : i32 from vector<1xi32>
      %slice3A_141 = vector.extract_strided_slice %and3A_89 {offsets = [2], sizes = [1], strides = [1]} : vector<16xi32> to vector<1xi32>
      %squeeze3A_142 = vector.extract %slice3A_141[0] : i32 from vector<1xi32>
      %div3A_143 = arith.constant 8 : i32
      %div3A_144 = arith.divsi %add3A_138, %div3A_143 : i32
      %rem3A_145 = arith.constant 8 : i32
      %rem3A_146 = arith.remsi %add3A_138, %rem3A_145 : i32
      %dma_start3A_147 = arith.constant 0 : i32
      %dma_start3A_148 = tpu.memref_slice %arg8[%div3A_144, %rem3A_146, %dma_start3A_147] : memref<16x8x64xf32, #tpu.memory_space<vmem>> -> memref<1x1x64xf32, #tpu.memory_space<vmem>>
      %dma_start3A_149 = tpu.memref_squeeze %dma_start3A_148 : memref<1x1x64xf32, #tpu.memory_space<vmem>> -> memref<64xf32, #tpu.memory_space<vmem>>
      %dma_start3A_150 = arith.constant 0 : i32
      %dma_start3A_151 = tpu.memref_slice %arg3[%squeeze3A_140, %squeeze3A_142, %dma_start3A_150] : memref<100000x8x64xf32, #tpu.memory_space<hbm>> -> memref<1x1x64xf32, #tpu.memory_space<hbm>>
      %dma_start3A_152 = tpu.memref_squeeze %dma_start3A_151 : memref<1x1x64xf32, #tpu.memory_space<hbm>> -> memref<64xf32, #tpu.memory_space<hbm>>
      %dma_start3A_153 = arith.constant 0 : i32
      %dma_start3A_154 = tpu.memref_slice %arg8[%div3A_144, %rem3A_146, %dma_start3A_153] : memref<16x8x64xf32, #tpu.memory_space<vmem>> -> memref<1x1x64xf32, #tpu.memory_space<vmem>>
      %dma_start3A_155 = tpu.memref_squeeze %dma_start3A_154 : memref<1x1x64xf32, #tpu.memory_space<vmem>> -> memref<64xf32, #tpu.memory_space<vmem>>
      %dma_start3A_156 = arith.constant 0 : i32
      %dma_start3A_157 = tpu.memref_slice %arg3[%squeeze3A_140, %squeeze3A_142, %dma_start3A_156] : memref<100000x8x64xf32, #tpu.memory_space<hbm>> -> memref<1x1x64xf32, #tpu.memory_space<hbm>>
      %dma_start3A_158 = tpu.memref_squeeze %dma_start3A_157 : memref<1x1x64xf32, #tpu.memory_space<hbm>> -> memref<64xf32, #tpu.memory_space<hbm>>
      tpu.enqueue_dma source(%dma_start3A_158 : memref<64xf32, #tpu.memory_space<hbm>>) target(%dma_start3A_155 : memref<64xf32, #tpu.memory_space<vmem>>) target_semaphore(%arg10 : memref<!tpu.dma_semaphore, #tpu.memory_space<semaphore_mem>>)
      %mul3A_159 = arith.constant 16 : i32
      %mul3A_160 = arith.muli %scan3A_78, %mul3A_159 : i32
      %add3A_161 = arith.constant 3 : i32
      %add3A_162 = arith.addi %mul3A_160, %add3A_161 : i32
      %slice3A_163 = vector.extract_strided_slice %shift_right_logical3A_86 {offsets = [3], sizes = [1], strides = [1]} : vector<16xi32> to vector<1xi32>
      %squeeze3A_164 = vector.extract %slice3A_163[0] : i32 from vector<1xi32>
      %slice3A_165 = vector.extract_strided_slice %and3A_89 {offsets = [3], sizes = [1], strides = [1]} : vector<16xi32> to vector<1xi32>
      %squeeze3A_166 = vector.extract %slice3A_165[0] : i32 from vector<1xi32>
      %div3A_167 = arith.constant 8 : i32
      %div3A_168 = arith.divsi %add3A_162, %div3A_167 : i32
      %rem3A_169 = arith.constant 8 : i32
      %rem3A_170 = arith.remsi %add3A_162, %rem3A_169 : i32
      %dma_start3A_171 = arith.constant 0 : i32
      %dma_start3A_172 = tpu.memref_slice %arg8[%div3A_168, %rem3A_170, %dma_start3A_171] : memref<16x8x64xf32, #tpu.memory_space<vmem>> -> memref<1x1x64xf32, #tpu.memory_space<vmem>>
      %dma_start3A_173 = tpu.memref_squeeze %dma_start3A_172 : memref<1x1x64xf32, #tpu.memory_space<vmem>> -> memref<64xf32, #tpu.memory_space<vmem>>
      %dma_start3A_174 = arith.constant 0 : i32
      %dma_start3A_175 = tpu.memref_slice %arg3[%squeeze3A_164, %squeeze3A_166, %dma_start3A_174] : memref<100000x8x64xf32, #tpu.memory_space<hbm>> -> memref<1x1x64xf32, #tpu.memory_space<hbm>>
      %dma_start3A_176 = tpu.memref_squeeze %dma_start3A_175 : memref<1x1x64xf32, #tpu.memory_space<hbm>> -> memref<64xf32, #tpu.memory_space<hbm>>
      %dma_start3A_177 = arith.constant 0 : i32
      %dma_start3A_178 = tpu.memref_slice %arg8[%div3A_168, %rem3A_170, %dma_start3A_177] : memref<16x8x64xf32, #tpu.memory_space<vmem>> -> memref<1x1x64xf32, #tpu.memory_space<vmem>>
      %dma_start3A_179 = tpu.memref_squeeze %dma_start3A_178 : memref<1x1x64xf32, #tpu.memory_space<vmem>> -> memref<64xf32, #tpu.memory_space<vmem>>
      %dma_start3A_180 = arith.constant 0 : i32
      %dma_start3A_181 = tpu.memref_slice %arg3[%squeeze3A_164, %squeeze3A_166, %dma_start3A_180] : memref<100000x8x64xf32, #tpu.memory_space<hbm>> -> memref<1x1x64xf32, #tpu.memory_space<hbm>>
      %dma_start3A_182 = tpu.memref_squeeze %dma_start3A_181 : memref<1x1x64xf32, #tpu.memory_space<hbm>> -> memref<64xf32, #tpu.memory_space<hbm>>
      tpu.enqueue_dma source(%dma_start3A_182 : memref<64xf32, #tpu.memory_space<hbm>>) target(%dma_start3A_179 : memref<64xf32, #tpu.memory_space<vmem>>) target_semaphore(%arg10 : memref<!tpu.dma_semaphore, #tpu.memory_space<semaphore_mem>>)
      %mul3A_183 = arith.constant 16 : i32
      %mul3A_184 = arith.muli %scan3A_78, %mul3A_183 : i32
      %add3A_185 = arith.constant 4 : i32
      %add3A_186 = arith.addi %mul3A_184, %add3A_185 : i32
      %slice3A_187 = vector.extract_strided_slice %shift_right_logical3A_86 {offsets = [4], sizes = [1], strides = [1]} : vector<16xi32> to vector<1xi32>
      %squeeze3A_188 = vector.extract %slice3A_187[0] : i32 from vector<1xi32>
      %slice3A_189 = vector.extract_strided_slice %and3A_89 {offsets = [4], sizes = [1], strides = [1]} : vector<16xi32> to vector<1xi32>
      %squeeze3A_190 = vector.extract %slice3A_189[0] : i32 from vector<1xi32>
      %div3A_191 = arith.constant 8 : i32
      %div3A_192 = arith.divsi %add3A_186, %div3A_191 : i32
      %rem3A_193 = arith.constant 8 : i32
      %rem3A_194 = arith.remsi %add3A_186, %rem3A_193 : i32
      %dma_start3A_195 = arith.constant 0 : i32
      %dma_start3A_196 = tpu.memref_slice %arg8[%div3A_192, %rem3A_194, %dma_start3A_195] : memref<16x8x64xf32, #tpu.memory_space<vmem>> -> memref<1x1x64xf32, #tpu.memory_space<vmem>>
      %dma_start3A_197 = tpu.memref_squeeze %dma_start3A_196 : memref<1x1x64xf32, #tpu.memory_space<vmem>> -> memref<64xf32, #tpu.memory_space<vmem>>
      %dma_start3A_198 = arith.constant 0 : i32
      %dma_start3A_199 = tpu.memref_slice %arg3[%squeeze3A_188, %squeeze3A_190, %dma_start3A_198] : memref<100000x8x64xf32, #tpu.memory_space<hbm>> -> memref<1x1x64xf32, #tpu.memory_space<hbm>>
      %dma_start3A_200 = tpu.memref_squeeze %dma_start3A_199 : memref<1x1x64xf32, #tpu.memory_space<hbm>> -> memref<64xf32, #tpu.memory_space<hbm>>
      %dma_start3A_201 = arith.constant 0 : i32
      %dma_start3A_202 = tpu.memref_slice %arg8[%div3A_192, %rem3A_194, %dma_start3A_201] : memref<16x8x64xf32, #tpu.memory_space<vmem>> -> memref<1x1x64xf32, #tpu.memory_space<vmem>>
      %dma_start3A_203 = tpu.memref_squeeze %dma_start3A_202 : memref<1x1x64xf32, #tpu.memory_space<vmem>> -> memref<64xf32, #tpu.memory_space<vmem>>
      %dma_start3A_204 = arith.constant 0 : i32
      %dma_start3A_205 = tpu.memref_slice %arg3[%squeeze3A_188, %squeeze3A_190, %dma_start3A_204] : memref<100000x8x64xf32, #tpu.memory_space<hbm>> -> memref<1x1x64xf32, #tpu.memory_space<hbm>>
      %dma_start3A_206 = tpu.memref_squeeze %dma_start3A_205 : memref<1x1x64xf32, #tpu.memory_space<hbm>> -> memref<64xf32, #tpu.memory_space<hbm>>
      tpu.enqueue_dma source(%dma_start3A_206 : memref<64xf32, #tpu.memory_space<hbm>>) target(%dma_start3A_203 : memref<64xf32, #tpu.memory_space<vmem>>) target_semaphore(%arg10 : memref<!tpu.dma_semaphore, #tpu.memory_space<semaphore_mem>>)
      %mul3A_207 = arith.constant 16 : i32
      %mul3A_208 = arith.muli %scan3A_78, %mul3A_207 : i32
      %add3A_209 = arith.constant 5 : i32
      %add3A_210 = arith.addi %mul3A_208, %add3A_209 : i32
      %slice3A_211 = vector.extract_strided_slice %shift_right_logical3A_86 {offsets = [5], sizes = [1], strides = [1]} : vector<16xi32> to vector<1xi32>
      %squeeze3A_212 = vector.extract %slice3A_211[0] : i32 from vector<1xi32>
      %slice3A_213 = vector.extract_strided_slice %and3A_89 {offsets = [5], sizes = [1], strides = [1]} : vector<16xi32> to vector<1xi32>
      %squeeze3A_214 = vector.extract %slice3A_213[0] : i32 from vector<1xi32>
      %div3A_215 = arith.constant 8 : i32
      %div3A_216 = arith.divsi %add3A_210, %div3A_215 : i32
      %rem3A_217 = arith.constant 8 : i32
      %rem3A_218 = arith.remsi %add3A_210, %rem3A_217 : i32
      %dma_start3A_219 = arith.constant 0 : i32
      %dma_start3A_220 = tpu.memref_slice %arg8[%div3A_216, %rem3A_218, %dma_start3A_219] : memref<16x8x64xf32, #tpu.memory_space<vmem>> -> memref<1x1x64xf32, #tpu.memory_space<vmem>>
      %dma_start3A_221 = tpu.memref_squeeze %dma_start3A_220 : memref<1x1x64xf32, #tpu.memory_space<vmem>> -> memref<64xf32, #tpu.memory_space<vmem>>
      %dma_start3A_222 = arith.constant 0 : i32
      %dma_start3A_223 = tpu.memref_slice %arg3[%squeeze3A_212, %squeeze3A_214, %dma_start3A_222] : memref<100000x8x64xf32, #tpu.memory_space<hbm>> -> memref<1x1x64xf32, #tpu.memory_space<hbm>>
      %dma_start3A_224 = tpu.memref_squeeze %dma_start3A_223 : memref<1x1x64xf32, #tpu.memory_space<hbm>> -> memref<64xf32, #tpu.memory_space<hbm>>
      %dma_start3A_225 = arith.constant 0 : i32
      %dma_start3A_226 = tpu.memref_slice %arg8[%div3A_216, %rem3A_218, %dma_start3A_225] : memref<16x8x64xf32, #tpu.memory_space<vmem>> -> memref<1x1x64xf32, #tpu.memory_space<vmem>>
      %dma_start3A_227 = tpu.memref_squeeze %dma_start3A_226 : memref<1x1x64xf32, #tpu.memory_space<vmem>> -> memref<64xf32, #tpu.memory_space<vmem>>
      %dma_start3A_228 = arith.constant 0 : i32
      %dma_start3A_229 = tpu.memref_slice %arg3[%squeeze3A_212, %squeeze3A_214, %dma_start3A_228] : memref<100000x8x64xf32, #tpu.memory_space<hbm>> -> memref<1x1x64xf32, #tpu.memory_space<hbm>>
      %dma_start3A_230 = tpu.memref_squeeze %dma_start3A_229 : memref<1x1x64xf32, #tpu.memory_space<hbm>> -> memref<64xf32, #tpu.memory_space<hbm>>
      tpu.enqueue_dma source(%dma_start3A_230 : memref<64xf32, #tpu.memory_space<hbm>>) target(%dma_start3A_227 : memref<64xf32, #tpu.memory_space<vmem>>) target_semaphore(%arg10 : memref<!tpu.dma_semaphore, #tpu.memory_space<semaphore_mem>>)
      %mul3A_231 = arith.constant 16 : i32
      %mul3A_232 = arith.muli %scan3A_78, %mul3A_231 : i32
      %add3A_233 = arith.constant 6 : i32
      %add3A_234 = arith.addi %mul3A_232, %add3A_233 : i32
      %slice3A_235 = vector.extract_strided_slice %shift_right_logical3A_86 {offsets = [6], sizes = [1], strides = [1]} : vector<16xi32> to vector<1xi32>
      %squeeze3A_236 = vector.extract %slice3A_235[0] : i32 from vector<1xi32>
      %slice3A_237 = vector.extract_strided_slice %and3A_89 {offsets = [6], sizes = [1], strides = [1]} : vector<16xi32> to vector<1xi32>
      %squeeze3A_238 = vector.extract %slice3A_237[0] : i32 from vector<1xi32>
      %div3A_239 = arith.constant 8 : i32
      %div3A_240 = arith.divsi %add3A_234, %div3A_239 : i32
      %rem3A_241 = arith.constant 8 : i32
      %rem3A_242 = arith.remsi %add3A_234, %rem3A_241 : i32
      %dma_start3A_243 = arith.constant 0 : i32
      %dma_start3A_244 = tpu.memref_slice %arg8[%div3A_240, %rem3A_242, %dma_start3A_243] : memref<16x8x64xf32, #tpu.memory_space<vmem>> -> memref<1x1x64xf32, #tpu.memory_space<vmem>>
      %dma_start3A_245 = tpu.memref_squeeze %dma_start3A_244 : memref<1x1x64xf32, #tpu.memory_space<vmem>> -> memref<64xf32, #tpu.memory_space<vmem>>
      %dma_start3A_246 = arith.constant 0 : i32
      %dma_start3A_247 = tpu.memref_slice %arg3[%squeeze3A_236, %squeeze3A_238, %dma_start3A_246] : memref<100000x8x64xf32, #tpu.memory_space<hbm>> -> memref<1x1x64xf32, #tpu.memory_space<hbm>>
      %dma_start3A_248 = tpu.memref_squeeze %dma_start3A_247 : memref<1x1x64xf32, #tpu.memory_space<hbm>> -> memref<64xf32, #tpu.memory_space<hbm>>
      %dma_start3A_249 = arith.constant 0 : i32
      %dma_start3A_250 = tpu.memref_slice %arg8[%div3A_240, %rem3A_242, %dma_start3A_249] : memref<16x8x64xf32, #tpu.memory_space<vmem>> -> memref<1x1x64xf32, #tpu.memory_space<vmem>>
      %dma_start3A_251 = tpu.memref_squeeze %dma_start3A_250 : memref<1x1x64xf32, #tpu.memory_space<vmem>> -> memref<64xf32, #tpu.memory_space<vmem>>
      %dma_start3A_252 = arith.constant 0 : i32
      %dma_start3A_253 = tpu.memref_slice %arg3[%squeeze3A_236, %squeeze3A_238, %dma_start3A_252] : memref<100000x8x64xf32, #tpu.memory_space<hbm>> -> memref<1x1x64xf32, #tpu.memory_space<hbm>>
      %dma_start3A_254 = tpu.memref_squeeze %dma_start3A_253 : memref<1x1x64xf32, #tpu.memory_space<hbm>> -> memref<64xf32, #tpu.memory_space<hbm>>
      tpu.enqueue_dma source(%dma_start3A_254 : memref<64xf32, #tpu.memory_space<hbm>>) target(%dma_start3A_251 : memref<64xf32, #tpu.memory_space<vmem>>) target_semaphore(%arg10 : memref<!tpu.dma_semaphore, #tpu.memory_space<semaphore_mem>>)
      %mul3A_255 = arith.constant 16 : i32
      %mul3A_256 = arith.muli %scan3A_78, %mul3A_255 : i32
      %add3A_257 = arith.constant 7 : i32
      %add3A_258 = arith.addi %mul3A_256, %add3A_257 : i32
      %slice3A_259 = vector.extract_strided_slice %shift_right_logical3A_86 {offsets = [7], sizes = [1], strides = [1]} : vector<16xi32> to vector<1xi32>
      %squeeze3A_260 = vector.extract %slice3A_259[0] : i32 from vector<1xi32>
      %slice3A_261 = vector.extract_strided_slice %and3A_89 {offsets = [7], sizes = [1], strides = [1]} : vector<16xi32> to vector<1xi32>
      %squeeze3A_262 = vector.extract %slice3A_261[0] : i32 from vector<1xi32>
      %div3A_263 = arith.constant 8 : i32
      %div3A_264 = arith.divsi %add3A_258, %div3A_263 : i32
      %rem3A_265 = arith.constant 8 : i32
      %rem3A_266 = arith.remsi %add3A_258, %rem3A_265 : i32
      %dma_start3A_267 = arith.constant 0 : i32
      %dma_start3A_268 = tpu.memref_slice %arg8[%div3A_264, %rem3A_266, %dma_start3A_267] : memref<16x8x64xf32, #tpu.memory_space<vmem>> -> memref<1x1x64xf32, #tpu.memory_space<vmem>>
      %dma_start3A_269 = tpu.memref_squeeze %dma_start3A_268 : memref<1x1x64xf32, #tpu.memory_space<vmem>> -> memref<64xf32, #tpu.memory_space<vmem>>
      %dma_start3A_270 = arith.constant 0 : i32
      %dma_start3A_271 = tpu.memref_slice %arg3[%squeeze3A_260, %squeeze3A_262, %dma_start3A_270] : memref<100000x8x64xf32, #tpu.memory_space<hbm>> -> memref<1x1x64xf32, #tpu.memory_space<hbm>>
      %dma_start3A_272 = tpu.memref_squeeze %dma_start3A_271 : memref<1x1x64xf32, #tpu.memory_space<hbm>> -> memref<64xf32, #tpu.memory_space<hbm>>
      %dma_start3A_273 = arith.constant 0 : i32
      %dma_start3A_274 = tpu.memref_slice %arg8[%div3A_264, %rem3A_266, %dma_start3A_273] : memref<16x8x64xf32, #tpu.memory_space<vmem>> -> memref<1x1x64xf32, #tpu.memory_space<vmem>>
      %dma_start3A_275 = tpu.memref_squeeze %dma_start3A_274 : memref<1x1x64xf32, #tpu.memory_space<vmem>> -> memref<64xf32, #tpu.memory_space<vmem>>
      %dma_start3A_276 = arith.constant 0 : i32
      %dma_start3A_277 = tpu.memref_slice %arg3[%squeeze3A_260, %squeeze3A_262, %dma_start3A_276] : memref<100000x8x64xf32, #tpu.memory_space<hbm>> -> memref<1x1x64xf32, #tpu.memory_space<hbm>>
      %dma_start3A_278 = tpu.memref_squeeze %dma_start3A_277 : memref<1x1x64xf32, #tpu.memory_space<hbm>> -> memref<64xf32, #tpu.memory_space<hbm>>
      tpu.enqueue_dma source(%dma_start3A_278 : memref<64xf32, #tpu.memory_space<hbm>>) target(%dma_start3A_275 : memref<64xf32, #tpu.memory_space<vmem>>) target_semaphore(%arg10 : memref<!tpu.dma_semaphore, #tpu.memory_space<semaphore_mem>>)
      %mul3A_279 = arith.constant 16 : i32
      %mul3A_280 = arith.muli %scan3A_78, %mul3A_279 : i32
      %add3A_281 = arith.constant 8 : i32
      %add3A_282 = arith.addi %mul3A_280, %add3A_281 : i32
      %slice3A_283 = vector.extract_strided_slice %shift_right_logical3A_86 {offsets = [8], sizes = [1], strides = [1]} : vector<16xi32> to vector<1xi32>
      %squeeze3A_284 = vector.extract %slice3A_283[0] : i32 from vector<1xi32>
      %slice3A_285 = vector.extract_strided_slice %and3A_89 {offsets = [8], sizes = [1], strides = [1]} : vector<16xi32> to vector<1xi32>
      %squeeze3A_286 = vector.extract %slice3A_285[0] : i32 from vector<1xi32>
      %div3A_287 = arith.constant 8 : i32
      %div3A_288 = arith.divsi %add3A_282, %div3A_287 : i32
      %rem3A_289 = arith.constant 8 : i32
      %rem3A_290 = arith.remsi %add3A_282, %rem3A_289 : i32
      %dma_start3A_291 = arith.constant 0 : i32
      %dma_start3A_292 = tpu.memref_slice %arg8[%div3A_288, %rem3A_290, %dma_start3A_291] : memref<16x8x64xf32, #tpu.memory_space<vmem>> -> memref<1x1x64xf32, #tpu.memory_space<vmem>>
      %dma_start3A_293 = tpu.memref_squeeze %dma_start3A_292 : memref<1x1x64xf32, #tpu.memory_space<vmem>> -> memref<64xf32, #tpu.memory_space<vmem>>
      %dma_start3A_294 = arith.constant 0 : i32
      %dma_start3A_295 = tpu.memref_slice %arg3[%squeeze3A_284, %squeeze3A_286, %dma_start3A_294] : memref<100000x8x64xf32, #tpu.memory_space<hbm>> -> memref<1x1x64xf32, #tpu.memory_space<hbm>>
      %dma_start3A_296 = tpu.memref_squeeze %dma_start3A_295 : memref<1x1x64xf32, #tpu.memory_space<hbm>> -> memref<64xf32, #tpu.memory_space<hbm>>
      %dma_start3A_297 = arith.constant 0 : i32
      %dma_start3A_298 = tpu.memref_slice %arg8[%div3A_288, %rem3A_290, %dma_start3A_297] : memref<16x8x64xf32, #tpu.memory_space<vmem>> -> memref<1x1x64xf32, #tpu.memory_space<vmem>>
      %dma_start3A_299 = tpu.memref_squeeze %dma_start3A_298 : memref<1x1x64xf32, #tpu.memory_space<vmem>> -> memref<64xf32, #tpu.memory_space<vmem>>
      %dma_start3A_300 = arith.constant 0 : i32
      %dma_start3A_301 = tpu.memref_slice %arg3[%squeeze3A_284, %squeeze3A_286, %dma_start3A_300] : memref<100000x8x64xf32, #tpu.memory_space<hbm>> -> memref<1x1x64xf32, #tpu.memory_space<hbm>>
      %dma_start3A_302 = tpu.memref_squeeze %dma_start3A_301 : memref<1x1x64xf32, #tpu.memory_space<hbm>> -> memref<64xf32, #tpu.memory_space<hbm>>
      tpu.enqueue_dma source(%dma_start3A_302 : memref<64xf32, #tpu.memory_space<hbm>>) target(%dma_start3A_299 : memref<64xf32, #tpu.memory_space<vmem>>) target_semaphore(%arg10 : memref<!tpu.dma_semaphore, #tpu.memory_space<semaphore_mem>>)
      %mul3A_303 = arith.constant 16 : i32
      %mul3A_304 = arith.muli %scan3A_78, %mul3A_303 : i32
      %add3A_305 = arith.constant 9 : i32
      %add3A_306 = arith.addi %mul3A_304, %add3A_305 : i32
      %slice3A_307 = vector.extract_strided_slice %shift_right_logical3A_86 {offsets = [9], sizes = [1], strides = [1]} : vector<16xi32> to vector<1xi32>
      %squeeze3A_308 = vector.extract %slice3A_307[0] : i32 from vector<1xi32>
      %slice3A_309 = vector.extract_strided_slice %and3A_89 {offsets = [9], sizes = [1], strides = [1]} : vector<16xi32> to vector<1xi32>
      %squeeze3A_310 = vector.extract %slice3A_309[0] : i32 from vector<1xi32>
      %div3A_311 = arith.constant 8 : i32
      %div3A_312 = arith.divsi %add3A_306, %div3A_311 : i32
      %rem3A_313 = arith.constant 8 : i32
      %rem3A_314 = arith.remsi %add3A_306, %rem3A_313 : i32
      %dma_start3A_315 = arith.constant 0 : i32
      %dma_start3A_316 = tpu.memref_slice %arg8[%div3A_312, %rem3A_314, %dma_start3A_315] : memref<16x8x64xf32, #tpu.memory_space<vmem>> -> memref<1x1x64xf32, #tpu.memory_space<vmem>>
      %dma_start3A_317 = tpu.memref_squeeze %dma_start3A_316 : memref<1x1x64xf32, #tpu.memory_space<vmem>> -> memref<64xf32, #tpu.memory_space<vmem>>
      %dma_start3A_318 = arith.constant 0 : i32
      %dma_start3A_319 = tpu.memref_slice %arg3[%squeeze3A_308, %squeeze3A_310, %dma_start3A_318] : memref<100000x8x64xf32, #tpu.memory_space<hbm>> -> memref<1x1x64xf32, #tpu.memory_space<hbm>>
      %dma_start3A_320 = tpu.memref_squeeze %dma_start3A_319 : memref<1x1x64xf32, #tpu.memory_space<hbm>> -> memref<64xf32, #tpu.memory_space<hbm>>
      %dma_start3A_321 = arith.constant 0 : i32
      %dma_start3A_322 = tpu.memref_slice %arg8[%div3A_312, %rem3A_314, %dma_start3A_321] : memref<16x8x64xf32, #tpu.memory_space<vmem>> -> memref<1x1x64xf32, #tpu.memory_space<vmem>>
      %dma_start3A_323 = tpu.memref_squeeze %dma_start3A_322 : memref<1x1x64xf32, #tpu.memory_space<vmem>> -> memref<64xf32, #tpu.memory_space<vmem>>
      %dma_start3A_324 = arith.constant 0 : i32
      %dma_start3A_325 = tpu.memref_slice %arg3[%squeeze3A_308, %squeeze3A_310, %dma_start3A_324] : memref<100000x8x64xf32, #tpu.memory_space<hbm>> -> memref<1x1x64xf32, #tpu.memory_space<hbm>>
      %dma_start3A_326 = tpu.memref_squeeze %dma_start3A_325 : memref<1x1x64xf32, #tpu.memory_space<hbm>> -> memref<64xf32, #tpu.memory_space<hbm>>
      tpu.enqueue_dma source(%dma_start3A_326 : memref<64xf32, #tpu.memory_space<hbm>>) target(%dma_start3A_323 : memref<64xf32, #tpu.memory_space<vmem>>) target_semaphore(%arg10 : memref<!tpu.dma_semaphore, #tpu.memory_space<semaphore_mem>>)
      %mul3A_327 = arith.constant 16 : i32
      %mul3A_328 = arith.muli %scan3A_78, %mul3A_327 : i32
      %add3A_329 = arith.constant 10 : i32
      %add3A_330 = arith.addi %mul3A_328, %add3A_329 : i32
      %slice3A_331 = vector.extract_strided_slice %shift_right_logical3A_86 {offsets = [10], sizes = [1], strides = [1]} : vector<16xi32> to vector<1xi32>
      %squeeze3A_332 = vector.extract %slice3A_331[0] : i32 from vector<1xi32>
      %slice3A_333 = vector.extract_strided_slice %and3A_89 {offsets = [10], sizes = [1], strides = [1]} : vector<16xi32> to vector<1xi32>
      %squeeze3A_334 = vector.extract %slice3A_333[0] : i32 from vector<1xi32>
      %div3A_335 = arith.constant 8 : i32
      %div3A_336 = arith.divsi %add3A_330, %div3A_335 : i32
      %rem3A_337 = arith.constant 8 : i32
      %rem3A_338 = arith.remsi %add3A_330, %rem3A_337 : i32
      %dma_start3A_339 = arith.constant 0 : i32
      %dma_start3A_340 = tpu.memref_slice %arg8[%div3A_336, %rem3A_338, %dma_start3A_339] : memref<16x8x64xf32, #tpu.memory_space<vmem>> -> memref<1x1x64xf32, #tpu.memory_space<vmem>>
      %dma_start3A_341 = tpu.memref_squeeze %dma_start3A_340 : memref<1x1x64xf32, #tpu.memory_space<vmem>> -> memref<64xf32, #tpu.memory_space<vmem>>
      %dma_start3A_342 = arith.constant 0 : i32
      %dma_start3A_343 = tpu.memref_slice %arg3[%squeeze3A_332, %squeeze3A_334, %dma_start3A_342] : memref<100000x8x64xf32, #tpu.memory_space<hbm>> -> memref<1x1x64xf32, #tpu.memory_space<hbm>>
      %dma_start3A_344 = tpu.memref_squeeze %dma_start3A_343 : memref<1x1x64xf32, #tpu.memory_space<hbm>> -> memref<64xf32, #tpu.memory_space<hbm>>
      %dma_start3A_345 = arith.constant 0 : i32
      %dma_start3A_346 = tpu.memref_slice %arg8[%div3A_336, %rem3A_338, %dma_start3A_345] : memref<16x8x64xf32, #tpu.memory_space<vmem>> -> memref<1x1x64xf32, #tpu.memory_space<vmem>>
      %dma_start3A_347 = tpu.memref_squeeze %dma_start3A_346 : memref<1x1x64xf32, #tpu.memory_space<vmem>> -> memref<64xf32, #tpu.memory_space<vmem>>
      %dma_start3A_348 = arith.constant 0 : i32
      %dma_start3A_349 = tpu.memref_slice %arg3[%squeeze3A_332, %squeeze3A_334, %dma_start3A_348] : memref<100000x8x64xf32, #tpu.memory_space<hbm>> -> memref<1x1x64xf32, #tpu.memory_space<hbm>>
      %dma_start3A_350 = tpu.memref_squeeze %dma_start3A_349 : memref<1x1x64xf32, #tpu.memory_space<hbm>> -> memref<64xf32, #tpu.memory_space<hbm>>
      tpu.enqueue_dma source(%dma_start3A_350 : memref<64xf32, #tpu.memory_space<hbm>>) target(%dma_start3A_347 : memref<64xf32, #tpu.memory_space<vmem>>) target_semaphore(%arg10 : memref<!tpu.dma_semaphore, #tpu.memory_space<semaphore_mem>>)
      %mul3A_351 = arith.constant 16 : i32
      %mul3A_352 = arith.muli %scan3A_78, %mul3A_351 : i32
      %add3A_353 = arith.constant 11 : i32
      %add3A_354 = arith.addi %mul3A_352, %add3A_353 : i32
      %slice3A_355 = vector.extract_strided_slice %shift_right_logical3A_86 {offsets = [11], sizes = [1], strides = [1]} : vector<16xi32> to vector<1xi32>
      %squeeze3A_356 = vector.extract %slice3A_355[0] : i32 from vector<1xi32>
      %slice3A_357 = vector.extract_strided_slice %and3A_89 {offsets = [11], sizes = [1], strides = [1]} : vector<16xi32> to vector<1xi32>
      %squeeze3A_358 = vector.extract %slice3A_357[0] : i32 from vector<1xi32>
      %div3A_359 = arith.constant 8 : i32
      %div3A_360 = arith.divsi %add3A_354, %div3A_359 : i32
      %rem3A_361 = arith.constant 8 : i32
      %rem3A_362 = arith.remsi %add3A_354, %rem3A_361 : i32
      %dma_start3A_363 = arith.constant 0 : i32
      %dma_start3A_364 = tpu.memref_slice %arg8[%div3A_360, %rem3A_362, %dma_start3A_363] : memref<16x8x64xf32, #tpu.memory_space<vmem>> -> memref<1x1x64xf32, #tpu.memory_space<vmem>>
      %dma_start3A_365 = tpu.memref_squeeze %dma_start3A_364 : memref<1x1x64xf32, #tpu.memory_space<vmem>> -> memref<64xf32, #tpu.memory_space<vmem>>
      %dma_start3A_366 = arith.constant 0 : i32
      %dma_start3A_367 = tpu.memref_slice %arg3[%squeeze3A_356, %squeeze3A_358, %dma_start3A_366] : memref<100000x8x64xf32, #tpu.memory_space<hbm>> -> memref<1x1x64xf32, #tpu.memory_space<hbm>>
      %dma_start3A_368 = tpu.memref_squeeze %dma_start3A_367 : memref<1x1x64xf32, #tpu.memory_space<hbm>> -> memref<64xf32, #tpu.memory_space<hbm>>
      %dma_start3A_369 = arith.constant 0 : i32
      %dma_start3A_370 = tpu.memref_slice %arg8[%div3A_360, %rem3A_362, %dma_start3A_369] : memref<16x8x64xf32, #tpu.memory_space<vmem>> -> memref<1x1x64xf32, #tpu.memory_space<vmem>>
      %dma_start3A_371 = tpu.memref_squeeze %dma_start3A_370 : memref<1x1x64xf32, #tpu.memory_space<vmem>> -> memref<64xf32, #tpu.memory_space<vmem>>
      %dma_start3A_372 = arith.constant 0 : i32
      %dma_start3A_373 = tpu.memref_slice %arg3[%squeeze3A_356, %squeeze3A_358, %dma_start3A_372] : memref<100000x8x64xf32, #tpu.memory_space<hbm>> -> memref<1x1x64xf32, #tpu.memory_space<hbm>>
      %dma_start3A_374 = tpu.memref_squeeze %dma_start3A_373 : memref<1x1x64xf32, #tpu.memory_space<hbm>> -> memref<64xf32, #tpu.memory_space<hbm>>
      tpu.enqueue_dma source(%dma_start3A_374 : memref<64xf32, #tpu.memory_space<hbm>>) target(%dma_start3A_371 : memref<64xf32, #tpu.memory_space<vmem>>) target_semaphore(%arg10 : memref<!tpu.dma_semaphore, #tpu.memory_space<semaphore_mem>>)
      %mul3A_375 = arith.constant 16 : i32
      %mul3A_376 = arith.muli %scan3A_78, %mul3A_375 : i32
      %add3A_377 = arith.constant 12 : i32
      %add3A_378 = arith.addi %mul3A_376, %add3A_377 : i32
      %slice3A_379 = vector.extract_strided_slice %shift_right_logical3A_86 {offsets = [12], sizes = [1], strides = [1]} : vector<16xi32> to vector<1xi32>
      %squeeze3A_380 = vector.extract %slice3A_379[0] : i32 from vector<1xi32>
      %slice3A_381 = vector.extract_strided_slice %and3A_89 {offsets = [12], sizes = [1], strides = [1]} : vector<16xi32> to vector<1xi32>
      %squeeze3A_382 = vector.extract %slice3A_381[0] : i32 from vector<1xi32>
      %div3A_383 = arith.constant 8 : i32
      %div3A_384 = arith.divsi %add3A_378, %div3A_383 : i32
      %rem3A_385 = arith.constant 8 : i32
      %rem3A_386 = arith.remsi %add3A_378, %rem3A_385 : i32
      %dma_start3A_387 = arith.constant 0 : i32
      %dma_start3A_388 = tpu.memref_slice %arg8[%div3A_384, %rem3A_386, %dma_start3A_387] : memref<16x8x64xf32, #tpu.memory_space<vmem>> -> memref<1x1x64xf32, #tpu.memory_space<vmem>>
      %dma_start3A_389 = tpu.memref_squeeze %dma_start3A_388 : memref<1x1x64xf32, #tpu.memory_space<vmem>> -> memref<64xf32, #tpu.memory_space<vmem>>
      %dma_start3A_390 = arith.constant 0 : i32
      %dma_start3A_391 = tpu.memref_slice %arg3[%squeeze3A_380, %squeeze3A_382, %dma_start3A_390] : memref<100000x8x64xf32, #tpu.memory_space<hbm>> -> memref<1x1x64xf32, #tpu.memory_space<hbm>>
      %dma_start3A_392 = tpu.memref_squeeze %dma_start3A_391 : memref<1x1x64xf32, #tpu.memory_space<hbm>> -> memref<64xf32, #tpu.memory_space<hbm>>
      %dma_start3A_393 = arith.constant 0 : i32
      %dma_start3A_394 = tpu.memref_slice %arg8[%div3A_384, %rem3A_386, %dma_start3A_393] : memref<16x8x64xf32, #tpu.memory_space<vmem>> -> memref<1x1x64xf32, #tpu.memory_space<vmem>>
      %dma_start3A_395 = tpu.memref_squeeze %dma_start3A_394 : memref<1x1x64xf32, #tpu.memory_space<vmem>> -> memref<64xf32, #tpu.memory_space<vmem>>
      %dma_start3A_396 = arith.constant 0 : i32
      %dma_start3A_397 = tpu.memref_slice %arg3[%squeeze3A_380, %squeeze3A_382, %dma_start3A_396] : memref<100000x8x64xf32, #tpu.memory_space<hbm>> -> memref<1x1x64xf32, #tpu.memory_space<hbm>>
      %dma_start3A_398 = tpu.memref_squeeze %dma_start3A_397 : memref<1x1x64xf32, #tpu.memory_space<hbm>> -> memref<64xf32, #tpu.memory_space<hbm>>
      tpu.enqueue_dma source(%dma_start3A_398 : memref<64xf32, #tpu.memory_space<hbm>>) target(%dma_start3A_395 : memref<64xf32, #tpu.memory_space<vmem>>) target_semaphore(%arg10 : memref<!tpu.dma_semaphore, #tpu.memory_space<semaphore_mem>>)
      %mul3A_399 = arith.constant 16 : i32
      %mul3A_400 = arith.muli %scan3A_78, %mul3A_399 : i32
      %add3A_401 = arith.constant 13 : i32
      %add3A_402 = arith.addi %mul3A_400, %add3A_401 : i32
      %slice3A_403 = vector.extract_strided_slice %shift_right_logical3A_86 {offsets = [13], sizes = [1], strides = [1]} : vector<16xi32> to vector<1xi32>
      %squeeze3A_404 = vector.extract %slice3A_403[0] : i32 from vector<1xi32>
      %slice3A_405 = vector.extract_strided_slice %and3A_89 {offsets = [13], sizes = [1], strides = [1]} : vector<16xi32> to vector<1xi32>
      %squeeze3A_406 = vector.extract %slice3A_405[0] : i32 from vector<1xi32>
      %div3A_407 = arith.constant 8 : i32
      %div3A_408 = arith.divsi %add3A_402, %div3A_407 : i32
      %rem3A_409 = arith.constant 8 : i32
      %rem3A_410 = arith.remsi %add3A_402, %rem3A_409 : i32
      %dma_start3A_411 = arith.constant 0 : i32
      %dma_start3A_412 = tpu.memref_slice %arg8[%div3A_408, %rem3A_410, %dma_start3A_411] : memref<16x8x64xf32, #tpu.memory_space<vmem>> -> memref<1x1x64xf32, #tpu.memory_space<vmem>>
      %dma_start3A_413 = tpu.memref_squeeze %dma_start3A_412 : memref<1x1x64xf32, #tpu.memory_space<vmem>> -> memref<64xf32, #tpu.memory_space<vmem>>
      %dma_start3A_414 = arith.constant 0 : i32
      %dma_start3A_415 = tpu.memref_slice %arg3[%squeeze3A_404, %squeeze3A_406, %dma_start3A_414] : memref<100000x8x64xf32, #tpu.memory_space<hbm>> -> memref<1x1x64xf32, #tpu.memory_space<hbm>>
      %dma_start3A_416 = tpu.memref_squeeze %dma_start3A_415 : memref<1x1x64xf32, #tpu.memory_space<hbm>> -> memref<64xf32, #tpu.memory_space<hbm>>
      %dma_start3A_417 = arith.constant 0 : i32
      %dma_start3A_418 = tpu.memref_slice %arg8[%div3A_408, %rem3A_410, %dma_start3A_417] : memref<16x8x64xf32, #tpu.memory_space<vmem>> -> memref<1x1x64xf32, #tpu.memory_space<vmem>>
      %dma_start3A_419 = tpu.memref_squeeze %dma_start3A_418 : memref<1x1x64xf32, #tpu.memory_space<vmem>> -> memref<64xf32, #tpu.memory_space<vmem>>
      %dma_start3A_420 = arith.constant 0 : i32
      %dma_start3A_421 = tpu.memref_slice %arg3[%squeeze3A_404, %squeeze3A_406, %dma_start3A_420] : memref<100000x8x64xf32, #tpu.memory_space<hbm>> -> memref<1x1x64xf32, #tpu.memory_space<hbm>>
      %dma_start3A_422 = tpu.memref_squeeze %dma_start3A_421 : memref<1x1x64xf32, #tpu.memory_space<hbm>> -> memref<64xf32, #tpu.memory_space<hbm>>
      tpu.enqueue_dma source(%dma_start3A_422 : memref<64xf32, #tpu.memory_space<hbm>>) target(%dma_start3A_419 : memref<64xf32, #tpu.memory_space<vmem>>) target_semaphore(%arg10 : memref<!tpu.dma_semaphore, #tpu.memory_space<semaphore_mem>>)
      %mul3A_423 = arith.constant 16 : i32
      %mul3A_424 = arith.muli %scan3A_78, %mul3A_423 : i32
      %add3A_425 = arith.constant 14 : i32
      %add3A_426 = arith.addi %mul3A_424, %add3A_425 : i32
      %slice3A_427 = vector.extract_strided_slice %shift_right_logical3A_86 {offsets = [14], sizes = [1], strides = [1]} : vector<16xi32> to vector<1xi32>
      %squeeze3A_428 = vector.extract %slice3A_427[0] : i32 from vector<1xi32>
      %slice3A_429 = vector.extract_strided_slice %and3A_89 {offsets = [14], sizes = [1], strides = [1]} : vector<16xi32> to vector<1xi32>
      %squeeze3A_430 = vector.extract %slice3A_429[0] : i32 from vector<1xi32>
      %div3A_431 = arith.constant 8 : i32
      %div3A_432 = arith.divsi %add3A_426, %div3A_431 : i32
      %rem3A_433 = arith.constant 8 : i32
      %rem3A_434 = arith.remsi %add3A_426, %rem3A_433 : i32
      %dma_start3A_435 = arith.constant 0 : i32
      %dma_start3A_436 = tpu.memref_slice %arg8[%div3A_432, %rem3A_434, %dma_start3A_435] : memref<16x8x64xf32, #tpu.memory_space<vmem>> -> memref<1x1x64xf32, #tpu.memory_space<vmem>>
      %dma_start3A_437 = tpu.memref_squeeze %dma_start3A_436 : memref<1x1x64xf32, #tpu.memory_space<vmem>> -> memref<64xf32, #tpu.memory_space<vmem>>
      %dma_start3A_438 = arith.constant 0 : i32
      %dma_start3A_439 = tpu.memref_slice %arg3[%squeeze3A_428, %squeeze3A_430, %dma_start3A_438] : memref<100000x8x64xf32, #tpu.memory_space<hbm>> -> memref<1x1x64xf32, #tpu.memory_space<hbm>>
      %dma_start3A_440 = tpu.memref_squeeze %dma_start3A_439 : memref<1x1x64xf32, #tpu.memory_space<hbm>> -> memref<64xf32, #tpu.memory_space<hbm>>
      %dma_start3A_441 = arith.constant 0 : i32
      %dma_start3A_442 = tpu.memref_slice %arg8[%div3A_432, %rem3A_434, %dma_start3A_441] : memref<16x8x64xf32, #tpu.memory_space<vmem>> -> memref<1x1x64xf32, #tpu.memory_space<vmem>>
      %dma_start3A_443 = tpu.memref_squeeze %dma_start3A_442 : memref<1x1x64xf32, #tpu.memory_space<vmem>> -> memref<64xf32, #tpu.memory_space<vmem>>
      %dma_start3A_444 = arith.constant 0 : i32
      %dma_start3A_445 = tpu.memref_slice %arg3[%squeeze3A_428, %squeeze3A_430, %dma_start3A_444] : memref<100000x8x64xf32, #tpu.memory_space<hbm>> -> memref<1x1x64xf32, #tpu.memory_space<hbm>>
      %dma_start3A_446 = tpu.memref_squeeze %dma_start3A_445 : memref<1x1x64xf32, #tpu.memory_space<hbm>> -> memref<64xf32, #tpu.memory_space<hbm>>
      tpu.enqueue_dma source(%dma_start3A_446 : memref<64xf32, #tpu.memory_space<hbm>>) target(%dma_start3A_443 : memref<64xf32, #tpu.memory_space<vmem>>) target_semaphore(%arg10 : memref<!tpu.dma_semaphore, #tpu.memory_space<semaphore_mem>>)
      %mul3A_447 = arith.constant 16 : i32
      %mul3A_448 = arith.muli %scan3A_78, %mul3A_447 : i32
      %add3A_449 = arith.constant 15 : i32
      %add3A_450 = arith.addi %mul3A_448, %add3A_449 : i32
      %slice3A_451 = vector.extract_strided_slice %shift_right_logical3A_86 {offsets = [15], sizes = [1], strides = [1]} : vector<16xi32> to vector<1xi32>
      %squeeze3A_452 = vector.extract %slice3A_451[0] : i32 from vector<1xi32>
      %slice3A_453 = vector.extract_strided_slice %and3A_89 {offsets = [15], sizes = [1], strides = [1]} : vector<16xi32> to vector<1xi32>
      %squeeze3A_454 = vector.extract %slice3A_453[0] : i32 from vector<1xi32>
      %div3A_455 = arith.constant 8 : i32
      %div3A_456 = arith.divsi %add3A_450, %div3A_455 : i32
      %rem3A_457 = arith.constant 8 : i32
      %rem3A_458 = arith.remsi %add3A_450, %rem3A_457 : i32
      %dma_start3A_459 = arith.constant 0 : i32
      %dma_start3A_460 = tpu.memref_slice %arg8[%div3A_456, %rem3A_458, %dma_start3A_459] : memref<16x8x64xf32, #tpu.memory_space<vmem>> -> memref<1x1x64xf32, #tpu.memory_space<vmem>>
      %dma_start3A_461 = tpu.memref_squeeze %dma_start3A_460 : memref<1x1x64xf32, #tpu.memory_space<vmem>> -> memref<64xf32, #tpu.memory_space<vmem>>
      %dma_start3A_462 = arith.constant 0 : i32
      %dma_start3A_463 = tpu.memref_slice %arg3[%squeeze3A_452, %squeeze3A_454, %dma_start3A_462] : memref<100000x8x64xf32, #tpu.memory_space<hbm>> -> memref<1x1x64xf32, #tpu.memory_space<hbm>>
      %dma_start3A_464 = tpu.memref_squeeze %dma_start3A_463 : memref<1x1x64xf32, #tpu.memory_space<hbm>> -> memref<64xf32, #tpu.memory_space<hbm>>
      %dma_start3A_465 = arith.constant 0 : i32
      %dma_start3A_466 = tpu.memref_slice %arg8[%div3A_456, %rem3A_458, %dma_start3A_465] : memref<16x8x64xf32, #tpu.memory_space<vmem>> -> memref<1x1x64xf32, #tpu.memory_space<vmem>>
      %dma_start3A_467 = tpu.memref_squeeze %dma_start3A_466 : memref<1x1x64xf32, #tpu.memory_space<vmem>> -> memref<64xf32, #tpu.memory_space<vmem>>
      %dma_start3A_468 = arith.constant 0 : i32
      %dma_start3A_469 = tpu.memref_slice %arg3[%squeeze3A_452, %squeeze3A_454, %dma_start3A_468] : memref<100000x8x64xf32, #tpu.memory_space<hbm>> -> memref<1x1x64xf32, #tpu.memory_space<hbm>>
      %dma_start3A_470 = tpu.memref_squeeze %dma_start3A_469 : memref<1x1x64xf32, #tpu.memory_space<hbm>> -> memref<64xf32, #tpu.memory_space<hbm>>
      tpu.enqueue_dma source(%dma_start3A_470 : memref<64xf32, #tpu.memory_space<hbm>>) target(%dma_start3A_467 : memref<64xf32, #tpu.memory_space<vmem>>) target_semaphore(%arg10 : memref<!tpu.dma_semaphore, #tpu.memory_space<semaphore_mem>>)
    }
    %scan3A_25 = arith.constant 8 : i32
    %scan3A_26 = arith.constant 0 : i32
    %scan3A_27 = arith.constant 0 : i32
    %scan3A_28 = arith.constant 15 : i32
    %scan3A_29 = arith.addi %scan3A_27, %scan3A_28 : i32
    %scan3A_30 = arith.constant 1 : i32
    scf.for %scan3A_78 = %scan3A_27 to %scan3A_29 step %scan3A_30  : i32 {
      %mul3A_79 = arith.constant 2 : i32
      %mul3A_80 = arith.muli %scan3A_78, %mul3A_79 : i32
      %add3A_81 = arith.constant 0 : i32
      %add3A_82 = arith.addi %mul3A_80, %add3A_81 : i32
      tpu.wait_dma2 semaphore(%arg9 : memref<!tpu.dma_semaphore, #tpu.memory_space<semaphore_mem>>) src(%arg4 : memref<16x8x64xf32, #tpu.memory_space<hbm>>) dst(%arg7 : memref<16x8x64xf32, #tpu.memory_space<vmem>>)
      %mul3A_83 = arith.constant 128 : i32
      %mul3A_84 = arith.muli %add3A_82, %mul3A_83 : i32
      %add3A_85 = arith.addi %mul3A_2, %mul3A_84 : i32
      %jit3A_86 = arith.constant 8 : i32
      %div3A_87 = arith.divsi %add3A_85, %jit3A_86 : i32
      %sign3A_88 = arith.constant 0 : i32
      %sign3A_89 = arith.cmpi sgt, %add3A_85, %sign3A_88 : i32
      %sign3A_90 = arith.extui %sign3A_89 : i1 to i32
      %sign3A_91 = arith.constant 0 : i32
      %sign3A_92 = arith.cmpi slt, %add3A_85, %sign3A_91 : i32
      %sign3A_93 = arith.extui %sign3A_92 : i1 to i32
      %sign3A_94 = arith.subi %sign3A_90, %sign3A_93 : i32
      %sign3A_95 = arith.constant 0 : i32
      %sign3A_96 = arith.cmpi sgt, %jit3A_86, %sign3A_95 : i32
      %sign3A_97 = arith.extui %sign3A_96 : i1 to i32
      %sign3A_98 = arith.constant 0 : i32
      %sign3A_99 = arith.cmpi slt, %jit3A_86, %sign3A_98 : i32
      %sign3A_100 = arith.extui %sign3A_99 : i1 to i32
      %sign3A_101 = arith.subi %sign3A_97, %sign3A_100 : i32
      %ne3A_102 = arith.cmpi ne, %sign3A_94, %sign3A_101 : i32
      %rem3A_103 = arith.remsi %add3A_85, %jit3A_86 : i32
      %ne3A_104 = arith.constant 0 : i32
      %ne3A_105 = arith.cmpi ne, %rem3A_103, %ne3A_104 : i32
      %and3A_106 = arith.andi %ne3A_102, %ne3A_105 : i1
      %sub3A_107 = arith.constant 1 : i32
      %sub3A_108 = arith.subi %div3A_87, %sub3A_107 : i32
      %select_n3A_109 = arith.select %and3A_106, %sub3A_108, %div3A_87 : i32
      "tpu.region"() ({
        %run_scoped3A = tpu.sem_alloc : memref<!tpu.dma_semaphore, #tpu.memory_space<semaphore_mem>>
        %dma_start3A = arith.constant 0 : i32
        %dma_start3A_155 = arith.constant 0 : i32
        %dma_start3A_156 = tpu.memref_slice %arg5[%select_n3A_109, %dma_start3A, %dma_start3A_155] : memref<16384x8x64xf32, #tpu.memory_space<hbm>> -> memref<16x8x64xf32, #tpu.memory_space<hbm>>
        %dma_start3A_157 = arith.constant 0 : i32
        %dma_start3A_158 = arith.constant 0 : i32
        %dma_start3A_159 = tpu.memref_slice %arg5[%select_n3A_109, %dma_start3A_157, %dma_start3A_158] : memref<16384x8x64xf32, #tpu.memory_space<hbm>> -> memref<16x8x64xf32, #tpu.memory_space<hbm>>
        tpu.enqueue_dma source(%arg7 : memref<16x8x64xf32, #tpu.memory_space<vmem>>) target(%dma_start3A_159 : memref<16x8x64xf32, #tpu.memory_space<hbm>>) target_semaphore(%run_scoped3A : memref<!tpu.dma_semaphore, #tpu.memory_space<semaphore_mem>>)
        %dma_wait3A = arith.constant 0 : i32
        %dma_wait3A_160 = arith.constant 0 : i32
        %dma_wait3A_161 = tpu.memref_slice %arg5[%select_n3A_109, %dma_wait3A, %dma_wait3A_160] : memref<16384x8x64xf32, #tpu.memory_space<hbm>> -> memref<16x8x64xf32, #tpu.memory_space<hbm>>
        %dma_wait3A_162 = arith.constant 0 : i32
        %dma_wait3A_163 = arith.constant 0 : i32
        %dma_wait3A_164 = tpu.memref_slice %arg5[%select_n3A_109, %dma_wait3A_162, %dma_wait3A_163] : memref<16384x8x64xf32, #tpu.memory_space<hbm>> -> memref<16x8x64xf32, #tpu.memory_space<hbm>>
        tpu.wait_dma2 semaphore(%run_scoped3A : memref<!tpu.dma_semaphore, #tpu.memory_space<semaphore_mem>>) src(%arg7 : memref<16x8x64xf32, #tpu.memory_space<vmem>>) dst(%dma_wait3A_164 : memref<16x8x64xf32, #tpu.memory_space<hbm>>)
        tpu.yield
      }) : () -> ()
      %add3A_110 = arith.constant 2 : i32
      %add3A_111 = arith.addi %add3A_82, %add3A_110 : i32
      %scan3A_112 = arith.constant 0 : i32
      %scan3A_113 = arith.constant 0 : i32
      %scan3A_114 = arith.constant 8 : i32
      %scan3A_115 = arith.addi %scan3A_113, %scan3A_114 : i32
      %scan3A_116 = arith.constant 1 : i32
      scf.for %scan3A_155 = %scan3A_113 to %scan3A_115 step %scan3A_116  : i32 {
        %mul3A_156 = arith.constant 16 : i32
        %mul3A_157 = arith.muli %scan3A_155, %mul3A_156 : i32
        %get3A = arith.index_cast %add3A_111 : i32 to index
        %get3A_158 = arith.index_cast %mul3A_157 : i32 to index
        %get3A_159 = tpu.vector_load %arg6[%get3A, %get3A_158] {strides = array<i32>} : memref<32x128xi32, #tpu.memory_space<vmem>>, vector<1x16xi32>,
        %get3A_160 = vector.shape_cast %get3A_159 : vector<1x16xi32> to vector<16xi32>
        %shift_right_logical3A = arith.constant 3 : i32
        %shift_right_logical3A_161 = vector.broadcast %shift_right_logical3A : i32 to vector<16xi32>
        %shift_right_logical3A_162 = arith.shrui %get3A_160, %shift_right_logical3A_161 : vector<16xi32>
        %and3A_163 = arith.constant 7 : i32
        %and3A_164 = vector.broadcast %and3A_163 : i32 to vector<16xi32>
        %and3A_165 = arith.andi %get3A_160, %and3A_164 : vector<16xi32>
        %mul3A_166 = arith.constant 16 : i32
        %mul3A_167 = arith.muli %scan3A_155, %mul3A_166 : i32
        %add3A_168 = arith.constant 0 : i32
        %add3A_169 = arith.addi %mul3A_167, %add3A_168 : i32
        %slice3A = vector.extract_strided_slice %shift_right_logical3A_162 {offsets = [0], sizes = [1], strides = [1]} : vector<16xi32> to vector<1xi32>
        %squeeze3A = vector.extract %slice3A[0] : i32 from vector<1xi32>
        %slice3A_170 = vector.extract_strided_slice %and3A_165 {offsets = [0], sizes = [1], strides = [1]} : vector<16xi32> to vector<1xi32>
        %squeeze3A_171 = vector.extract %slice3A_170[0] : i32 from vector<1xi32>
        %div3A_172 = arith.constant 8 : i32
        %div3A_173 = arith.divsi %add3A_169, %div3A_172 : i32
        %rem3A_174 = arith.constant 8 : i32
        %rem3A_175 = arith.remsi %add3A_169, %rem3A_174 : i32
        %dma_start3A = arith.constant 0 : i32
        %dma_start3A_176 = tpu.memref_slice %arg7[%div3A_173, %rem3A_175, %dma_start3A] : memref<16x8x64xf32, #tpu.memory_space<vmem>> -> memref<1x1x64xf32, #tpu.memory_space<vmem>>
        %dma_start3A_177 = tpu.memref_squeeze %dma_start3A_176 : memref<1x1x64xf32, #tpu.memory_space<vmem>> -> memref<64xf32, #tpu.memory_space<vmem>>
        %dma_start3A_178 = arith.constant 0 : i32
        %dma_start3A_179 = tpu.memref_slice %arg3[%squeeze3A, %squeeze3A_171, %dma_start3A_178] : memref<100000x8x64xf32, #tpu.memory_space<hbm>> -> memref<1x1x64xf32, #tpu.memory_space<hbm>>
        %dma_start3A_180 = tpu.memref_squeeze %dma_start3A_179 : memref<1x1x64xf32, #tpu.memory_space<hbm>> -> memref<64xf32, #tpu.memory_space<hbm>>
        %dma_start3A_181 = arith.constant 0 : i32
        %dma_start3A_182 = tpu.memref_slice %arg7[%div3A_173, %rem3A_175, %dma_start3A_181] : memref<16x8x64xf32, #tpu.memory_space<vmem>> -> memref<1x1x64xf32, #tpu.memory_space<vmem>>
        %dma_start3A_183 = tpu.memref_squeeze %dma_start3A_182 : memref<1x1x64xf32, #tpu.memory_space<vmem>> -> memref<64xf32, #tpu.memory_space<vmem>>
        %dma_start3A_184 = arith.constant 0 : i32
        %dma_start3A_185 = tpu.memref_slice %arg3[%squeeze3A, %squeeze3A_171, %dma_start3A_184] : memref<100000x8x64xf32, #tpu.memory_space<hbm>> -> memref<1x1x64xf32, #tpu.memory_space<hbm>>
        %dma_start3A_186 = tpu.memref_squeeze %dma_start3A_185 : memref<1x1x64xf32, #tpu.memory_space<hbm>> -> memref<64xf32, #tpu.memory_space<hbm>>
        tpu.enqueue_dma source(%dma_start3A_186 : memref<64xf32, #tpu.memory_space<hbm>>) target(%dma_start3A_183 : memref<64xf32, #tpu.memory_space<vmem>>) target_semaphore(%arg9 : memref<!tpu.dma_semaphore, #tpu.memory_space<semaphore_mem>>)
        %mul3A_187 = arith.constant 16 : i32
        %mul3A_188 = arith.muli %scan3A_155, %mul3A_187 : i32
        %add3A_189 = arith.constant 1 : i32
        %add3A_190 = arith.addi %mul3A_188, %add3A_189 : i32
        %slice3A_191 = vector.extract_strided_slice %shift_right_logical3A_162 {offsets = [1], sizes = [1], strides = [1]} : vector<16xi32> to vector<1xi32>
        %squeeze3A_192 = vector.extract %slice3A_191[0] : i32 from vector<1xi32>
        %slice3A_193 = vector.extract_strided_slice %and3A_165 {offsets = [1], sizes = [1], strides = [1]} : vector<16xi32> to vector<1xi32>
        %squeeze3A_194 = vector.extract %slice3A_193[0] : i32 from vector<1xi32>
        %div3A_195 = arith.constant 8 : i32
        %div3A_196 = arith.divsi %add3A_190, %div3A_195 : i32
        %rem3A_197 = arith.constant 8 : i32
        %rem3A_198 = arith.remsi %add3A_190, %rem3A_197 : i32
        %dma_start3A_199 = arith.constant 0 : i32
        %dma_start3A_200 = tpu.memref_slice %arg7[%div3A_196, %rem3A_198, %dma_start3A_199] : memref<16x8x64xf32, #tpu.memory_space<vmem>> -> memref<1x1x64xf32, #tpu.memory_space<vmem>>
        %dma_start3A_201 = tpu.memref_squeeze %dma_start3A_200 : memref<1x1x64xf32, #tpu.memory_space<vmem>> -> memref<64xf32, #tpu.memory_space<vmem>>
        %dma_start3A_202 = arith.constant 0 : i32
        %dma_start3A_203 = tpu.memref_slice %arg3[%squeeze3A_192, %squeeze3A_194, %dma_start3A_202] : memref<100000x8x64xf32, #tpu.memory_space<hbm>> -> memref<1x1x64xf32, #tpu.memory_space<hbm>>
        %dma_start3A_204 = tpu.memref_squeeze %dma_start3A_203 : memref<1x1x64xf32, #tpu.memory_space<hbm>> -> memref<64xf32, #tpu.memory_space<hbm>>
        %dma_start3A_205 = arith.constant 0 : i32
        %dma_start3A_206 = tpu.memref_slice %arg7[%div3A_196, %rem3A_198, %dma_start3A_205] : memref<16x8x64xf32, #tpu.memory_space<vmem>> -> memref<1x1x64xf32, #tpu.memory_space<vmem>>
        %dma_start3A_207 = tpu.memref_squeeze %dma_start3A_206 : memref<1x1x64xf32, #tpu.memory_space<vmem>> -> memref<64xf32, #tpu.memory_space<vmem>>
        %dma_start3A_208 = arith.constant 0 : i32
        %dma_start3A_209 = tpu.memref_slice %arg3[%squeeze3A_192, %squeeze3A_194, %dma_start3A_208] : memref<100000x8x64xf32, #tpu.memory_space<hbm>> -> memref<1x1x64xf32, #tpu.memory_space<hbm>>
        %dma_start3A_210 = tpu.memref_squeeze %dma_start3A_209 : memref<1x1x64xf32, #tpu.memory_space<hbm>> -> memref<64xf32, #tpu.memory_space<hbm>>
        tpu.enqueue_dma source(%dma_start3A_210 : memref<64xf32, #tpu.memory_space<hbm>>) target(%dma_start3A_207 : memref<64xf32, #tpu.memory_space<vmem>>) target_semaphore(%arg9 : memref<!tpu.dma_semaphore, #tpu.memory_space<semaphore_mem>>)
        %mul3A_211 = arith.constant 16 : i32
        %mul3A_212 = arith.muli %scan3A_155, %mul3A_211 : i32
        %add3A_213 = arith.constant 2 : i32
        %add3A_214 = arith.addi %mul3A_212, %add3A_213 : i32
        %slice3A_215 = vector.extract_strided_slice %shift_right_logical3A_162 {offsets = [2], sizes = [1], strides = [1]} : vector<16xi32> to vector<1xi32>
        %squeeze3A_216 = vector.extract %slice3A_215[0] : i32 from vector<1xi32>
        %slice3A_217 = vector.extract_strided_slice %and3A_165 {offsets = [2], sizes = [1], strides = [1]} : vector<16xi32> to vector<1xi32>
        %squeeze3A_218 = vector.extract %slice3A_217[0] : i32 from vector<1xi32>
        %div3A_219 = arith.constant 8 : i32
        %div3A_220 = arith.divsi %add3A_214, %div3A_219 : i32
        %rem3A_221 = arith.constant 8 : i32
        %rem3A_222 = arith.remsi %add3A_214, %rem3A_221 : i32
        %dma_start3A_223 = arith.constant 0 : i32
        %dma_start3A_224 = tpu.memref_slice %arg7[%div3A_220, %rem3A_222, %dma_start3A_223] : memref<16x8x64xf32, #tpu.memory_space<vmem>> -> memref<1x1x64xf32, #tpu.memory_space<vmem>>
        %dma_start3A_225 = tpu.memref_squeeze %dma_start3A_224 : memref<1x1x64xf32, #tpu.memory_space<vmem>> -> memref<64xf32, #tpu.memory_space<vmem>>
        %dma_start3A_226 = arith.constant 0 : i32
        %dma_start3A_227 = tpu.memref_slice %arg3[%squeeze3A_216, %squeeze3A_218, %dma_start3A_226] : memref<100000x8x64xf32, #tpu.memory_space<hbm>> -> memref<1x1x64xf32, #tpu.memory_space<hbm>>
        %dma_start3A_228 = tpu.memref_squeeze %dma_start3A_227 : memref<1x1x64xf32, #tpu.memory_space<hbm>> -> memref<64xf32, #tpu.memory_space<hbm>>
        %dma_start3A_229 = arith.constant 0 : i32
        %dma_start3A_230 = tpu.memref_slice %arg7[%div3A_220, %rem3A_222, %dma_start3A_229] : memref<16x8x64xf32, #tpu.memory_space<vmem>> -> memref<1x1x64xf32, #tpu.memory_space<vmem>>
        %dma_start3A_231 = tpu.memref_squeeze %dma_start3A_230 : memref<1x1x64xf32, #tpu.memory_space<vmem>> -> memref<64xf32, #tpu.memory_space<vmem>>
        %dma_start3A_232 = arith.constant 0 : i32
        %dma_start3A_233 = tpu.memref_slice %arg3[%squeeze3A_216, %squeeze3A_218, %dma_start3A_232] : memref<100000x8x64xf32, #tpu.memory_space<hbm>> -> memref<1x1x64xf32, #tpu.memory_space<hbm>>
        %dma_start3A_234 = tpu.memref_squeeze %dma_start3A_233 : memref<1x1x64xf32, #tpu.memory_space<hbm>> -> memref<64xf32, #tpu.memory_space<hbm>>
        tpu.enqueue_dma source(%dma_start3A_234 : memref<64xf32, #tpu.memory_space<hbm>>) target(%dma_start3A_231 : memref<64xf32, #tpu.memory_space<vmem>>) target_semaphore(%arg9 : memref<!tpu.dma_semaphore, #tpu.memory_space<semaphore_mem>>)
        %mul3A_235 = arith.constant 16 : i32
        %mul3A_236 = arith.muli %scan3A_155, %mul3A_235 : i32
        %add3A_237 = arith.constant 3 : i32
        %add3A_238 = arith.addi %mul3A_236, %add3A_237 : i32
        %slice3A_239 = vector.extract_strided_slice %shift_right_logical3A_162 {offsets = [3], sizes = [1], strides = [1]} : vector<16xi32> to vector<1xi32>
        %squeeze3A_240 = vector.extract %slice3A_239[0] : i32 from vector<1xi32>
        %slice3A_241 = vector.extract_strided_slice %and3A_165 {offsets = [3], sizes = [1], strides = [1]} : vector<16xi32> to vector<1xi32>
        %squeeze3A_242 = vector.extract %slice3A_241[0] : i32 from vector<1xi32>
        %div3A_243 = arith.constant 8 : i32
        %div3A_244 = arith.divsi %add3A_238, %div3A_243 : i32
        %rem3A_245 = arith.constant 8 : i32
        %rem3A_246 = arith.remsi %add3A_238, %rem3A_245 : i32
        %dma_start3A_247 = arith.constant 0 : i32
        %dma_start3A_248 = tpu.memref_slice %arg7[%div3A_244, %rem3A_246, %dma_start3A_247] : memref<16x8x64xf32, #tpu.memory_space<vmem>> -> memref<1x1x64xf32, #tpu.memory_space<vmem>>
        %dma_start3A_249 = tpu.memref_squeeze %dma_start3A_248 : memref<1x1x64xf32, #tpu.memory_space<vmem>> -> memref<64xf32, #tpu.memory_space<vmem>>
        %dma_start3A_250 = arith.constant 0 : i32
        %dma_start3A_251 = tpu.memref_slice %arg3[%squeeze3A_240, %squeeze3A_242, %dma_start3A_250] : memref<100000x8x64xf32, #tpu.memory_space<hbm>> -> memref<1x1x64xf32, #tpu.memory_space<hbm>>
        %dma_start3A_252 = tpu.memref_squeeze %dma_start3A_251 : memref<1x1x64xf32, #tpu.memory_space<hbm>> -> memref<64xf32, #tpu.memory_space<hbm>>
        %dma_start3A_253 = arith.constant 0 : i32
        %dma_start3A_254 = tpu.memref_slice %arg7[%div3A_244, %rem3A_246, %dma_start3A_253] : memref<16x8x64xf32, #tpu.memory_space<vmem>> -> memref<1x1x64xf32, #tpu.memory_space<vmem>>
        %dma_start3A_255 = tpu.memref_squeeze %dma_start3A_254 : memref<1x1x64xf32, #tpu.memory_space<vmem>> -> memref<64xf32, #tpu.memory_space<vmem>>
        %dma_start3A_256 = arith.constant 0 : i32
        %dma_start3A_257 = tpu.memref_slice %arg3[%squeeze3A_240, %squeeze3A_242, %dma_start3A_256] : memref<100000x8x64xf32, #tpu.memory_space<hbm>> -> memref<1x1x64xf32, #tpu.memory_space<hbm>>
        %dma_start3A_258 = tpu.memref_squeeze %dma_start3A_257 : memref<1x1x64xf32, #tpu.memory_space<hbm>> -> memref<64xf32, #tpu.memory_space<hbm>>
        tpu.enqueue_dma source(%dma_start3A_258 : memref<64xf32, #tpu.memory_space<hbm>>) target(%dma_start3A_255 : memref<64xf32, #tpu.memory_space<vmem>>) target_semaphore(%arg9 : memref<!tpu.dma_semaphore, #tpu.memory_space<semaphore_mem>>)
        %mul3A_259 = arith.constant 16 : i32
        %mul3A_260 = arith.muli %scan3A_155, %mul3A_259 : i32
        %add3A_261 = arith.constant 4 : i32
        %add3A_262 = arith.addi %mul3A_260, %add3A_261 : i32
        %slice3A_263 = vector.extract_strided_slice %shift_right_logical3A_162 {offsets = [4], sizes = [1], strides = [1]} : vector<16xi32> to vector<1xi32>
        %squeeze3A_264 = vector.extract %slice3A_263[0] : i32 from vector<1xi32>
        %slice3A_265 = vector.extract_strided_slice %and3A_165 {offsets = [4], sizes = [1], strides = [1]} : vector<16xi32> to vector<1xi32>
        %squeeze3A_266 = vector.extract %slice3A_265[0] : i32 from vector<1xi32>
        %div3A_267 = arith.constant 8 : i32
        %div3A_268 = arith.divsi %add3A_262, %div3A_267 : i32
        %rem3A_269 = arith.constant 8 : i32
        %rem3A_270 = arith.remsi %add3A_262, %rem3A_269 : i32
        %dma_start3A_271 = arith.constant 0 : i32
        %dma_start3A_272 = tpu.memref_slice %arg7[%div3A_268, %rem3A_270, %dma_start3A_271] : memref<16x8x64xf32, #tpu.memory_space<vmem>> -> memref<1x1x64xf32, #tpu.memory_space<vmem>>
        %dma_start3A_273 = tpu.memref_squeeze %dma_start3A_272 : memref<1x1x64xf32, #tpu.memory_space<vmem>> -> memref<64xf32, #tpu.memory_space<vmem>>
        %dma_start3A_274 = arith.constant 0 : i32
        %dma_start3A_275 = tpu.memref_slice %arg3[%squeeze3A_264, %squeeze3A_266, %dma_start3A_274] : memref<100000x8x64xf32, #tpu.memory_space<hbm>> -> memref<1x1x64xf32, #tpu.memory_space<hbm>>
        %dma_start3A_276 = tpu.memref_squeeze %dma_start3A_275 : memref<1x1x64xf32, #tpu.memory_space<hbm>> -> memref<64xf32, #tpu.memory_space<hbm>>
        %dma_start3A_277 = arith.constant 0 : i32
        %dma_start3A_278 = tpu.memref_slice %arg7[%div3A_268, %rem3A_270, %dma_start3A_277] : memref<16x8x64xf32, #tpu.memory_space<vmem>> -> memref<1x1x64xf32, #tpu.memory_space<vmem>>
        %dma_start3A_279 = tpu.memref_squeeze %dma_start3A_278 : memref<1x1x64xf32, #tpu.memory_space<vmem>> -> memref<64xf32, #tpu.memory_space<vmem>>
        %dma_start3A_280 = arith.constant 0 : i32
        %dma_start3A_281 = tpu.memref_slice %arg3[%squeeze3A_264, %squeeze3A_266, %dma_start3A_280] : memref<100000x8x64xf32, #tpu.memory_space<hbm>> -> memref<1x1x64xf32, #tpu.memory_space<hbm>>
        %dma_start3A_282 = tpu.memref_squeeze %dma_start3A_281 : memref<1x1x64xf32, #tpu.memory_space<hbm>> -> memref<64xf32, #tpu.memory_space<hbm>>
        tpu.enqueue_dma source(%dma_start3A_282 : memref<64xf32, #tpu.memory_space<hbm>>) target(%dma_start3A_279 : memref<64xf32, #tpu.memory_space<vmem>>) target_semaphore(%arg9 : memref<!tpu.dma_semaphore, #tpu.memory_space<semaphore_mem>>)
        %mul3A_283 = arith.constant 16 : i32
        %mul3A_284 = arith.muli %scan3A_155, %mul3A_283 : i32
        %add3A_285 = arith.constant 5 : i32
        %add3A_286 = arith.addi %mul3A_284, %add3A_285 : i32
        %slice3A_287 = vector.extract_strided_slice %shift_right_logical3A_162 {offsets = [5], sizes = [1], strides = [1]} : vector<16xi32> to vector<1xi32>
        %squeeze3A_288 = vector.extract %slice3A_287[0] : i32 from vector<1xi32>
        %slice3A_289 = vector.extract_strided_slice %and3A_165 {offsets = [5], sizes = [1], strides = [1]} : vector<16xi32> to vector<1xi32>
        %squeeze3A_290 = vector.extract %slice3A_289[0] : i32 from vector<1xi32>
        %div3A_291 = arith.constant 8 : i32
        %div3A_292 = arith.divsi %add3A_286, %div3A_291 : i32
        %rem3A_293 = arith.constant 8 : i32
        %rem3A_294 = arith.remsi %add3A_286, %rem3A_293 : i32
        %dma_start3A_295 = arith.constant 0 : i32
        %dma_start3A_296 = tpu.memref_slice %arg7[%div3A_292, %rem3A_294, %dma_start3A_295] : memref<16x8x64xf32, #tpu.memory_space<vmem>> -> memref<1x1x64xf32, #tpu.memory_space<vmem>>
        %dma_start3A_297 = tpu.memref_squeeze %dma_start3A_296 : memref<1x1x64xf32, #tpu.memory_space<vmem>> -> memref<64xf32, #tpu.memory_space<vmem>>
        %dma_start3A_298 = arith.constant 0 : i32
        %dma_start3A_299 = tpu.memref_slice %arg3[%squeeze3A_288, %squeeze3A_290, %dma_start3A_298] : memref<100000x8x64xf32, #tpu.memory_space<hbm>> -> memref<1x1x64xf32, #tpu.memory_space<hbm>>
        %dma_start3A_300 = tpu.memref_squeeze %dma_start3A_299 : memref<1x1x64xf32, #tpu.memory_space<hbm>> -> memref<64xf32, #tpu.memory_space<hbm>>
        %dma_start3A_301 = arith.constant 0 : i32
        %dma_start3A_302 = tpu.memref_slice %arg7[%div3A_292, %rem3A_294, %dma_start3A_301] : memref<16x8x64xf32, #tpu.memory_space<vmem>> -> memref<1x1x64xf32, #tpu.memory_space<vmem>>
        %dma_start3A_303 = tpu.memref_squeeze %dma_start3A_302 : memref<1x1x64xf32, #tpu.memory_space<vmem>> -> memref<64xf32, #tpu.memory_space<vmem>>
        %dma_start3A_304 = arith.constant 0 : i32
        %dma_start3A_305 = tpu.memref_slice %arg3[%squeeze3A_288, %squeeze3A_290, %dma_start3A_304] : memref<100000x8x64xf32, #tpu.memory_space<hbm>> -> memref<1x1x64xf32, #tpu.memory_space<hbm>>
        %dma_start3A_306 = tpu.memref_squeeze %dma_start3A_305 : memref<1x1x64xf32, #tpu.memory_space<hbm>> -> memref<64xf32, #tpu.memory_space<hbm>>
        tpu.enqueue_dma source(%dma_start3A_306 : memref<64xf32, #tpu.memory_space<hbm>>) target(%dma_start3A_303 : memref<64xf32, #tpu.memory_space<vmem>>) target_semaphore(%arg9 : memref<!tpu.dma_semaphore, #tpu.memory_space<semaphore_mem>>)
        %mul3A_307 = arith.constant 16 : i32
        %mul3A_308 = arith.muli %scan3A_155, %mul3A_307 : i32
        %add3A_309 = arith.constant 6 : i32
        %add3A_310 = arith.addi %mul3A_308, %add3A_309 : i32
        %slice3A_311 = vector.extract_strided_slice %shift_right_logical3A_162 {offsets = [6], sizes = [1], strides = [1]} : vector<16xi32> to vector<1xi32>
        %squeeze3A_312 = vector.extract %slice3A_311[0] : i32 from vector<1xi32>
        %slice3A_313 = vector.extract_strided_slice %and3A_165 {offsets = [6], sizes = [1], strides = [1]} : vector<16xi32> to vector<1xi32>
        %squeeze3A_314 = vector.extract %slice3A_313[0] : i32 from vector<1xi32>
        %div3A_315 = arith.constant 8 : i32
        %div3A_316 = arith.divsi %add3A_310, %div3A_315 : i32
        %rem3A_317 = arith.constant 8 : i32
        %rem3A_318 = arith.remsi %add3A_310, %rem3A_317 : i32
        %dma_start3A_319 = arith.constant 0 : i32
        %dma_start3A_320 = tpu.memref_slice %arg7[%div3A_316, %rem3A_318, %dma_start3A_319] : memref<16x8x64xf32, #tpu.memory_space<vmem>> -> memref<1x1x64xf32, #tpu.memory_space<vmem>>
        %dma_start3A_321 = tpu.memref_squeeze %dma_start3A_320 : memref<1x1x64xf32, #tpu.memory_space<vmem>> -> memref<64xf32, #tpu.memory_space<vmem>>
        %dma_start3A_322 = arith.constant 0 : i32
        %dma_start3A_323 = tpu.memref_slice %arg3[%squeeze3A_312, %squeeze3A_314, %dma_start3A_322] : memref<100000x8x64xf32, #tpu.memory_space<hbm>> -> memref<1x1x64xf32, #tpu.memory_space<hbm>>
        %dma_start3A_324 = tpu.memref_squeeze %dma_start3A_323 : memref<1x1x64xf32, #tpu.memory_space<hbm>> -> memref<64xf32, #tpu.memory_space<hbm>>
        %dma_start3A_325 = arith.constant 0 : i32
        %dma_start3A_326 = tpu.memref_slice %arg7[%div3A_316, %rem3A_318, %dma_start3A_325] : memref<16x8x64xf32, #tpu.memory_space<vmem>> -> memref<1x1x64xf32, #tpu.memory_space<vmem>>
        %dma_start3A_327 = tpu.memref_squeeze %dma_start3A_326 : memref<1x1x64xf32, #tpu.memory_space<vmem>> -> memref<64xf32, #tpu.memory_space<vmem>>
        %dma_start3A_328 = arith.constant 0 : i32
        %dma_start3A_329 = tpu.memref_slice %arg3[%squeeze3A_312, %squeeze3A_314, %dma_start3A_328] : memref<100000x8x64xf32, #tpu.memory_space<hbm>> -> memref<1x1x64xf32, #tpu.memory_space<hbm>>
        %dma_start3A_330 = tpu.memref_squeeze %dma_start3A_329 : memref<1x1x64xf32, #tpu.memory_space<hbm>> -> memref<64xf32, #tpu.memory_space<hbm>>
        tpu.enqueue_dma source(%dma_start3A_330 : memref<64xf32, #tpu.memory_space<hbm>>) target(%dma_start3A_327 : memref<64xf32, #tpu.memory_space<vmem>>) target_semaphore(%arg9 : memref<!tpu.dma_semaphore, #tpu.memory_space<semaphore_mem>>)
        %mul3A_331 = arith.constant 16 : i32
        %mul3A_332 = arith.muli %scan3A_155, %mul3A_331 : i32
        %add3A_333 = arith.constant 7 : i32
        %add3A_334 = arith.addi %mul3A_332, %add3A_333 : i32
        %slice3A_335 = vector.extract_strided_slice %shift_right_logical3A_162 {offsets = [7], sizes = [1], strides = [1]} : vector<16xi32> to vector<1xi32>
        %squeeze3A_336 = vector.extract %slice3A_335[0] : i32 from vector<1xi32>
        %slice3A_337 = vector.extract_strided_slice %and3A_165 {offsets = [7], sizes = [1], strides = [1]} : vector<16xi32> to vector<1xi32>
        %squeeze3A_338 = vector.extract %slice3A_337[0] : i32 from vector<1xi32>
        %div3A_339 = arith.constant 8 : i32
        %div3A_340 = arith.divsi %add3A_334, %div3A_339 : i32
        %rem3A_341 = arith.constant 8 : i32
        %rem3A_342 = arith.remsi %add3A_334, %rem3A_341 : i32
        %dma_start3A_343 = arith.constant 0 : i32
        %dma_start3A_344 = tpu.memref_slice %arg7[%div3A_340, %rem3A_342, %dma_start3A_343] : memref<16x8x64xf32, #tpu.memory_space<vmem>> -> memref<1x1x64xf32, #tpu.memory_space<vmem>>
        %dma_start3A_345 = tpu.memref_squeeze %dma_start3A_344 : memref<1x1x64xf32, #tpu.memory_space<vmem>> -> memref<64xf32, #tpu.memory_space<vmem>>
        %dma_start3A_346 = arith.constant 0 : i32
        %dma_start3A_347 = tpu.memref_slice %arg3[%squeeze3A_336, %squeeze3A_338, %dma_start3A_346] : memref<100000x8x64xf32, #tpu.memory_space<hbm>> -> memref<1x1x64xf32, #tpu.memory_space<hbm>>
        %dma_start3A_348 = tpu.memref_squeeze %dma_start3A_347 : memref<1x1x64xf32, #tpu.memory_space<hbm>> -> memref<64xf32, #tpu.memory_space<hbm>>
        %dma_start3A_349 = arith.constant 0 : i32
        %dma_start3A_350 = tpu.memref_slice %arg7[%div3A_340, %rem3A_342, %dma_start3A_349] : memref<16x8x64xf32, #tpu.memory_space<vmem>> -> memref<1x1x64xf32, #tpu.memory_space<vmem>>
        %dma_start3A_351 = tpu.memref_squeeze %dma_start3A_350 : memref<1x1x64xf32, #tpu.memory_space<vmem>> -> memref<64xf32, #tpu.memory_space<vmem>>
        %dma_start3A_352 = arith.constant 0 : i32
        %dma_start3A_353 = tpu.memref_slice %arg3[%squeeze3A_336, %squeeze3A_338, %dma_start3A_352] : memref<100000x8x64xf32, #tpu.memory_space<hbm>> -> memref<1x1x64xf32, #tpu.memory_space<hbm>>
        %dma_start3A_354 = tpu.memref_squeeze %dma_start3A_353 : memref<1x1x64xf32, #tpu.memory_space<hbm>> -> memref<64xf32, #tpu.memory_space<hbm>>
        tpu.enqueue_dma source(%dma_start3A_354 : memref<64xf32, #tpu.memory_space<hbm>>) target(%dma_start3A_351 : memref<64xf32, #tpu.memory_space<vmem>>) target_semaphore(%arg9 : memref<!tpu.dma_semaphore, #tpu.memory_space<semaphore_mem>>)
        %mul3A_355 = arith.constant 16 : i32
        %mul3A_356 = arith.muli %scan3A_155, %mul3A_355 : i32
        %add3A_357 = arith.constant 8 : i32
        %add3A_358 = arith.addi %mul3A_356, %add3A_357 : i32
        %slice3A_359 = vector.extract_strided_slice %shift_right_logical3A_162 {offsets = [8], sizes = [1], strides = [1]} : vector<16xi32> to vector<1xi32>
        %squeeze3A_360 = vector.extract %slice3A_359[0] : i32 from vector<1xi32>
        %slice3A_361 = vector.extract_strided_slice %and3A_165 {offsets = [8], sizes = [1], strides = [1]} : vector<16xi32> to vector<1xi32>
        %squeeze3A_362 = vector.extract %slice3A_361[0] : i32 from vector<1xi32>
        %div3A_363 = arith.constant 8 : i32
        %div3A_364 = arith.divsi %add3A_358, %div3A_363 : i32
        %rem3A_365 = arith.constant 8 : i32
        %rem3A_366 = arith.remsi %add3A_358, %rem3A_365 : i32
        %dma_start3A_367 = arith.constant 0 : i32
        %dma_start3A_368 = tpu.memref_slice %arg7[%div3A_364, %rem3A_366, %dma_start3A_367] : memref<16x8x64xf32, #tpu.memory_space<vmem>> -> memref<1x1x64xf32, #tpu.memory_space<vmem>>
        %dma_start3A_369 = tpu.memref_squeeze %dma_start3A_368 : memref<1x1x64xf32, #tpu.memory_space<vmem>> -> memref<64xf32, #tpu.memory_space<vmem>>
        %dma_start3A_370 = arith.constant 0 : i32
        %dma_start3A_371 = tpu.memref_slice %arg3[%squeeze3A_360, %squeeze3A_362, %dma_start3A_370] : memref<100000x8x64xf32, #tpu.memory_space<hbm>> -> memref<1x1x64xf32, #tpu.memory_space<hbm>>
        %dma_start3A_372 = tpu.memref_squeeze %dma_start3A_371 : memref<1x1x64xf32, #tpu.memory_space<hbm>> -> memref<64xf32, #tpu.memory_space<hbm>>
        %dma_start3A_373 = arith.constant 0 : i32
        %dma_start3A_374 = tpu.memref_slice %arg7[%div3A_364, %rem3A_366, %dma_start3A_373] : memref<16x8x64xf32, #tpu.memory_space<vmem>> -> memref<1x1x64xf32, #tpu.memory_space<vmem>>
        %dma_start3A_375 = tpu.memref_squeeze %dma_start3A_374 : memref<1x1x64xf32, #tpu.memory_space<vmem>> -> memref<64xf32, #tpu.memory_space<vmem>>
        %dma_start3A_376 = arith.constant 0 : i32
        %dma_start3A_377 = tpu.memref_slice %arg3[%squeeze3A_360, %squeeze3A_362, %dma_start3A_376] : memref<100000x8x64xf32, #tpu.memory_space<hbm>> -> memref<1x1x64xf32, #tpu.memory_space<hbm>>
        %dma_start3A_378 = tpu.memref_squeeze %dma_start3A_377 : memref<1x1x64xf32, #tpu.memory_space<hbm>> -> memref<64xf32, #tpu.memory_space<hbm>>
        tpu.enqueue_dma source(%dma_start3A_378 : memref<64xf32, #tpu.memory_space<hbm>>) target(%dma_start3A_375 : memref<64xf32, #tpu.memory_space<vmem>>) target_semaphore(%arg9 : memref<!tpu.dma_semaphore, #tpu.memory_space<semaphore_mem>>)
        %mul3A_379 = arith.constant 16 : i32
        %mul3A_380 = arith.muli %scan3A_155, %mul3A_379 : i32
        %add3A_381 = arith.constant 9 : i32
        %add3A_382 = arith.addi %mul3A_380, %add3A_381 : i32
        %slice3A_383 = vector.extract_strided_slice %shift_right_logical3A_162 {offsets = [9], sizes = [1], strides = [1]} : vector<16xi32> to vector<1xi32>
        %squeeze3A_384 = vector.extract %slice3A_383[0] : i32 from vector<1xi32>
        %slice3A_385 = vector.extract_strided_slice %and3A_165 {offsets = [9], sizes = [1], strides = [1]} : vector<16xi32> to vector<1xi32>
        %squeeze3A_386 = vector.extract %slice3A_385[0] : i32 from vector<1xi32>
        %div3A_387 = arith.constant 8 : i32
        %div3A_388 = arith.divsi %add3A_382, %div3A_387 : i32
        %rem3A_389 = arith.constant 8 : i32
        %rem3A_390 = arith.remsi %add3A_382, %rem3A_389 : i32
        %dma_start3A_391 = arith.constant 0 : i32
        %dma_start3A_392 = tpu.memref_slice %arg7[%div3A_388, %rem3A_390, %dma_start3A_391] : memref<16x8x64xf32, #tpu.memory_space<vmem>> -> memref<1x1x64xf32, #tpu.memory_space<vmem>>
        %dma_start3A_393 = tpu.memref_squeeze %dma_start3A_392 : memref<1x1x64xf32, #tpu.memory_space<vmem>> -> memref<64xf32, #tpu.memory_space<vmem>>
        %dma_start3A_394 = arith.constant 0 : i32
        %dma_start3A_395 = tpu.memref_slice %arg3[%squeeze3A_384, %squeeze3A_386, %dma_start3A_394] : memref<100000x8x64xf32, #tpu.memory_space<hbm>> -> memref<1x1x64xf32, #tpu.memory_space<hbm>>
        %dma_start3A_396 = tpu.memref_squeeze %dma_start3A_395 : memref<1x1x64xf32, #tpu.memory_space<hbm>> -> memref<64xf32, #tpu.memory_space<hbm>>
        %dma_start3A_397 = arith.constant 0 : i32
        %dma_start3A_398 = tpu.memref_slice %arg7[%div3A_388, %rem3A_390, %dma_start3A_397] : memref<16x8x64xf32, #tpu.memory_space<vmem>> -> memref<1x1x64xf32, #tpu.memory_space<vmem>>
        %dma_start3A_399 = tpu.memref_squeeze %dma_start3A_398 : memref<1x1x64xf32, #tpu.memory_space<vmem>> -> memref<64xf32, #tpu.memory_space<vmem>>
        %dma_start3A_400 = arith.constant 0 : i32
        %dma_start3A_401 = tpu.memref_slice %arg3[%squeeze3A_384, %squeeze3A_386, %dma_start3A_400] : memref<100000x8x64xf32, #tpu.memory_space<hbm>> -> memref<1x1x64xf32, #tpu.memory_space<hbm>>
        %dma_start3A_402 = tpu.memref_squeeze %dma_start3A_401 : memref<1x1x64xf32, #tpu.memory_space<hbm>> -> memref<64xf32, #tpu.memory_space<hbm>>
        tpu.enqueue_dma source(%dma_start3A_402 : memref<64xf32, #tpu.memory_space<hbm>>) target(%dma_start3A_399 : memref<64xf32, #tpu.memory_space<vmem>>) target_semaphore(%arg9 : memref<!tpu.dma_semaphore, #tpu.memory_space<semaphore_mem>>)
        %mul3A_403 = arith.constant 16 : i32
        %mul3A_404 = arith.muli %scan3A_155, %mul3A_403 : i32
        %add3A_405 = arith.constant 10 : i32
        %add3A_406 = arith.addi %mul3A_404, %add3A_405 : i32
        %slice3A_407 = vector.extract_strided_slice %shift_right_logical3A_162 {offsets = [10], sizes = [1], strides = [1]} : vector<16xi32> to vector<1xi32>
        %squeeze3A_408 = vector.extract %slice3A_407[0] : i32 from vector<1xi32>
        %slice3A_409 = vector.extract_strided_slice %and3A_165 {offsets = [10], sizes = [1], strides = [1]} : vector<16xi32> to vector<1xi32>
        %squeeze3A_410 = vector.extract %slice3A_409[0] : i32 from vector<1xi32>
        %div3A_411 = arith.constant 8 : i32
        %div3A_412 = arith.divsi %add3A_406, %div3A_411 : i32
        %rem3A_413 = arith.constant 8 : i32
        %rem3A_414 = arith.remsi %add3A_406, %rem3A_413 : i32
        %dma_start3A_415 = arith.constant 0 : i32
        %dma_start3A_416 = tpu.memref_slice %arg7[%div3A_412, %rem3A_414, %dma_start3A_415] : memref<16x8x64xf32, #tpu.memory_space<vmem>> -> memref<1x1x64xf32, #tpu.memory_space<vmem>>
        %dma_start3A_417 = tpu.memref_squeeze %dma_start3A_416 : memref<1x1x64xf32, #tpu.memory_space<vmem>> -> memref<64xf32, #tpu.memory_space<vmem>>
        %dma_start3A_418 = arith.constant 0 : i32
        %dma_start3A_419 = tpu.memref_slice %arg3[%squeeze3A_408, %squeeze3A_410, %dma_start3A_418] : memref<100000x8x64xf32, #tpu.memory_space<hbm>> -> memref<1x1x64xf32, #tpu.memory_space<hbm>>
        %dma_start3A_420 = tpu.memref_squeeze %dma_start3A_419 : memref<1x1x64xf32, #tpu.memory_space<hbm>> -> memref<64xf32, #tpu.memory_space<hbm>>
        %dma_start3A_421 = arith.constant 0 : i32
        %dma_start3A_422 = tpu.memref_slice %arg7[%div3A_412, %rem3A_414, %dma_start3A_421] : memref<16x8x64xf32, #tpu.memory_space<vmem>> -> memref<1x1x64xf32, #tpu.memory_space<vmem>>
        %dma_start3A_423 = tpu.memref_squeeze %dma_start3A_422 : memref<1x1x64xf32, #tpu.memory_space<vmem>> -> memref<64xf32, #tpu.memory_space<vmem>>
        %dma_start3A_424 = arith.constant 0 : i32
        %dma_start3A_425 = tpu.memref_slice %arg3[%squeeze3A_408, %squeeze3A_410, %dma_start3A_424] : memref<100000x8x64xf32, #tpu.memory_space<hbm>> -> memref<1x1x64xf32, #tpu.memory_space<hbm>>
        %dma_start3A_426 = tpu.memref_squeeze %dma_start3A_425 : memref<1x1x64xf32, #tpu.memory_space<hbm>> -> memref<64xf32, #tpu.memory_space<hbm>>
        tpu.enqueue_dma source(%dma_start3A_426 : memref<64xf32, #tpu.memory_space<hbm>>) target(%dma_start3A_423 : memref<64xf32, #tpu.memory_space<vmem>>) target_semaphore(%arg9 : memref<!tpu.dma_semaphore, #tpu.memory_space<semaphore_mem>>)
        %mul3A_427 = arith.constant 16 : i32
        %mul3A_428 = arith.muli %scan3A_155, %mul3A_427 : i32
        %add3A_429 = arith.constant 11 : i32
        %add3A_430 = arith.addi %mul3A_428, %add3A_429 : i32
        %slice3A_431 = vector.extract_strided_slice %shift_right_logical3A_162 {offsets = [11], sizes = [1], strides = [1]} : vector<16xi32> to vector<1xi32>
        %squeeze3A_432 = vector.extract %slice3A_431[0] : i32 from vector<1xi32>
        %slice3A_433 = vector.extract_strided_slice %and3A_165 {offsets = [11], sizes = [1], strides = [1]} : vector<16xi32> to vector<1xi32>
        %squeeze3A_434 = vector.extract %slice3A_433[0] : i32 from vector<1xi32>
        %div3A_435 = arith.constant 8 : i32
        %div3A_436 = arith.divsi %add3A_430, %div3A_435 : i32
        %rem3A_437 = arith.constant 8 : i32
        %rem3A_438 = arith.remsi %add3A_430, %rem3A_437 : i32
        %dma_start3A_439 = arith.constant 0 : i32
        %dma_start3A_440 = tpu.memref_slice %arg7[%div3A_436, %rem3A_438, %dma_start3A_439] : memref<16x8x64xf32, #tpu.memory_space<vmem>> -> memref<1x1x64xf32, #tpu.memory_space<vmem>>
        %dma_start3A_441 = tpu.memref_squeeze %dma_start3A_440 : memref<1x1x64xf32, #tpu.memory_space<vmem>> -> memref<64xf32, #tpu.memory_space<vmem>>
        %dma_start3A_442 = arith.constant 0 : i32
        %dma_start3A_443 = tpu.memref_slice %arg3[%squeeze3A_432, %squeeze3A_434, %dma_start3A_442] : memref<100000x8x64xf32, #tpu.memory_space<hbm>> -> memref<1x1x64xf32, #tpu.memory_space<hbm>>
        %dma_start3A_444 = tpu.memref_squeeze %dma_start3A_443 : memref<1x1x64xf32, #tpu.memory_space<hbm>> -> memref<64xf32, #tpu.memory_space<hbm>>
        %dma_start3A_445 = arith.constant 0 : i32
        %dma_start3A_446 = tpu.memref_slice %arg7[%div3A_436, %rem3A_438, %dma_start3A_445] : memref<16x8x64xf32, #tpu.memory_space<vmem>> -> memref<1x1x64xf32, #tpu.memory_space<vmem>>
        %dma_start3A_447 = tpu.memref_squeeze %dma_start3A_446 : memref<1x1x64xf32, #tpu.memory_space<vmem>> -> memref<64xf32, #tpu.memory_space<vmem>>
        %dma_start3A_448 = arith.constant 0 : i32
        %dma_start3A_449 = tpu.memref_slice %arg3[%squeeze3A_432, %squeeze3A_434, %dma_start3A_448] : memref<100000x8x64xf32, #tpu.memory_space<hbm>> -> memref<1x1x64xf32, #tpu.memory_space<hbm>>
        %dma_start3A_450 = tpu.memref_squeeze %dma_start3A_449 : memref<1x1x64xf32, #tpu.memory_space<hbm>> -> memref<64xf32, #tpu.memory_space<hbm>>
        tpu.enqueue_dma source(%dma_start3A_450 : memref<64xf32, #tpu.memory_space<hbm>>) target(%dma_start3A_447 : memref<64xf32, #tpu.memory_space<vmem>>) target_semaphore(%arg9 : memref<!tpu.dma_semaphore, #tpu.memory_space<semaphore_mem>>)
        %mul3A_451 = arith.constant 16 : i32
        %mul3A_452 = arith.muli %scan3A_155, %mul3A_451 : i32
        %add3A_453 = arith.constant 12 : i32
        %add3A_454 = arith.addi %mul3A_452, %add3A_453 : i32
        %slice3A_455 = vector.extract_strided_slice %shift_right_logical3A_162 {offsets = [12], sizes = [1], strides = [1]} : vector<16xi32> to vector<1xi32>
        %squeeze3A_456 = vector.extract %slice3A_455[0] : i32 from vector<1xi32>
        %slice3A_457 = vector.extract_strided_slice %and3A_165 {offsets = [12], sizes = [1], strides = [1]} : vector<16xi32> to vector<1xi32>
        %squeeze3A_458 = vector.extract %slice3A_457[0] : i32 from vector<1xi32>
        %div3A_459 = arith.constant 8 : i32
        %div3A_460 = arith.divsi %add3A_454, %div3A_459 : i32
        %rem3A_461 = arith.constant 8 : i32
        %rem3A_462 = arith.remsi %add3A_454, %rem3A_461 : i32
        %dma_start3A_463 = arith.constant 0 : i32
        %dma_start3A_464 = tpu.memref_slice %arg7[%div3A_460, %rem3A_462, %dma_start3A_463] : memref<16x8x64xf32, #tpu.memory_space<vmem>> -> memref<1x1x64xf32, #tpu.memory_space<vmem>>
        %dma_start3A_465 = tpu.memref_squeeze %dma_start3A_464 : memref<1x1x64xf32, #tpu.memory_space<vmem>> -> memref<64xf32, #tpu.memory_space<vmem>>
        %dma_start3A_466 = arith.constant 0 : i32
        %dma_start3A_467 = tpu.memref_slice %arg3[%squeeze3A_456, %squeeze3A_458, %dma_start3A_466] : memref<100000x8x64xf32, #tpu.memory_space<hbm>> -> memref<1x1x64xf32, #tpu.memory_space<hbm>>
        %dma_start3A_468 = tpu.memref_squeeze %dma_start3A_467 : memref<1x1x64xf32, #tpu.memory_space<hbm>> -> memref<64xf32, #tpu.memory_space<hbm>>
        %dma_start3A_469 = arith.constant 0 : i32
        %dma_start3A_470 = tpu.memref_slice %arg7[%div3A_460, %rem3A_462, %dma_start3A_469] : memref<16x8x64xf32, #tpu.memory_space<vmem>> -> memref<1x1x64xf32, #tpu.memory_space<vmem>>
        %dma_start3A_471 = tpu.memref_squeeze %dma_start3A_470 : memref<1x1x64xf32, #tpu.memory_space<vmem>> -> memref<64xf32, #tpu.memory_space<vmem>>
        %dma_start3A_472 = arith.constant 0 : i32
        %dma_start3A_473 = tpu.memref_slice %arg3[%squeeze3A_456, %squeeze3A_458, %dma_start3A_472] : memref<100000x8x64xf32, #tpu.memory_space<hbm>> -> memref<1x1x64xf32, #tpu.memory_space<hbm>>
        %dma_start3A_474 = tpu.memref_squeeze %dma_start3A_473 : memref<1x1x64xf32, #tpu.memory_space<hbm>> -> memref<64xf32, #tpu.memory_space<hbm>>
        tpu.enqueue_dma source(%dma_start3A_474 : memref<64xf32, #tpu.memory_space<hbm>>) target(%dma_start3A_471 : memref<64xf32, #tpu.memory_space<vmem>>) target_semaphore(%arg9 : memref<!tpu.dma_semaphore, #tpu.memory_space<semaphore_mem>>)
        %mul3A_475 = arith.constant 16 : i32
        %mul3A_476 = arith.muli %scan3A_155, %mul3A_475 : i32
        %add3A_477 = arith.constant 13 : i32
        %add3A_478 = arith.addi %mul3A_476, %add3A_477 : i32
        %slice3A_479 = vector.extract_strided_slice %shift_right_logical3A_162 {offsets = [13], sizes = [1], strides = [1]} : vector<16xi32> to vector<1xi32>
        %squeeze3A_480 = vector.extract %slice3A_479[0] : i32 from vector<1xi32>
        %slice3A_481 = vector.extract_strided_slice %and3A_165 {offsets = [13], sizes = [1], strides = [1]} : vector<16xi32> to vector<1xi32>
        %squeeze3A_482 = vector.extract %slice3A_481[0] : i32 from vector<1xi32>
        %div3A_483 = arith.constant 8 : i32
        %div3A_484 = arith.divsi %add3A_478, %div3A_483 : i32
        %rem3A_485 = arith.constant 8 : i32
        %rem3A_486 = arith.remsi %add3A_478, %rem3A_485 : i32
        %dma_start3A_487 = arith.constant 0 : i32
        %dma_start3A_488 = tpu.memref_slice %arg7[%div3A_484, %rem3A_486, %dma_start3A_487] : memref<16x8x64xf32, #tpu.memory_space<vmem>> -> memref<1x1x64xf32, #tpu.memory_space<vmem>>
        %dma_start3A_489 = tpu.memref_squeeze %dma_start3A_488 : memref<1x1x64xf32, #tpu.memory_space<vmem>> -> memref<64xf32, #tpu.memory_space<vmem>>
        %dma_start3A_490 = arith.constant 0 : i32
        %dma_start3A_491 = tpu.memref_slice %arg3[%squeeze3A_480, %squeeze3A_482, %dma_start3A_490] : memref<100000x8x64xf32, #tpu.memory_space<hbm>> -> memref<1x1x64xf32, #tpu.memory_space<hbm>>
        %dma_start3A_492 = tpu.memref_squeeze %dma_start3A_491 : memref<1x1x64xf32, #tpu.memory_space<hbm>> -> memref<64xf32, #tpu.memory_space<hbm>>
        %dma_start3A_493 = arith.constant 0 : i32
        %dma_start3A_494 = tpu.memref_slice %arg7[%div3A_484, %rem3A_486, %dma_start3A_493] : memref<16x8x64xf32, #tpu.memory_space<vmem>> -> memref<1x1x64xf32, #tpu.memory_space<vmem>>
        %dma_start3A_495 = tpu.memref_squeeze %dma_start3A_494 : memref<1x1x64xf32, #tpu.memory_space<vmem>> -> memref<64xf32, #tpu.memory_space<vmem>>
        %dma_start3A_496 = arith.constant 0 : i32
        %dma_start3A_497 = tpu.memref_slice %arg3[%squeeze3A_480, %squeeze3A_482, %dma_start3A_496] : memref<100000x8x64xf32, #tpu.memory_space<hbm>> -> memref<1x1x64xf32, #tpu.memory_space<hbm>>
        %dma_start3A_498 = tpu.memref_squeeze %dma_start3A_497 : memref<1x1x64xf32, #tpu.memory_space<hbm>> -> memref<64xf32, #tpu.memory_space<hbm>>
        tpu.enqueue_dma source(%dma_start3A_498 : memref<64xf32, #tpu.memory_space<hbm>>) target(%dma_start3A_495 : memref<64xf32, #tpu.memory_space<vmem>>) target_semaphore(%arg9 : memref<!tpu.dma_semaphore, #tpu.memory_space<semaphore_mem>>)
        %mul3A_499 = arith.constant 16 : i32
        %mul3A_500 = arith.muli %scan3A_155, %mul3A_499 : i32
        %add3A_501 = arith.constant 14 : i32
        %add3A_502 = arith.addi %mul3A_500, %add3A_501 : i32
        %slice3A_503 = vector.extract_strided_slice %shift_right_logical3A_162 {offsets = [14], sizes = [1], strides = [1]} : vector<16xi32> to vector<1xi32>
        %squeeze3A_504 = vector.extract %slice3A_503[0] : i32 from vector<1xi32>
        %slice3A_505 = vector.extract_strided_slice %and3A_165 {offsets = [14], sizes = [1], strides = [1]} : vector<16xi32> to vector<1xi32>
        %squeeze3A_506 = vector.extract %slice3A_505[0] : i32 from vector<1xi32>
        %div3A_507 = arith.constant 8 : i32
        %div3A_508 = arith.divsi %add3A_502, %div3A_507 : i32
        %rem3A_509 = arith.constant 8 : i32
        %rem3A_510 = arith.remsi %add3A_502, %rem3A_509 : i32
        %dma_start3A_511 = arith.constant 0 : i32
        %dma_start3A_512 = tpu.memref_slice %arg7[%div3A_508, %rem3A_510, %dma_start3A_511] : memref<16x8x64xf32, #tpu.memory_space<vmem>> -> memref<1x1x64xf32, #tpu.memory_space<vmem>>
        %dma_start3A_513 = tpu.memref_squeeze %dma_start3A_512 : memref<1x1x64xf32, #tpu.memory_space<vmem>> -> memref<64xf32, #tpu.memory_space<vmem>>
        %dma_start3A_514 = arith.constant 0 : i32
        %dma_start3A_515 = tpu.memref_slice %arg3[%squeeze3A_504, %squeeze3A_506, %dma_start3A_514] : memref<100000x8x64xf32, #tpu.memory_space<hbm>> -> memref<1x1x64xf32, #tpu.memory_space<hbm>>
        %dma_start3A_516 = tpu.memref_squeeze %dma_start3A_515 : memref<1x1x64xf32, #tpu.memory_space<hbm>> -> memref<64xf32, #tpu.memory_space<hbm>>
        %dma_start3A_517 = arith.constant 0 : i32
        %dma_start3A_518 = tpu.memref_slice %arg7[%div3A_508, %rem3A_510, %dma_start3A_517] : memref<16x8x64xf32, #tpu.memory_space<vmem>> -> memref<1x1x64xf32, #tpu.memory_space<vmem>>
        %dma_start3A_519 = tpu.memref_squeeze %dma_start3A_518 : memref<1x1x64xf32, #tpu.memory_space<vmem>> -> memref<64xf32, #tpu.memory_space<vmem>>
        %dma_start3A_520 = arith.constant 0 : i32
        %dma_start3A_521 = tpu.memref_slice %arg3[%squeeze3A_504, %squeeze3A_506, %dma_start3A_520] : memref<100000x8x64xf32, #tpu.memory_space<hbm>> -> memref<1x1x64xf32, #tpu.memory_space<hbm>>
        %dma_start3A_522 = tpu.memref_squeeze %dma_start3A_521 : memref<1x1x64xf32, #tpu.memory_space<hbm>> -> memref<64xf32, #tpu.memory_space<hbm>>
        tpu.enqueue_dma source(%dma_start3A_522 : memref<64xf32, #tpu.memory_space<hbm>>) target(%dma_start3A_519 : memref<64xf32, #tpu.memory_space<vmem>>) target_semaphore(%arg9 : memref<!tpu.dma_semaphore, #tpu.memory_space<semaphore_mem>>)
        %mul3A_523 = arith.constant 16 : i32
        %mul3A_524 = arith.muli %scan3A_155, %mul3A_523 : i32
        %add3A_525 = arith.constant 15 : i32
        %add3A_526 = arith.addi %mul3A_524, %add3A_525 : i32
        %slice3A_527 = vector.extract_strided_slice %shift_right_logical3A_162 {offsets = [15], sizes = [1], strides = [1]} : vector<16xi32> to vector<1xi32>
        %squeeze3A_528 = vector.extract %slice3A_527[0] : i32 from vector<1xi32>
        %slice3A_529 = vector.extract_strided_slice %and3A_165 {offsets = [15], sizes = [1], strides = [1]} : vector<16xi32> to vector<1xi32>
        %squeeze3A_530 = vector.extract %slice3A_529[0] : i32 from vector<1xi32>
        %div3A_531 = arith.constant 8 : i32
        %div3A_532 = arith.divsi %add3A_526, %div3A_531 : i32
        %rem3A_533 = arith.constant 8 : i32
        %rem3A_534 = arith.remsi %add3A_526, %rem3A_533 : i32
        %dma_start3A_535 = arith.constant 0 : i32
        %dma_start3A_536 = tpu.memref_slice %arg7[%div3A_532, %rem3A_534, %dma_start3A_535] : memref<16x8x64xf32, #tpu.memory_space<vmem>> -> memref<1x1x64xf32, #tpu.memory_space<vmem>>
        %dma_start3A_537 = tpu.memref_squeeze %dma_start3A_536 : memref<1x1x64xf32, #tpu.memory_space<vmem>> -> memref<64xf32, #tpu.memory_space<vmem>>
        %dma_start3A_538 = arith.constant 0 : i32
        %dma_start3A_539 = tpu.memref_slice %arg3[%squeeze3A_528, %squeeze3A_530, %dma_start3A_538] : memref<100000x8x64xf32, #tpu.memory_space<hbm>> -> memref<1x1x64xf32, #tpu.memory_space<hbm>>
        %dma_start3A_540 = tpu.memref_squeeze %dma_start3A_539 : memref<1x1x64xf32, #tpu.memory_space<hbm>> -> memref<64xf32, #tpu.memory_space<hbm>>
        %dma_start3A_541 = arith.constant 0 : i32
        %dma_start3A_542 = tpu.memref_slice %arg7[%div3A_532, %rem3A_534, %dma_start3A_541] : memref<16x8x64xf32, #tpu.memory_space<vmem>> -> memref<1x1x64xf32, #tpu.memory_space<vmem>>
        %dma_start3A_543 = tpu.memref_squeeze %dma_start3A_542 : memref<1x1x64xf32, #tpu.memory_space<vmem>> -> memref<64xf32, #tpu.memory_space<vmem>>
        %dma_start3A_544 = arith.constant 0 : i32
        %dma_start3A_545 = tpu.memref_slice %arg3[%squeeze3A_528, %squeeze3A_530, %dma_start3A_544] : memref<100000x8x64xf32, #tpu.memory_space<hbm>> -> memref<1x1x64xf32, #tpu.memory_space<hbm>>
        %dma_start3A_546 = tpu.memref_squeeze %dma_start3A_545 : memref<1x1x64xf32, #tpu.memory_space<hbm>> -> memref<64xf32, #tpu.memory_space<hbm>>
        tpu.enqueue_dma source(%dma_start3A_546 : memref<64xf32, #tpu.memory_space<hbm>>) target(%dma_start3A_543 : memref<64xf32, #tpu.memory_space<vmem>>) target_semaphore(%arg9 : memref<!tpu.dma_semaphore, #tpu.memory_space<semaphore_mem>>)
      }
      %scan3A_117 = arith.constant 8 : i32
      %add3A_118 = arith.constant 1 : i32
      %add3A_119 = arith.addi %mul3A_80, %add3A_118 : i32
      tpu.wait_dma2 semaphore(%arg10 : memref<!tpu.dma_semaphore, #tpu.memory_space<semaphore_mem>>) src(%arg4 : memref<16x8x64xf32, #tpu.memory_space<hbm>>) dst(%arg8 : memref<16x8x64xf32, #tpu.memory_space<vmem>>)
      %mul3A_120 = arith.constant 128 : i32
      %mul3A_121 = arith.muli %add3A_119, %mul3A_120 : i32
      %add3A_122 = arith.addi %mul3A_2, %mul3A_121 : i32
      %jit3A_123 = arith.constant 8 : i32
      %div3A_124 = arith.divsi %add3A_122, %jit3A_123 : i32
      %sign3A_125 = arith.constant 0 : i32
      %sign3A_126 = arith.cmpi sgt, %add3A_122, %sign3A_125 : i32
      %sign3A_127 = arith.extui %sign3A_126 : i1 to i32
      %sign3A_128 = arith.constant 0 : i32
      %sign3A_129 = arith.cmpi slt, %add3A_122, %sign3A_128 : i32
      %sign3A_130 = arith.extui %sign3A_129 : i1 to i32
      %sign3A_131 = arith.subi %sign3A_127, %sign3A_130 : i32
      %sign3A_132 = arith.constant 0 : i32
      %sign3A_133 = arith.cmpi sgt, %jit3A_123, %sign3A_132 : i32
      %sign3A_134 = arith.extui %sign3A_133 : i1 to i32
      %sign3A_135 = arith.constant 0 : i32
      %sign3A_136 = arith.cmpi slt, %jit3A_123, %sign3A_135 : i32
      %sign3A_137 = arith.extui %sign3A_136 : i1 to i32
      %sign3A_138 = arith.subi %sign3A_134, %sign3A_137 : i32
      %ne3A_139 = arith.cmpi ne, %sign3A_131, %sign3A_138 : i32
      %rem3A_140 = arith.remsi %add3A_122, %jit3A_123 : i32
      %ne3A_141 = arith.constant 0 : i32
      %ne3A_142 = arith.cmpi ne, %rem3A_140, %ne3A_141 : i32
      %and3A_143 = arith.andi %ne3A_139, %ne3A_142 : i1
      %sub3A_144 = arith.constant 1 : i32
      %sub3A_145 = arith.subi %div3A_124, %sub3A_144 : i32
      %select_n3A_146 = arith.select %and3A_143, %sub3A_145, %div3A_124 : i32
      "tpu.region"() ({
        %run_scoped3A = tpu.sem_alloc : memref<!tpu.dma_semaphore, #tpu.memory_space<semaphore_mem>>
        %dma_start3A = arith.constant 0 : i32
        %dma_start3A_155 = arith.constant 0 : i32
        %dma_start3A_156 = tpu.memref_slice %arg5[%select_n3A_146, %dma_start3A, %dma_start3A_155] : memref<16384x8x64xf32, #tpu.memory_space<hbm>> -> memref<16x8x64xf32, #tpu.memory_space<hbm>>
        %dma_start3A_157 = arith.constant 0 : i32
        %dma_start3A_158 = arith.constant 0 : i32
        %dma_start3A_159 = tpu.memref_slice %arg5[%select_n3A_146, %dma_start3A_157, %dma_start3A_158] : memref<16384x8x64xf32, #tpu.memory_space<hbm>> -> memref<16x8x64xf32, #tpu.memory_space<hbm>>
        tpu.enqueue_dma source(%arg8 : memref<16x8x64xf32, #tpu.memory_space<vmem>>) target(%dma_start3A_159 : memref<16x8x64xf32, #tpu.memory_space<hbm>>) target_semaphore(%run_scoped3A : memref<!tpu.dma_semaphore, #tpu.memory_space<semaphore_mem>>)
        %dma_wait3A = arith.constant 0 : i32
        %dma_wait3A_160 = arith.constant 0 : i32
        %dma_wait3A_161 = tpu.memref_slice %arg5[%select_n3A_146, %dma_wait3A, %dma_wait3A_160] : memref<16384x8x64xf32, #tpu.memory_space<hbm>> -> memref<16x8x64xf32, #tpu.memory_space<hbm>>
        %dma_wait3A_162 = arith.constant 0 : i32
        %dma_wait3A_163 = arith.constant 0 : i32
        %dma_wait3A_164 = tpu.memref_slice %arg5[%select_n3A_146, %dma_wait3A_162, %dma_wait3A_163] : memref<16384x8x64xf32, #tpu.memory_space<hbm>> -> memref<16x8x64xf32, #tpu.memory_space<hbm>>
        tpu.wait_dma2 semaphore(%run_scoped3A : memref<!tpu.dma_semaphore, #tpu.memory_space<semaphore_mem>>) src(%arg8 : memref<16x8x64xf32, #tpu.memory_space<vmem>>) dst(%dma_wait3A_164 : memref<16x8x64xf32, #tpu.memory_space<hbm>>)
        tpu.yield
      }) : () -> ()
      %add3A_147 = arith.constant 2 : i32
      %add3A_148 = arith.addi %add3A_119, %add3A_147 : i32
      %scan3A_149 = arith.constant 0 : i32
      %scan3A_150 = arith.constant 0 : i32
      %scan3A_151 = arith.constant 8 : i32
      %scan3A_152 = arith.addi %scan3A_150, %scan3A_151 : i32
      %scan3A_153 = arith.constant 1 : i32
      scf.for %scan3A_155 = %scan3A_150 to %scan3A_152 step %scan3A_153  : i32 {
        %mul3A_156 = arith.constant 16 : i32
        %mul3A_157 = arith.muli %scan3A_155, %mul3A_156 : i32
        %get3A = arith.index_cast %add3A_148 : i32 to index
        %get3A_158 = arith.index_cast %mul3A_157 : i32 to index
        %get3A_159 = tpu.vector_load %arg6[%get3A, %get3A_158] {strides = array<i32>} : memref<32x128xi32, #tpu.memory_space<vmem>>, vector<1x16xi32>,
        %get3A_160 = vector.shape_cast %get3A_159 : vector<1x16xi32> to vector<16xi32>
        %shift_right_logical3A = arith.constant 3 : i32
        %shift_right_logical3A_161 = vector.broadcast %shift_right_logical3A : i32 to vector<16xi32>
        %shift_right_logical3A_162 = arith.shrui %get3A_160, %shift_right_logical3A_161 : vector<16xi32>
        %and3A_163 = arith.constant 7 : i32
        %and3A_164 = vector.broadcast %and3A_163 : i32 to vector<16xi32>
        %and3A_165 = arith.andi %get3A_160, %and3A_164 : vector<16xi32>
        %mul3A_166 = arith.constant 16 : i32
        %mul3A_167 = arith.muli %scan3A_155, %mul3A_166 : i32
        %add3A_168 = arith.constant 0 : i32
        %add3A_169 = arith.addi %mul3A_167, %add3A_168 : i32
        %slice3A = vector.extract_strided_slice %shift_right_logical3A_162 {offsets = [0], sizes = [1], strides = [1]} : vector<16xi32> to vector<1xi32>
        %squeeze3A = vector.extract %slice3A[0] : i32 from vector<1xi32>
        %slice3A_170 = vector.extract_strided_slice %and3A_165 {offsets = [0], sizes = [1], strides = [1]} : vector<16xi32> to vector<1xi32>
        %squeeze3A_171 = vector.extract %slice3A_170[0] : i32 from vector<1xi32>
        %div3A_172 = arith.constant 8 : i32
        %div3A_173 = arith.divsi %add3A_169, %div3A_172 : i32
        %rem3A_174 = arith.constant 8 : i32
        %rem3A_175 = arith.remsi %add3A_169, %rem3A_174 : i32
        %dma_start3A = arith.constant 0 : i32
        %dma_start3A_176 = tpu.memref_slice %arg8[%div3A_173, %rem3A_175, %dma_start3A] : memref<16x8x64xf32, #tpu.memory_space<vmem>> -> memref<1x1x64xf32, #tpu.memory_space<vmem>>
        %dma_start3A_177 = tpu.memref_squeeze %dma_start3A_176 : memref<1x1x64xf32, #tpu.memory_space<vmem>> -> memref<64xf32, #tpu.memory_space<vmem>>
        %dma_start3A_178 = arith.constant 0 : i32
        %dma_start3A_179 = tpu.memref_slice %arg3[%squeeze3A, %squeeze3A_171, %dma_start3A_178] : memref<100000x8x64xf32, #tpu.memory_space<hbm>> -> memref<1x1x64xf32, #tpu.memory_space<hbm>>
        %dma_start3A_180 = tpu.memref_squeeze %dma_start3A_179 : memref<1x1x64xf32, #tpu.memory_space<hbm>> -> memref<64xf32, #tpu.memory_space<hbm>>
        %dma_start3A_181 = arith.constant 0 : i32
        %dma_start3A_182 = tpu.memref_slice %arg8[%div3A_173, %rem3A_175, %dma_start3A_181] : memref<16x8x64xf32, #tpu.memory_space<vmem>> -> memref<1x1x64xf32, #tpu.memory_space<vmem>>
        %dma_start3A_183 = tpu.memref_squeeze %dma_start3A_182 : memref<1x1x64xf32, #tpu.memory_space<vmem>> -> memref<64xf32, #tpu.memory_space<vmem>>
        %dma_start3A_184 = arith.constant 0 : i32
        %dma_start3A_185 = tpu.memref_slice %arg3[%squeeze3A, %squeeze3A_171, %dma_start3A_184] : memref<100000x8x64xf32, #tpu.memory_space<hbm>> -> memref<1x1x64xf32, #tpu.memory_space<hbm>>
        %dma_start3A_186 = tpu.memref_squeeze %dma_start3A_185 : memref<1x1x64xf32, #tpu.memory_space<hbm>> -> memref<64xf32, #tpu.memory_space<hbm>>
        tpu.enqueue_dma source(%dma_start3A_186 : memref<64xf32, #tpu.memory_space<hbm>>) target(%dma_start3A_183 : memref<64xf32, #tpu.memory_space<vmem>>) target_semaphore(%arg10 : memref<!tpu.dma_semaphore, #tpu.memory_space<semaphore_mem>>)
        %mul3A_187 = arith.constant 16 : i32
        %mul3A_188 = arith.muli %scan3A_155, %mul3A_187 : i32
        %add3A_189 = arith.constant 1 : i32
        %add3A_190 = arith.addi %mul3A_188, %add3A_189 : i32
        %slice3A_191 = vector.extract_strided_slice %shift_right_logical3A_162 {offsets = [1], sizes = [1], strides = [1]} : vector<16xi32> to vector<1xi32>
        %squeeze3A_192 = vector.extract %slice3A_191[0] : i32 from vector<1xi32>
        %slice3A_193 = vector.extract_strided_slice %and3A_165 {offsets = [1], sizes = [1], strides = [1]} : vector<16xi32> to vector<1xi32>
        %squeeze3A_194 = vector.extract %slice3A_193[0] : i32 from vector<1xi32>
        %div3A_195 = arith.constant 8 : i32
        %div3A_196 = arith.divsi %add3A_190, %div3A_195 : i32
        %rem3A_197 = arith.constant 8 : i32
        %rem3A_198 = arith.remsi %add3A_190, %rem3A_197 : i32
        %dma_start3A_199 = arith.constant 0 : i32
        %dma_start3A_200 = tpu.memref_slice %arg8[%div3A_196, %rem3A_198, %dma_start3A_199] : memref<16x8x64xf32, #tpu.memory_space<vmem>> -> memref<1x1x64xf32, #tpu.memory_space<vmem>>
        %dma_start3A_201 = tpu.memref_squeeze %dma_start3A_200 : memref<1x1x64xf32, #tpu.memory_space<vmem>> -> memref<64xf32, #tpu.memory_space<vmem>>
        %dma_start3A_202 = arith.constant 0 : i32
        %dma_start3A_203 = tpu.memref_slice %arg3[%squeeze3A_192, %squeeze3A_194, %dma_start3A_202] : memref<100000x8x64xf32, #tpu.memory_space<hbm>> -> memref<1x1x64xf32, #tpu.memory_space<hbm>>
        %dma_start3A_204 = tpu.memref_squeeze %dma_start3A_203 : memref<1x1x64xf32, #tpu.memory_space<hbm>> -> memref<64xf32, #tpu.memory_space<hbm>>
        %dma_start3A_205 = arith.constant 0 : i32
        %dma_start3A_206 = tpu.memref_slice %arg8[%div3A_196, %rem3A_198, %dma_start3A_205] : memref<16x8x64xf32, #tpu.memory_space<vmem>> -> memref<1x1x64xf32, #tpu.memory_space<vmem>>
        %dma_start3A_207 = tpu.memref_squeeze %dma_start3A_206 : memref<1x1x64xf32, #tpu.memory_space<vmem>> -> memref<64xf32, #tpu.memory_space<vmem>>
        %dma_start3A_208 = arith.constant 0 : i32
        %dma_start3A_209 = tpu.memref_slice %arg3[%squeeze3A_192, %squeeze3A_194, %dma_start3A_208] : memref<100000x8x64xf32, #tpu.memory_space<hbm>> -> memref<1x1x64xf32, #tpu.memory_space<hbm>>
        %dma_start3A_210 = tpu.memref_squeeze %dma_start3A_209 : memref<1x1x64xf32, #tpu.memory_space<hbm>> -> memref<64xf32, #tpu.memory_space<hbm>>
        tpu.enqueue_dma source(%dma_start3A_210 : memref<64xf32, #tpu.memory_space<hbm>>) target(%dma_start3A_207 : memref<64xf32, #tpu.memory_space<vmem>>) target_semaphore(%arg10 : memref<!tpu.dma_semaphore, #tpu.memory_space<semaphore_mem>>)
        %mul3A_211 = arith.constant 16 : i32
        %mul3A_212 = arith.muli %scan3A_155, %mul3A_211 : i32
        %add3A_213 = arith.constant 2 : i32
        %add3A_214 = arith.addi %mul3A_212, %add3A_213 : i32
        %slice3A_215 = vector.extract_strided_slice %shift_right_logical3A_162 {offsets = [2], sizes = [1], strides = [1]} : vector<16xi32> to vector<1xi32>
        %squeeze3A_216 = vector.extract %slice3A_215[0] : i32 from vector<1xi32>
        %slice3A_217 = vector.extract_strided_slice %and3A_165 {offsets = [2], sizes = [1], strides = [1]} : vector<16xi32> to vector<1xi32>
        %squeeze3A_218 = vector.extract %slice3A_217[0] : i32 from vector<1xi32>
        %div3A_219 = arith.constant 8 : i32
        %div3A_220 = arith.divsi %add3A_214, %div3A_219 : i32
        %rem3A_221 = arith.constant 8 : i32
        %rem3A_222 = arith.remsi %add3A_214, %rem3A_221 : i32
        %dma_start3A_223 = arith.constant 0 : i32
        %dma_start3A_224 = tpu.memref_slice %arg8[%div3A_220, %rem3A_222, %dma_start3A_223] : memref<16x8x64xf32, #tpu.memory_space<vmem>> -> memref<1x1x64xf32, #tpu.memory_space<vmem>>
        %dma_start3A_225 = tpu.memref_squeeze %dma_start3A_224 : memref<1x1x64xf32, #tpu.memory_space<vmem>> -> memref<64xf32, #tpu.memory_space<vmem>>
        %dma_start3A_226 = arith.constant 0 : i32
        %dma_start3A_227 = tpu.memref_slice %arg3[%squeeze3A_216, %squeeze3A_218, %dma_start3A_226] : memref<100000x8x64xf32, #tpu.memory_space<hbm>> -> memref<1x1x64xf32, #tpu.memory_space<hbm>>
        %dma_start3A_228 = tpu.memref_squeeze %dma_start3A_227 : memref<1x1x64xf32, #tpu.memory_space<hbm>> -> memref<64xf32, #tpu.memory_space<hbm>>
        %dma_start3A_229 = arith.constant 0 : i32
        %dma_start3A_230 = tpu.memref_slice %arg8[%div3A_220, %rem3A_222, %dma_start3A_229] : memref<16x8x64xf32, #tpu.memory_space<vmem>> -> memref<1x1x64xf32, #tpu.memory_space<vmem>>
        %dma_start3A_231 = tpu.memref_squeeze %dma_start3A_230 : memref<1x1x64xf32, #tpu.memory_space<vmem>> -> memref<64xf32, #tpu.memory_space<vmem>>
        %dma_start3A_232 = arith.constant 0 : i32
        %dma_start3A_233 = tpu.memref_slice %arg3[%squeeze3A_216, %squeeze3A_218, %dma_start3A_232] : memref<100000x8x64xf32, #tpu.memory_space<hbm>> -> memref<1x1x64xf32, #tpu.memory_space<hbm>>
        %dma_start3A_234 = tpu.memref_squeeze %dma_start3A_233 : memref<1x1x64xf32, #tpu.memory_space<hbm>> -> memref<64xf32, #tpu.memory_space<hbm>>
        tpu.enqueue_dma source(%dma_start3A_234 : memref<64xf32, #tpu.memory_space<hbm>>) target(%dma_start3A_231 : memref<64xf32, #tpu.memory_space<vmem>>) target_semaphore(%arg10 : memref<!tpu.dma_semaphore, #tpu.memory_space<semaphore_mem>>)
        %mul3A_235 = arith.constant 16 : i32
        %mul3A_236 = arith.muli %scan3A_155, %mul3A_235 : i32
        %add3A_237 = arith.constant 3 : i32
        %add3A_238 = arith.addi %mul3A_236, %add3A_237 : i32
        %slice3A_239 = vector.extract_strided_slice %shift_right_logical3A_162 {offsets = [3], sizes = [1], strides = [1]} : vector<16xi32> to vector<1xi32>
        %squeeze3A_240 = vector.extract %slice3A_239[0] : i32 from vector<1xi32>
        %slice3A_241 = vector.extract_strided_slice %and3A_165 {offsets = [3], sizes = [1], strides = [1]} : vector<16xi32> to vector<1xi32>
        %squeeze3A_242 = vector.extract %slice3A_241[0] : i32 from vector<1xi32>
        %div3A_243 = arith.constant 8 : i32
        %div3A_244 = arith.divsi %add3A_238, %div3A_243 : i32
        %rem3A_245 = arith.constant 8 : i32
        %rem3A_246 = arith.remsi %add3A_238, %rem3A_245 : i32
        %dma_start3A_247 = arith.constant 0 : i32
        %dma_start3A_248 = tpu.memref_slice %arg8[%div3A_244, %rem3A_246, %dma_start3A_247] : memref<16x8x64xf32, #tpu.memory_space<vmem>> -> memref<1x1x64xf32, #tpu.memory_space<vmem>>
        %dma_start3A_249 = tpu.memref_squeeze %dma_start3A_248 : memref<1x1x64xf32, #tpu.memory_space<vmem>> -> memref<64xf32, #tpu.memory_space<vmem>>
        %dma_start3A_250 = arith.constant 0 : i32
        %dma_start3A_251 = tpu.memref_slice %arg3[%squeeze3A_240, %squeeze3A_242, %dma_start3A_250] : memref<100000x8x64xf32, #tpu.memory_space<hbm>> -> memref<1x1x64xf32, #tpu.memory_space<hbm>>
        %dma_start3A_252 = tpu.memref_squeeze %dma_start3A_251 : memref<1x1x64xf32, #tpu.memory_space<hbm>> -> memref<64xf32, #tpu.memory_space<hbm>>
        %dma_start3A_253 = arith.constant 0 : i32
        %dma_start3A_254 = tpu.memref_slice %arg8[%div3A_244, %rem3A_246, %dma_start3A_253] : memref<16x8x64xf32, #tpu.memory_space<vmem>> -> memref<1x1x64xf32, #tpu.memory_space<vmem>>
        %dma_start3A_255 = tpu.memref_squeeze %dma_start3A_254 : memref<1x1x64xf32, #tpu.memory_space<vmem>> -> memref<64xf32, #tpu.memory_space<vmem>>
        %dma_start3A_256 = arith.constant 0 : i32
        %dma_start3A_257 = tpu.memref_slice %arg3[%squeeze3A_240, %squeeze3A_242, %dma_start3A_256] : memref<100000x8x64xf32, #tpu.memory_space<hbm>> -> memref<1x1x64xf32, #tpu.memory_space<hbm>>
        %dma_start3A_258 = tpu.memref_squeeze %dma_start3A_257 : memref<1x1x64xf32, #tpu.memory_space<hbm>> -> memref<64xf32, #tpu.memory_space<hbm>>
        tpu.enqueue_dma source(%dma_start3A_258 : memref<64xf32, #tpu.memory_space<hbm>>) target(%dma_start3A_255 : memref<64xf32, #tpu.memory_space<vmem>>) target_semaphore(%arg10 : memref<!tpu.dma_semaphore, #tpu.memory_space<semaphore_mem>>)
        %mul3A_259 = arith.constant 16 : i32
        %mul3A_260 = arith.muli %scan3A_155, %mul3A_259 : i32
        %add3A_261 = arith.constant 4 : i32
        %add3A_262 = arith.addi %mul3A_260, %add3A_261 : i32
        %slice3A_263 = vector.extract_strided_slice %shift_right_logical3A_162 {offsets = [4], sizes = [1], strides = [1]} : vector<16xi32> to vector<1xi32>
        %squeeze3A_264 = vector.extract %slice3A_263[0] : i32 from vector<1xi32>
        %slice3A_265 = vector.extract_strided_slice %and3A_165 {offsets = [4], sizes = [1], strides = [1]} : vector<16xi32> to vector<1xi32>
        %squeeze3A_266 = vector.extract %slice3A_265[0] : i32 from vector<1xi32>
        %div3A_267 = arith.constant 8 : i32
        %div3A_268 = arith.divsi %add3A_262, %div3A_267 : i32
        %rem3A_269 = arith.constant 8 : i32
        %rem3A_270 = arith.remsi %add3A_262, %rem3A_269 : i32
        %dma_start3A_271 = arith.constant 0 : i32
        %dma_start3A_272 = tpu.memref_slice %arg8[%div3A_268, %rem3A_270, %dma_start3A_271] : memref<16x8x64xf32, #tpu.memory_space<vmem>> -> memref<1x1x64xf32, #tpu.memory_space<vmem>>
        %dma_start3A_273 = tpu.memref_squeeze %dma_start3A_272 : memref<1x1x64xf32, #tpu.memory_space<vmem>> -> memref<64xf32, #tpu.memory_space<vmem>>
        %dma_start3A_274 = arith.constant 0 : i32
        %dma_start3A_275 = tpu.memref_slice %arg3[%squeeze3A_264, %squeeze3A_266, %dma_start3A_274] : memref<100000x8x64xf32, #tpu.memory_space<hbm>> -> memref<1x1x64xf32, #tpu.memory_space<hbm>>
        %dma_start3A_276 = tpu.memref_squeeze %dma_start3A_275 : memref<1x1x64xf32, #tpu.memory_space<hbm>> -> memref<64xf32, #tpu.memory_space<hbm>>
        %dma_start3A_277 = arith.constant 0 : i32
        %dma_start3A_278 = tpu.memref_slice %arg8[%div3A_268, %rem3A_270, %dma_start3A_277] : memref<16x8x64xf32, #tpu.memory_space<vmem>> -> memref<1x1x64xf32, #tpu.memory_space<vmem>>
        %dma_start3A_279 = tpu.memref_squeeze %dma_start3A_278 : memref<1x1x64xf32, #tpu.memory_space<vmem>> -> memref<64xf32, #tpu.memory_space<vmem>>
        %dma_start3A_280 = arith.constant 0 : i32
        %dma_start3A_281 = tpu.memref_slice %arg3[%squeeze3A_264, %squeeze3A_266, %dma_start3A_280] : memref<100000x8x64xf32, #tpu.memory_space<hbm>> -> memref<1x1x64xf32, #tpu.memory_space<hbm>>
        %dma_start3A_282 = tpu.memref_squeeze %dma_start3A_281 : memref<1x1x64xf32, #tpu.memory_space<hbm>> -> memref<64xf32, #tpu.memory_space<hbm>>
        tpu.enqueue_dma source(%dma_start3A_282 : memref<64xf32, #tpu.memory_space<hbm>>) target(%dma_start3A_279 : memref<64xf32, #tpu.memory_space<vmem>>) target_semaphore(%arg10 : memref<!tpu.dma_semaphore, #tpu.memory_space<semaphore_mem>>)
        %mul3A_283 = arith.constant 16 : i32
        %mul3A_284 = arith.muli %scan3A_155, %mul3A_283 : i32
        %add3A_285 = arith.constant 5 : i32
        %add3A_286 = arith.addi %mul3A_284, %add3A_285 : i32
        %slice3A_287 = vector.extract_strided_slice %shift_right_logical3A_162 {offsets = [5], sizes = [1], strides = [1]} : vector<16xi32> to vector<1xi32>
        %squeeze3A_288 = vector.extract %slice3A_287[0] : i32 from vector<1xi32>
        %slice3A_289 = vector.extract_strided_slice %and3A_165 {offsets = [5], sizes = [1], strides = [1]} : vector<16xi32> to vector<1xi32>
        %squeeze3A_290 = vector.extract %slice3A_289[0] : i32 from vector<1xi32>
        %div3A_291 = arith.constant 8 : i32
        %div3A_292 = arith.divsi %add3A_286, %div3A_291 : i32
        %rem3A_293 = arith.constant 8 : i32
        %rem3A_294 = arith.remsi %add3A_286, %rem3A_293 : i32
        %dma_start3A_295 = arith.constant 0 : i32
        %dma_start3A_296 = tpu.memref_slice %arg8[%div3A_292, %rem3A_294, %dma_start3A_295] : memref<16x8x64xf32, #tpu.memory_space<vmem>> -> memref<1x1x64xf32, #tpu.memory_space<vmem>>
        %dma_start3A_297 = tpu.memref_squeeze %dma_start3A_296 : memref<1x1x64xf32, #tpu.memory_space<vmem>> -> memref<64xf32, #tpu.memory_space<vmem>>
        %dma_start3A_298 = arith.constant 0 : i32
        %dma_start3A_299 = tpu.memref_slice %arg3[%squeeze3A_288, %squeeze3A_290, %dma_start3A_298] : memref<100000x8x64xf32, #tpu.memory_space<hbm>> -> memref<1x1x64xf32, #tpu.memory_space<hbm>>
        %dma_start3A_300 = tpu.memref_squeeze %dma_start3A_299 : memref<1x1x64xf32, #tpu.memory_space<hbm>> -> memref<64xf32, #tpu.memory_space<hbm>>
        %dma_start3A_301 = arith.constant 0 : i32
        %dma_start3A_302 = tpu.memref_slice %arg8[%div3A_292, %rem3A_294, %dma_start3A_301] : memref<16x8x64xf32, #tpu.memory_space<vmem>> -> memref<1x1x64xf32, #tpu.memory_space<vmem>>
        %dma_start3A_303 = tpu.memref_squeeze %dma_start3A_302 : memref<1x1x64xf32, #tpu.memory_space<vmem>> -> memref<64xf32, #tpu.memory_space<vmem>>
        %dma_start3A_304 = arith.constant 0 : i32
        %dma_start3A_305 = tpu.memref_slice %arg3[%squeeze3A_288, %squeeze3A_290, %dma_start3A_304] : memref<100000x8x64xf32, #tpu.memory_space<hbm>> -> memref<1x1x64xf32, #tpu.memory_space<hbm>>
        %dma_start3A_306 = tpu.memref_squeeze %dma_start3A_305 : memref<1x1x64xf32, #tpu.memory_space<hbm>> -> memref<64xf32, #tpu.memory_space<hbm>>
        tpu.enqueue_dma source(%dma_start3A_306 : memref<64xf32, #tpu.memory_space<hbm>>) target(%dma_start3A_303 : memref<64xf32, #tpu.memory_space<vmem>>) target_semaphore(%arg10 : memref<!tpu.dma_semaphore, #tpu.memory_space<semaphore_mem>>)
        %mul3A_307 = arith.constant 16 : i32
        %mul3A_308 = arith.muli %scan3A_155, %mul3A_307 : i32
        %add3A_309 = arith.constant 6 : i32
        %add3A_310 = arith.addi %mul3A_308, %add3A_309 : i32
        %slice3A_311 = vector.extract_strided_slice %shift_right_logical3A_162 {offsets = [6], sizes = [1], strides = [1]} : vector<16xi32> to vector<1xi32>
        %squeeze3A_312 = vector.extract %slice3A_311[0] : i32 from vector<1xi32>
        %slice3A_313 = vector.extract_strided_slice %and3A_165 {offsets = [6], sizes = [1], strides = [1]} : vector<16xi32> to vector<1xi32>
        %squeeze3A_314 = vector.extract %slice3A_313[0] : i32 from vector<1xi32>
        %div3A_315 = arith.constant 8 : i32
        %div3A_316 = arith.divsi %add3A_310, %div3A_315 : i32
        %rem3A_317 = arith.constant 8 : i32
        %rem3A_318 = arith.remsi %add3A_310, %rem3A_317 : i32
        %dma_start3A_319 = arith.constant 0 : i32
        %dma_start3A_320 = tpu.memref_slice %arg8[%div3A_316, %rem3A_318, %dma_start3A_319] : memref<16x8x64xf32, #tpu.memory_space<vmem>> -> memref<1x1x64xf32, #tpu.memory_space<vmem>>
        %dma_start3A_321 = tpu.memref_squeeze %dma_start3A_320 : memref<1x1x64xf32, #tpu.memory_space<vmem>> -> memref<64xf32, #tpu.memory_space<vmem>>
        %dma_start3A_322 = arith.constant 0 : i32
        %dma_start3A_323 = tpu.memref_slice %arg3[%squeeze3A_312, %squeeze3A_314, %dma_start3A_322] : memref<100000x8x64xf32, #tpu.memory_space<hbm>> -> memref<1x1x64xf32, #tpu.memory_space<hbm>>
        %dma_start3A_324 = tpu.memref_squeeze %dma_start3A_323 : memref<1x1x64xf32, #tpu.memory_space<hbm>> -> memref<64xf32, #tpu.memory_space<hbm>>
        %dma_start3A_325 = arith.constant 0 : i32
        %dma_start3A_326 = tpu.memref_slice %arg8[%div3A_316, %rem3A_318, %dma_start3A_325] : memref<16x8x64xf32, #tpu.memory_space<vmem>> -> memref<1x1x64xf32, #tpu.memory_space<vmem>>
        %dma_start3A_327 = tpu.memref_squeeze %dma_start3A_326 : memref<1x1x64xf32, #tpu.memory_space<vmem>> -> memref<64xf32, #tpu.memory_space<vmem>>
        %dma_start3A_328 = arith.constant 0 : i32
        %dma_start3A_329 = tpu.memref_slice %arg3[%squeeze3A_312, %squeeze3A_314, %dma_start3A_328] : memref<100000x8x64xf32, #tpu.memory_space<hbm>> -> memref<1x1x64xf32, #tpu.memory_space<hbm>>
        %dma_start3A_330 = tpu.memref_squeeze %dma_start3A_329 : memref<1x1x64xf32, #tpu.memory_space<hbm>> -> memref<64xf32, #tpu.memory_space<hbm>>
        tpu.enqueue_dma source(%dma_start3A_330 : memref<64xf32, #tpu.memory_space<hbm>>) target(%dma_start3A_327 : memref<64xf32, #tpu.memory_space<vmem>>) target_semaphore(%arg10 : memref<!tpu.dma_semaphore, #tpu.memory_space<semaphore_mem>>)
        %mul3A_331 = arith.constant 16 : i32
        %mul3A_332 = arith.muli %scan3A_155, %mul3A_331 : i32
        %add3A_333 = arith.constant 7 : i32
        %add3A_334 = arith.addi %mul3A_332, %add3A_333 : i32
        %slice3A_335 = vector.extract_strided_slice %shift_right_logical3A_162 {offsets = [7], sizes = [1], strides = [1]} : vector<16xi32> to vector<1xi32>
        %squeeze3A_336 = vector.extract %slice3A_335[0] : i32 from vector<1xi32>
        %slice3A_337 = vector.extract_strided_slice %and3A_165 {offsets = [7], sizes = [1], strides = [1]} : vector<16xi32> to vector<1xi32>
        %squeeze3A_338 = vector.extract %slice3A_337[0] : i32 from vector<1xi32>
        %div3A_339 = arith.constant 8 : i32
        %div3A_340 = arith.divsi %add3A_334, %div3A_339 : i32
        %rem3A_341 = arith.constant 8 : i32
        %rem3A_342 = arith.remsi %add3A_334, %rem3A_341 : i32
        %dma_start3A_343 = arith.constant 0 : i32
        %dma_start3A_344 = tpu.memref_slice %arg8[%div3A_340, %rem3A_342, %dma_start3A_343] : memref<16x8x64xf32, #tpu.memory_space<vmem>> -> memref<1x1x64xf32, #tpu.memory_space<vmem>>
        %dma_start3A_345 = tpu.memref_squeeze %dma_start3A_344 : memref<1x1x64xf32, #tpu.memory_space<vmem>> -> memref<64xf32, #tpu.memory_space<vmem>>
        %dma_start3A_346 = arith.constant 0 : i32
        %dma_start3A_347 = tpu.memref_slice %arg3[%squeeze3A_336, %squeeze3A_338, %dma_start3A_346] : memref<100000x8x64xf32, #tpu.memory_space<hbm>> -> memref<1x1x64xf32, #tpu.memory_space<hbm>>
        %dma_start3A_348 = tpu.memref_squeeze %dma_start3A_347 : memref<1x1x64xf32, #tpu.memory_space<hbm>> -> memref<64xf32, #tpu.memory_space<hbm>>
        %dma_start3A_349 = arith.constant 0 : i32
        %dma_start3A_350 = tpu.memref_slice %arg8[%div3A_340, %rem3A_342, %dma_start3A_349] : memref<16x8x64xf32, #tpu.memory_space<vmem>> -> memref<1x1x64xf32, #tpu.memory_space<vmem>>
        %dma_start3A_351 = tpu.memref_squeeze %dma_start3A_350 : memref<1x1x64xf32, #tpu.memory_space<vmem>> -> memref<64xf32, #tpu.memory_space<vmem>>
        %dma_start3A_352 = arith.constant 0 : i32
        %dma_start3A_353 = tpu.memref_slice %arg3[%squeeze3A_336, %squeeze3A_338, %dma_start3A_352] : memref<100000x8x64xf32, #tpu.memory_space<hbm>> -> memref<1x1x64xf32, #tpu.memory_space<hbm>>
        %dma_start3A_354 = tpu.memref_squeeze %dma_start3A_353 : memref<1x1x64xf32, #tpu.memory_space<hbm>> -> memref<64xf32, #tpu.memory_space<hbm>>
        tpu.enqueue_dma source(%dma_start3A_354 : memref<64xf32, #tpu.memory_space<hbm>>) target(%dma_start3A_351 : memref<64xf32, #tpu.memory_space<vmem>>) target_semaphore(%arg10 : memref<!tpu.dma_semaphore, #tpu.memory_space<semaphore_mem>>)
        %mul3A_355 = arith.constant 16 : i32
        %mul3A_356 = arith.muli %scan3A_155, %mul3A_355 : i32
        %add3A_357 = arith.constant 8 : i32
        %add3A_358 = arith.addi %mul3A_356, %add3A_357 : i32
        %slice3A_359 = vector.extract_strided_slice %shift_right_logical3A_162 {offsets = [8], sizes = [1], strides = [1]} : vector<16xi32> to vector<1xi32>
        %squeeze3A_360 = vector.extract %slice3A_359[0] : i32 from vector<1xi32>
        %slice3A_361 = vector.extract_strided_slice %and3A_165 {offsets = [8], sizes = [1], strides = [1]} : vector<16xi32> to vector<1xi32>
        %squeeze3A_362 = vector.extract %slice3A_361[0] : i32 from vector<1xi32>
        %div3A_363 = arith.constant 8 : i32
        %div3A_364 = arith.divsi %add3A_358, %div3A_363 : i32
        %rem3A_365 = arith.constant 8 : i32
        %rem3A_366 = arith.remsi %add3A_358, %rem3A_365 : i32
        %dma_start3A_367 = arith.constant 0 : i32
        %dma_start3A_368 = tpu.memref_slice %arg8[%div3A_364, %rem3A_366, %dma_start3A_367] : memref<16x8x64xf32, #tpu.memory_space<vmem>> -> memref<1x1x64xf32, #tpu.memory_space<vmem>>
        %dma_start3A_369 = tpu.memref_squeeze %dma_start3A_368 : memref<1x1x64xf32, #tpu.memory_space<vmem>> -> memref<64xf32, #tpu.memory_space<vmem>>
        %dma_start3A_370 = arith.constant 0 : i32
        %dma_start3A_371 = tpu.memref_slice %arg3[%squeeze3A_360, %squeeze3A_362, %dma_start3A_370] : memref<100000x8x64xf32, #tpu.memory_space<hbm>> -> memref<1x1x64xf32, #tpu.memory_space<hbm>>
        %dma_start3A_372 = tpu.memref_squeeze %dma_start3A_371 : memref<1x1x64xf32, #tpu.memory_space<hbm>> -> memref<64xf32, #tpu.memory_space<hbm>>
        %dma_start3A_373 = arith.constant 0 : i32
        %dma_start3A_374 = tpu.memref_slice %arg8[%div3A_364, %rem3A_366, %dma_start3A_373] : memref<16x8x64xf32, #tpu.memory_space<vmem>> -> memref<1x1x64xf32, #tpu.memory_space<vmem>>
        %dma_start3A_375 = tpu.memref_squeeze %dma_start3A_374 : memref<1x1x64xf32, #tpu.memory_space<vmem>> -> memref<64xf32, #tpu.memory_space<vmem>>
        %dma_start3A_376 = arith.constant 0 : i32
        %dma_start3A_377 = tpu.memref_slice %arg3[%squeeze3A_360, %squeeze3A_362, %dma_start3A_376] : memref<100000x8x64xf32, #tpu.memory_space<hbm>> -> memref<1x1x64xf32, #tpu.memory_space<hbm>>
        %dma_start3A_378 = tpu.memref_squeeze %dma_start3A_377 : memref<1x1x64xf32, #tpu.memory_space<hbm>> -> memref<64xf32, #tpu.memory_space<hbm>>
        tpu.enqueue_dma source(%dma_start3A_378 : memref<64xf32, #tpu.memory_space<hbm>>) target(%dma_start3A_375 : memref<64xf32, #tpu.memory_space<vmem>>) target_semaphore(%arg10 : memref<!tpu.dma_semaphore, #tpu.memory_space<semaphore_mem>>)
        %mul3A_379 = arith.constant 16 : i32
        %mul3A_380 = arith.muli %scan3A_155, %mul3A_379 : i32
        %add3A_381 = arith.constant 9 : i32
        %add3A_382 = arith.addi %mul3A_380, %add3A_381 : i32
        %slice3A_383 = vector.extract_strided_slice %shift_right_logical3A_162 {offsets = [9], sizes = [1], strides = [1]} : vector<16xi32> to vector<1xi32>
        %squeeze3A_384 = vector.extract %slice3A_383[0] : i32 from vector<1xi32>
        %slice3A_385 = vector.extract_strided_slice %and3A_165 {offsets = [9], sizes = [1], strides = [1]} : vector<16xi32> to vector<1xi32>
        %squeeze3A_386 = vector.extract %slice3A_385[0] : i32 from vector<1xi32>
        %div3A_387 = arith.constant 8 : i32
        %div3A_388 = arith.divsi %add3A_382, %div3A_387 : i32
        %rem3A_389 = arith.constant 8 : i32
        %rem3A_390 = arith.remsi %add3A_382, %rem3A_389 : i32
        %dma_start3A_391 = arith.constant 0 : i32
        %dma_start3A_392 = tpu.memref_slice %arg8[%div3A_388, %rem3A_390, %dma_start3A_391] : memref<16x8x64xf32, #tpu.memory_space<vmem>> -> memref<1x1x64xf32, #tpu.memory_space<vmem>>
        %dma_start3A_393 = tpu.memref_squeeze %dma_start3A_392 : memref<1x1x64xf32, #tpu.memory_space<vmem>> -> memref<64xf32, #tpu.memory_space<vmem>>
        %dma_start3A_394 = arith.constant 0 : i32
        %dma_start3A_395 = tpu.memref_slice %arg3[%squeeze3A_384, %squeeze3A_386, %dma_start3A_394] : memref<100000x8x64xf32, #tpu.memory_space<hbm>> -> memref<1x1x64xf32, #tpu.memory_space<hbm>>
        %dma_start3A_396 = tpu.memref_squeeze %dma_start3A_395 : memref<1x1x64xf32, #tpu.memory_space<hbm>> -> memref<64xf32, #tpu.memory_space<hbm>>
        %dma_start3A_397 = arith.constant 0 : i32
        %dma_start3A_398 = tpu.memref_slice %arg8[%div3A_388, %rem3A_390, %dma_start3A_397] : memref<16x8x64xf32, #tpu.memory_space<vmem>> -> memref<1x1x64xf32, #tpu.memory_space<vmem>>
        %dma_start3A_399 = tpu.memref_squeeze %dma_start3A_398 : memref<1x1x64xf32, #tpu.memory_space<vmem>> -> memref<64xf32, #tpu.memory_space<vmem>>
        %dma_start3A_400 = arith.constant 0 : i32
        %dma_start3A_401 = tpu.memref_slice %arg3[%squeeze3A_384, %squeeze3A_386, %dma_start3A_400] : memref<100000x8x64xf32, #tpu.memory_space<hbm>> -> memref<1x1x64xf32, #tpu.memory_space<hbm>>
        %dma_start3A_402 = tpu.memref_squeeze %dma_start3A_401 : memref<1x1x64xf32, #tpu.memory_space<hbm>> -> memref<64xf32, #tpu.memory_space<hbm>>
        tpu.enqueue_dma source(%dma_start3A_402 : memref<64xf32, #tpu.memory_space<hbm>>) target(%dma_start3A_399 : memref<64xf32, #tpu.memory_space<vmem>>) target_semaphore(%arg10 : memref<!tpu.dma_semaphore, #tpu.memory_space<semaphore_mem>>)
        %mul3A_403 = arith.constant 16 : i32
        %mul3A_404 = arith.muli %scan3A_155, %mul3A_403 : i32
        %add3A_405 = arith.constant 10 : i32
        %add3A_406 = arith.addi %mul3A_404, %add3A_405 : i32
        %slice3A_407 = vector.extract_strided_slice %shift_right_logical3A_162 {offsets = [10], sizes = [1], strides = [1]} : vector<16xi32> to vector<1xi32>
        %squeeze3A_408 = vector.extract %slice3A_407[0] : i32 from vector<1xi32>
        %slice3A_409 = vector.extract_strided_slice %and3A_165 {offsets = [10], sizes = [1], strides = [1]} : vector<16xi32> to vector<1xi32>
        %squeeze3A_410 = vector.extract %slice3A_409[0] : i32 from vector<1xi32>
        %div3A_411 = arith.constant 8 : i32
        %div3A_412 = arith.divsi %add3A_406, %div3A_411 : i32
        %rem3A_413 = arith.constant 8 : i32
        %rem3A_414 = arith.remsi %add3A_406, %rem3A_413 : i32
        %dma_start3A_415 = arith.constant 0 : i32
        %dma_start3A_416 = tpu.memref_slice %arg8[%div3A_412, %rem3A_414, %dma_start3A_415] : memref<16x8x64xf32, #tpu.memory_space<vmem>> -> memref<1x1x64xf32, #tpu.memory_space<vmem>>
        %dma_start3A_417 = tpu.memref_squeeze %dma_start3A_416 : memref<1x1x64xf32, #tpu.memory_space<vmem>> -> memref<64xf32, #tpu.memory_space<vmem>>
        %dma_start3A_418 = arith.constant 0 : i32
        %dma_start3A_419 = tpu.memref_slice %arg3[%squeeze3A_408, %squeeze3A_410, %dma_start3A_418] : memref<100000x8x64xf32, #tpu.memory_space<hbm>> -> memref<1x1x64xf32, #tpu.memory_space<hbm>>
        %dma_start3A_420 = tpu.memref_squeeze %dma_start3A_419 : memref<1x1x64xf32, #tpu.memory_space<hbm>> -> memref<64xf32, #tpu.memory_space<hbm>>
        %dma_start3A_421 = arith.constant 0 : i32
        %dma_start3A_422 = tpu.memref_slice %arg8[%div3A_412, %rem3A_414, %dma_start3A_421] : memref<16x8x64xf32, #tpu.memory_space<vmem>> -> memref<1x1x64xf32, #tpu.memory_space<vmem>>
        %dma_start3A_423 = tpu.memref_squeeze %dma_start3A_422 : memref<1x1x64xf32, #tpu.memory_space<vmem>> -> memref<64xf32, #tpu.memory_space<vmem>>
        %dma_start3A_424 = arith.constant 0 : i32
        %dma_start3A_425 = tpu.memref_slice %arg3[%squeeze3A_408, %squeeze3A_410, %dma_start3A_424] : memref<100000x8x64xf32, #tpu.memory_space<hbm>> -> memref<1x1x64xf32, #tpu.memory_space<hbm>>
        %dma_start3A_426 = tpu.memref_squeeze %dma_start3A_425 : memref<1x1x64xf32, #tpu.memory_space<hbm>> -> memref<64xf32, #tpu.memory_space<hbm>>
        tpu.enqueue_dma source(%dma_start3A_426 : memref<64xf32, #tpu.memory_space<hbm>>) target(%dma_start3A_423 : memref<64xf32, #tpu.memory_space<vmem>>) target_semaphore(%arg10 : memref<!tpu.dma_semaphore, #tpu.memory_space<semaphore_mem>>)
        %mul3A_427 = arith.constant 16 : i32
        %mul3A_428 = arith.muli %scan3A_155, %mul3A_427 : i32
        %add3A_429 = arith.constant 11 : i32
        %add3A_430 = arith.addi %mul3A_428, %add3A_429 : i32
        %slice3A_431 = vector.extract_strided_slice %shift_right_logical3A_162 {offsets = [11], sizes = [1], strides = [1]} : vector<16xi32> to vector<1xi32>
        %squeeze3A_432 = vector.extract %slice3A_431[0] : i32 from vector<1xi32>
        %slice3A_433 = vector.extract_strided_slice %and3A_165 {offsets = [11], sizes = [1], strides = [1]} : vector<16xi32> to vector<1xi32>
        %squeeze3A_434 = vector.extract %slice3A_433[0] : i32 from vector<1xi32>
        %div3A_435 = arith.constant 8 : i32
        %div3A_436 = arith.divsi %add3A_430, %div3A_435 : i32
        %rem3A_437 = arith.constant 8 : i32
        %rem3A_438 = arith.remsi %add3A_430, %rem3A_437 : i32
        %dma_start3A_439 = arith.constant 0 : i32
        %dma_start3A_440 = tpu.memref_slice %arg8[%div3A_436, %rem3A_438, %dma_start3A_439] : memref<16x8x64xf32, #tpu.memory_space<vmem>> -> memref<1x1x64xf32, #tpu.memory_space<vmem>>
        %dma_start3A_441 = tpu.memref_squeeze %dma_start3A_440 : memref<1x1x64xf32, #tpu.memory_space<vmem>> -> memref<64xf32, #tpu.memory_space<vmem>>
        %dma_start3A_442 = arith.constant 0 : i32
        %dma_start3A_443 = tpu.memref_slice %arg3[%squeeze3A_432, %squeeze3A_434, %dma_start3A_442] : memref<100000x8x64xf32, #tpu.memory_space<hbm>> -> memref<1x1x64xf32, #tpu.memory_space<hbm>>
        %dma_start3A_444 = tpu.memref_squeeze %dma_start3A_443 : memref<1x1x64xf32, #tpu.memory_space<hbm>> -> memref<64xf32, #tpu.memory_space<hbm>>
        %dma_start3A_445 = arith.constant 0 : i32
        %dma_start3A_446 = tpu.memref_slice %arg8[%div3A_436, %rem3A_438, %dma_start3A_445] : memref<16x8x64xf32, #tpu.memory_space<vmem>> -> memref<1x1x64xf32, #tpu.memory_space<vmem>>
        %dma_start3A_447 = tpu.memref_squeeze %dma_start3A_446 : memref<1x1x64xf32, #tpu.memory_space<vmem>> -> memref<64xf32, #tpu.memory_space<vmem>>
        %dma_start3A_448 = arith.constant 0 : i32
        %dma_start3A_449 = tpu.memref_slice %arg3[%squeeze3A_432, %squeeze3A_434, %dma_start3A_448] : memref<100000x8x64xf32, #tpu.memory_space<hbm>> -> memref<1x1x64xf32, #tpu.memory_space<hbm>>
        %dma_start3A_450 = tpu.memref_squeeze %dma_start3A_449 : memref<1x1x64xf32, #tpu.memory_space<hbm>> -> memref<64xf32, #tpu.memory_space<hbm>>
        tpu.enqueue_dma source(%dma_start3A_450 : memref<64xf32, #tpu.memory_space<hbm>>) target(%dma_start3A_447 : memref<64xf32, #tpu.memory_space<vmem>>) target_semaphore(%arg10 : memref<!tpu.dma_semaphore, #tpu.memory_space<semaphore_mem>>)
        %mul3A_451 = arith.constant 16 : i32
        %mul3A_452 = arith.muli %scan3A_155, %mul3A_451 : i32
        %add3A_453 = arith.constant 12 : i32
        %add3A_454 = arith.addi %mul3A_452, %add3A_453 : i32
        %slice3A_455 = vector.extract_strided_slice %shift_right_logical3A_162 {offsets = [12], sizes = [1], strides = [1]} : vector<16xi32> to vector<1xi32>
        %squeeze3A_456 = vector.extract %slice3A_455[0] : i32 from vector<1xi32>
        %slice3A_457 = vector.extract_strided_slice %and3A_165 {offsets = [12], sizes = [1], strides = [1]} : vector<16xi32> to vector<1xi32>
        %squeeze3A_458 = vector.extract %slice3A_457[0] : i32 from vector<1xi32>
        %div3A_459 = arith.constant 8 : i32
        %div3A_460 = arith.divsi %add3A_454, %div3A_459 : i32
        %rem3A_461 = arith.constant 8 : i32
        %rem3A_462 = arith.remsi %add3A_454, %rem3A_461 : i32
        %dma_start3A_463 = arith.constant 0 : i32
        %dma_start3A_464 = tpu.memref_slice %arg8[%div3A_460, %rem3A_462, %dma_start3A_463] : memref<16x8x64xf32, #tpu.memory_space<vmem>> -> memref<1x1x64xf32, #tpu.memory_space<vmem>>
        %dma_start3A_465 = tpu.memref_squeeze %dma_start3A_464 : memref<1x1x64xf32, #tpu.memory_space<vmem>> -> memref<64xf32, #tpu.memory_space<vmem>>
        %dma_start3A_466 = arith.constant 0 : i32
        %dma_start3A_467 = tpu.memref_slice %arg3[%squeeze3A_456, %squeeze3A_458, %dma_start3A_466] : memref<100000x8x64xf32, #tpu.memory_space<hbm>> -> memref<1x1x64xf32, #tpu.memory_space<hbm>>
        %dma_start3A_468 = tpu.memref_squeeze %dma_start3A_467 : memref<1x1x64xf32, #tpu.memory_space<hbm>> -> memref<64xf32, #tpu.memory_space<hbm>>
        %dma_start3A_469 = arith.constant 0 : i32
        %dma_start3A_470 = tpu.memref_slice %arg8[%div3A_460, %rem3A_462, %dma_start3A_469] : memref<16x8x64xf32, #tpu.memory_space<vmem>> -> memref<1x1x64xf32, #tpu.memory_space<vmem>>
        %dma_start3A_471 = tpu.memref_squeeze %dma_start3A_470 : memref<1x1x64xf32, #tpu.memory_space<vmem>> -> memref<64xf32, #tpu.memory_space<vmem>>
        %dma_start3A_472 = arith.constant 0 : i32
        %dma_start3A_473 = tpu.memref_slice %arg3[%squeeze3A_456, %squeeze3A_458, %dma_start3A_472] : memref<100000x8x64xf32, #tpu.memory_space<hbm>> -> memref<1x1x64xf32, #tpu.memory_space<hbm>>
        %dma_start3A_474 = tpu.memref_squeeze %dma_start3A_473 : memref<1x1x64xf32, #tpu.memory_space<hbm>> -> memref<64xf32, #tpu.memory_space<hbm>>
        tpu.enqueue_dma source(%dma_start3A_474 : memref<64xf32, #tpu.memory_space<hbm>>) target(%dma_start3A_471 : memref<64xf32, #tpu.memory_space<vmem>>) target_semaphore(%arg10 : memref<!tpu.dma_semaphore, #tpu.memory_space<semaphore_mem>>)
        %mul3A_475 = arith.constant 16 : i32
        %mul3A_476 = arith.muli %scan3A_155, %mul3A_475 : i32
        %add3A_477 = arith.constant 13 : i32
        %add3A_478 = arith.addi %mul3A_476, %add3A_477 : i32
        %slice3A_479 = vector.extract_strided_slice %shift_right_logical3A_162 {offsets = [13], sizes = [1], strides = [1]} : vector<16xi32> to vector<1xi32>
        %squeeze3A_480 = vector.extract %slice3A_479[0] : i32 from vector<1xi32>
        %slice3A_481 = vector.extract_strided_slice %and3A_165 {offsets = [13], sizes = [1], strides = [1]} : vector<16xi32> to vector<1xi32>
        %squeeze3A_482 = vector.extract %slice3A_481[0] : i32 from vector<1xi32>
        %div3A_483 = arith.constant 8 : i32
        %div3A_484 = arith.divsi %add3A_478, %div3A_483 : i32
        %rem3A_485 = arith.constant 8 : i32
        %rem3A_486 = arith.remsi %add3A_478, %rem3A_485 : i32
        %dma_start3A_487 = arith.constant 0 : i32
        %dma_start3A_488 = tpu.memref_slice %arg8[%div3A_484, %rem3A_486, %dma_start3A_487] : memref<16x8x64xf32, #tpu.memory_space<vmem>> -> memref<1x1x64xf32, #tpu.memory_space<vmem>>
        %dma_start3A_489 = tpu.memref_squeeze %dma_start3A_488 : memref<1x1x64xf32, #tpu.memory_space<vmem>> -> memref<64xf32, #tpu.memory_space<vmem>>
        %dma_start3A_490 = arith.constant 0 : i32
        %dma_start3A_491 = tpu.memref_slice %arg3[%squeeze3A_480, %squeeze3A_482, %dma_start3A_490] : memref<100000x8x64xf32, #tpu.memory_space<hbm>> -> memref<1x1x64xf32, #tpu.memory_space<hbm>>
        %dma_start3A_492 = tpu.memref_squeeze %dma_start3A_491 : memref<1x1x64xf32, #tpu.memory_space<hbm>> -> memref<64xf32, #tpu.memory_space<hbm>>
        %dma_start3A_493 = arith.constant 0 : i32
        %dma_start3A_494 = tpu.memref_slice %arg8[%div3A_484, %rem3A_486, %dma_start3A_493] : memref<16x8x64xf32, #tpu.memory_space<vmem>> -> memref<1x1x64xf32, #tpu.memory_space<vmem>>
        %dma_start3A_495 = tpu.memref_squeeze %dma_start3A_494 : memref<1x1x64xf32, #tpu.memory_space<vmem>> -> memref<64xf32, #tpu.memory_space<vmem>>
        %dma_start3A_496 = arith.constant 0 : i32
        %dma_start3A_497 = tpu.memref_slice %arg3[%squeeze3A_480, %squeeze3A_482, %dma_start3A_496] : memref<100000x8x64xf32, #tpu.memory_space<hbm>> -> memref<1x1x64xf32, #tpu.memory_space<hbm>>
        %dma_start3A_498 = tpu.memref_squeeze %dma_start3A_497 : memref<1x1x64xf32, #tpu.memory_space<hbm>> -> memref<64xf32, #tpu.memory_space<hbm>>
        tpu.enqueue_dma source(%dma_start3A_498 : memref<64xf32, #tpu.memory_space<hbm>>) target(%dma_start3A_495 : memref<64xf32, #tpu.memory_space<vmem>>) target_semaphore(%arg10 : memref<!tpu.dma_semaphore, #tpu.memory_space<semaphore_mem>>)
        %mul3A_499 = arith.constant 16 : i32
        %mul3A_500 = arith.muli %scan3A_155, %mul3A_499 : i32
        %add3A_501 = arith.constant 14 : i32
        %add3A_502 = arith.addi %mul3A_500, %add3A_501 : i32
        %slice3A_503 = vector.extract_strided_slice %shift_right_logical3A_162 {offsets = [14], sizes = [1], strides = [1]} : vector<16xi32> to vector<1xi32>
        %squeeze3A_504 = vector.extract %slice3A_503[0] : i32 from vector<1xi32>
        %slice3A_505 = vector.extract_strided_slice %and3A_165 {offsets = [14], sizes = [1], strides = [1]} : vector<16xi32> to vector<1xi32>
        %squeeze3A_506 = vector.extract %slice3A_505[0] : i32 from vector<1xi32>
        %div3A_507 = arith.constant 8 : i32
        %div3A_508 = arith.divsi %add3A_502, %div3A_507 : i32
        %rem3A_509 = arith.constant 8 : i32
        %rem3A_510 = arith.remsi %add3A_502, %rem3A_509 : i32
        %dma_start3A_511 = arith.constant 0 : i32
        %dma_start3A_512 = tpu.memref_slice %arg8[%div3A_508, %rem3A_510, %dma_start3A_511] : memref<16x8x64xf32, #tpu.memory_space<vmem>> -> memref<1x1x64xf32, #tpu.memory_space<vmem>>
        %dma_start3A_513 = tpu.memref_squeeze %dma_start3A_512 : memref<1x1x64xf32, #tpu.memory_space<vmem>> -> memref<64xf32, #tpu.memory_space<vmem>>
        %dma_start3A_514 = arith.constant 0 : i32
        %dma_start3A_515 = tpu.memref_slice %arg3[%squeeze3A_504, %squeeze3A_506, %dma_start3A_514] : memref<100000x8x64xf32, #tpu.memory_space<hbm>> -> memref<1x1x64xf32, #tpu.memory_space<hbm>>
        %dma_start3A_516 = tpu.memref_squeeze %dma_start3A_515 : memref<1x1x64xf32, #tpu.memory_space<hbm>> -> memref<64xf32, #tpu.memory_space<hbm>>
        %dma_start3A_517 = arith.constant 0 : i32
        %dma_start3A_518 = tpu.memref_slice %arg8[%div3A_508, %rem3A_510, %dma_start3A_517] : memref<16x8x64xf32, #tpu.memory_space<vmem>> -> memref<1x1x64xf32, #tpu.memory_space<vmem>>
        %dma_start3A_519 = tpu.memref_squeeze %dma_start3A_518 : memref<1x1x64xf32, #tpu.memory_space<vmem>> -> memref<64xf32, #tpu.memory_space<vmem>>
        %dma_start3A_520 = arith.constant 0 : i32
        %dma_start3A_521 = tpu.memref_slice %arg3[%squeeze3A_504, %squeeze3A_506, %dma_start3A_520] : memref<100000x8x64xf32, #tpu.memory_space<hbm>> -> memref<1x1x64xf32, #tpu.memory_space<hbm>>
        %dma_start3A_522 = tpu.memref_squeeze %dma_start3A_521 : memref<1x1x64xf32, #tpu.memory_space<hbm>> -> memref<64xf32, #tpu.memory_space<hbm>>
        tpu.enqueue_dma source(%dma_start3A_522 : memref<64xf32, #tpu.memory_space<hbm>>) target(%dma_start3A_519 : memref<64xf32, #tpu.memory_space<vmem>>) target_semaphore(%arg10 : memref<!tpu.dma_semaphore, #tpu.memory_space<semaphore_mem>>)
        %mul3A_523 = arith.constant 16 : i32
        %mul3A_524 = arith.muli %scan3A_155, %mul3A_523 : i32
        %add3A_525 = arith.constant 15 : i32
        %add3A_526 = arith.addi %mul3A_524, %add3A_525 : i32
        %slice3A_527 = vector.extract_strided_slice %shift_right_logical3A_162 {offsets = [15], sizes = [1], strides = [1]} : vector<16xi32> to vector<1xi32>
        %squeeze3A_528 = vector.extract %slice3A_527[0] : i32 from vector<1xi32>
        %slice3A_529 = vector.extract_strided_slice %and3A_165 {offsets = [15], sizes = [1], strides = [1]} : vector<16xi32> to vector<1xi32>
        %squeeze3A_530 = vector.extract %slice3A_529[0] : i32 from vector<1xi32>
        %div3A_531 = arith.constant 8 : i32
        %div3A_532 = arith.divsi %add3A_526, %div3A_531 : i32
        %rem3A_533 = arith.constant 8 : i32
        %rem3A_534 = arith.remsi %add3A_526, %rem3A_533 : i32
        %dma_start3A_535 = arith.constant 0 : i32
        %dma_start3A_536 = tpu.memref_slice %arg8[%div3A_532, %rem3A_534, %dma_start3A_535] : memref<16x8x64xf32, #tpu.memory_space<vmem>> -> memref<1x1x64xf32, #tpu.memory_space<vmem>>
        %dma_start3A_537 = tpu.memref_squeeze %dma_start3A_536 : memref<1x1x64xf32, #tpu.memory_space<vmem>> -> memref<64xf32, #tpu.memory_space<vmem>>
        %dma_start3A_538 = arith.constant 0 : i32
        %dma_start3A_539 = tpu.memref_slice %arg3[%squeeze3A_528, %squeeze3A_530, %dma_start3A_538] : memref<100000x8x64xf32, #tpu.memory_space<hbm>> -> memref<1x1x64xf32, #tpu.memory_space<hbm>>
        %dma_start3A_540 = tpu.memref_squeeze %dma_start3A_539 : memref<1x1x64xf32, #tpu.memory_space<hbm>> -> memref<64xf32, #tpu.memory_space<hbm>>
        %dma_start3A_541 = arith.constant 0 : i32
        %dma_start3A_542 = tpu.memref_slice %arg8[%div3A_532, %rem3A_534, %dma_start3A_541] : memref<16x8x64xf32, #tpu.memory_space<vmem>> -> memref<1x1x64xf32, #tpu.memory_space<vmem>>
        %dma_start3A_543 = tpu.memref_squeeze %dma_start3A_542 : memref<1x1x64xf32, #tpu.memory_space<vmem>> -> memref<64xf32, #tpu.memory_space<vmem>>
        %dma_start3A_544 = arith.constant 0 : i32
        %dma_start3A_545 = tpu.memref_slice %arg3[%squeeze3A_528, %squeeze3A_530, %dma_start3A_544] : memref<100000x8x64xf32, #tpu.memory_space<hbm>> -> memref<1x1x64xf32, #tpu.memory_space<hbm>>
        %dma_start3A_546 = tpu.memref_squeeze %dma_start3A_545 : memref<1x1x64xf32, #tpu.memory_space<hbm>> -> memref<64xf32, #tpu.memory_space<hbm>>
        tpu.enqueue_dma source(%dma_start3A_546 : memref<64xf32, #tpu.memory_space<hbm>>) target(%dma_start3A_543 : memref<64xf32, #tpu.memory_space<vmem>>) target_semaphore(%arg10 : memref<!tpu.dma_semaphore, #tpu.memory_space<semaphore_mem>>)
      }
      %scan3A_154 = arith.constant 8 : i32
    }
    %scan3A_31 = arith.constant 15 : i32
    tpu.wait_dma2 semaphore(%arg9 : memref<!tpu.dma_semaphore, #tpu.memory_space<semaphore_mem>>) src(%arg4 : memref<16x8x64xf32, #tpu.memory_space<hbm>>) dst(%arg7 : memref<16x8x64xf32, #tpu.memory_space<vmem>>)
    %add3A_32 = arith.constant 3840 : i32
    %add3A_33 = arith.addi %mul3A_2, %add3A_32 : i32
    %jit3A = arith.constant 8 : i32
    %div3A_34 = arith.divsi %add3A_33, %jit3A : i32
    %sign3A = arith.constant 0 : i32
    %sign3A_35 = arith.cmpi sgt, %add3A_33, %sign3A : i32
    %sign3A_36 = arith.extui %sign3A_35 : i1 to i32
    %sign3A_37 = arith.constant 0 : i32
    %sign3A_38 = arith.cmpi slt, %add3A_33, %sign3A_37 : i32
    %sign3A_39 = arith.extui %sign3A_38 : i1 to i32
    %sign3A_40 = arith.subi %sign3A_36, %sign3A_39 : i32
    %sign3A_41 = arith.constant 0 : i32
    %sign3A_42 = arith.cmpi sgt, %jit3A, %sign3A_41 : i32
    %sign3A_43 = arith.extui %sign3A_42 : i1 to i32
    %sign3A_44 = arith.constant 0 : i32
    %sign3A_45 = arith.cmpi slt, %jit3A, %sign3A_44 : i32
    %sign3A_46 = arith.extui %sign3A_45 : i1 to i32
    %sign3A_47 = arith.subi %sign3A_43, %sign3A_46 : i32
    %ne3A = arith.cmpi ne, %sign3A_40, %sign3A_47 : i32
    %rem3A_48 = arith.remsi %add3A_33, %jit3A : i32
    %ne3A_49 = arith.constant 0 : i32
    %ne3A_50 = arith.cmpi ne, %rem3A_48, %ne3A_49 : i32
    %and3A = arith.andi %ne3A, %ne3A_50 : i1
    %sub3A = arith.constant 1 : i32
    %sub3A_51 = arith.subi %div3A_34, %sub3A : i32
    %select_n3A = arith.select %and3A, %sub3A_51, %div3A_34 : i32
    "tpu.region"() ({
      %run_scoped3A = tpu.sem_alloc : memref<!tpu.dma_semaphore, #tpu.memory_space<semaphore_mem>>
      %dma_start3A = arith.constant 0 : i32
      %dma_start3A_78 = arith.constant 0 : i32
      %dma_start3A_79 = tpu.memref_slice %arg5[%select_n3A, %dma_start3A, %dma_start3A_78] : memref<16384x8x64xf32, #tpu.memory_space<hbm>> -> memref<16x8x64xf32, #tpu.memory_space<hbm>>
      %dma_start3A_80 = arith.constant 0 : i32
      %dma_start3A_81 = arith.constant 0 : i32
      %dma_start3A_82 = tpu.memref_slice %arg5[%select_n3A, %dma_start3A_80, %dma_start3A_81] : memref<16384x8x64xf32, #tpu.memory_space<hbm>> -> memref<16x8x64xf32, #tpu.memory_space<hbm>>
      tpu.enqueue_dma source(%arg7 : memref<16x8x64xf32, #tpu.memory_space<vmem>>) target(%dma_start3A_82 : memref<16x8x64xf32, #tpu.memory_space<hbm>>) target_semaphore(%run_scoped3A : memref<!tpu.dma_semaphore, #tpu.memory_space<semaphore_mem>>)
      %dma_wait3A = arith.constant 0 : i32
      %dma_wait3A_83 = arith.constant 0 : i32
      %dma_wait3A_84 = tpu.memref_slice %arg5[%select_n3A, %dma_wait3A, %dma_wait3A_83] : memref<16384x8x64xf32, #tpu.memory_space<hbm>> -> memref<16x8x64xf32, #tpu.memory_space<hbm>>
      %dma_wait3A_85 = arith.constant 0 : i32
      %dma_wait3A_86 = arith.constant 0 : i32
      %dma_wait3A_87 = tpu.memref_slice %arg5[%select_n3A, %dma_wait3A_85, %dma_wait3A_86] : memref<16384x8x64xf32, #tpu.memory_space<hbm>> -> memref<16x8x64xf32, #tpu.memory_space<hbm>>
      tpu.wait_dma2 semaphore(%run_scoped3A : memref<!tpu.dma_semaphore, #tpu.memory_space<semaphore_mem>>) src(%arg7 : memref<16x8x64xf32, #tpu.memory_space<vmem>>) dst(%dma_wait3A_87 : memref<16x8x64xf32, #tpu.memory_space<hbm>>)
      tpu.yield
    }) : () -> ()
    tpu.wait_dma2 semaphore(%arg10 : memref<!tpu.dma_semaphore, #tpu.memory_space<semaphore_mem>>) src(%arg4 : memref<16x8x64xf32, #tpu.memory_space<hbm>>) dst(%arg8 : memref<16x8x64xf32, #tpu.memory_space<vmem>>)
    %add3A_52 = arith.constant 3968 : i32
    %add3A_53 = arith.addi %mul3A_2, %add3A_52 : i32
    %jit3A_54 = arith.constant 8 : i32
    %div3A_55 = arith.divsi %add3A_53, %jit3A_54 : i32
    %sign3A_56 = arith.constant 0 : i32
    %sign3A_57 = arith.cmpi sgt, %add3A_53, %sign3A_56 : i32
    %sign3A_58 = arith.extui %sign3A_57 : i1 to i32
    %sign3A_59 = arith.constant 0 : i32
    %sign3A_60 = arith.cmpi slt, %add3A_53, %sign3A_59 : i32
    %sign3A_61 = arith.extui %sign3A_60 : i1 to i32
    %sign3A_62 = arith.subi %sign3A_58, %sign3A_61 : i32
    %sign3A_63 = arith.constant 0 : i32
    %sign3A_64 = arith.cmpi sgt, %jit3A_54, %sign3A_63 : i32
    %sign3A_65 = arith.extui %sign3A_64 : i1 to i32
    %sign3A_66 = arith.constant 0 : i32
    %sign3A_67 = arith.cmpi slt, %jit3A_54, %sign3A_66 : i32
    %sign3A_68 = arith.extui %sign3A_67 : i1 to i32
    %sign3A_69 = arith.subi %sign3A_65, %sign3A_68 : i32
    %ne3A_70 = arith.cmpi ne, %sign3A_62, %sign3A_69 : i32
    %rem3A_71 = arith.remsi %add3A_53, %jit3A_54 : i32
    %ne3A_72 = arith.constant 0 : i32
    %ne3A_73 = arith.cmpi ne, %rem3A_71, %ne3A_72 : i32
    %and3A_74 = arith.andi %ne3A_70, %ne3A_73 : i1
    %sub3A_75 = arith.constant 1 : i32
    %sub3A_76 = arith.subi %div3A_55, %sub3A_75 : i32
    %select_n3A_77 = arith.select %and3A_74, %sub3A_76, %div3A_55 : i32
    "tpu.region"() ({
      %run_scoped3A = tpu.sem_alloc : memref<!tpu.dma_semaphore, #tpu.memory_space<semaphore_mem>>
      %dma_start3A = arith.constant 0 : i32
      %dma_start3A_78 = arith.constant 0 : i32
      %dma_start3A_79 = tpu.memref_slice %arg5[%select_n3A_77, %dma_start3A, %dma_start3A_78] : memref<16384x8x64xf32, #tpu.memory_space<hbm>> -> memref<16x8x64xf32, #tpu.memory_space<hbm>>
      %dma_start3A_80 = arith.constant 0 : i32
      %dma_start3A_81 = arith.constant 0 : i32
      %dma_start3A_82 = tpu.memref_slice %arg5[%select_n3A_77, %dma_start3A_80, %dma_start3A_81] : memref<16384x8x64xf32, #tpu.memory_space<hbm>> -> memref<16x8x64xf32, #tpu.memory_space<hbm>>
      tpu.enqueue_dma source(%arg8 : memref<16x8x64xf32, #tpu.memory_space<vmem>>) target(%dma_start3A_82 : memref<16x8x64xf32, #tpu.memory_space<hbm>>) target_semaphore(%run_scoped3A : memref<!tpu.dma_semaphore, #tpu.memory_space<semaphore_mem>>)
      %dma_wait3A = arith.constant 0 : i32
      %dma_wait3A_83 = arith.constant 0 : i32
      %dma_wait3A_84 = tpu.memref_slice %arg5[%select_n3A_77, %dma_wait3A, %dma_wait3A_83] : memref<16384x8x64xf32, #tpu.memory_space<hbm>> -> memref<16x8x64xf32, #tpu.memory_space<hbm>>
      %dma_wait3A_85 = arith.constant 0 : i32
      %dma_wait3A_86 = arith.constant 0 : i32
      %dma_wait3A_87 = tpu.memref_slice %arg5[%select_n3A_77, %dma_wait3A_85, %dma_wait3A_86] : memref<16384x8x64xf32, #tpu.memory_space<hbm>> -> memref<16x8x64xf32, #tpu.memory_space<hbm>>
      tpu.wait_dma2 semaphore(%run_scoped3A : memref<!tpu.dma_semaphore, #tpu.memory_space<semaphore_mem>>) src(%arg8 : memref<16x8x64xf32, #tpu.memory_space<vmem>>) dst(%dma_wait3A_87 : memref<16x8x64xf32, #tpu.memory_space<hbm>>)
      tpu.yield
    }) : () -> ()
    return
  }
}

</mosaic_0001>

<sc_bundles>
// kernel: kernel.3.cloned.1.call-start
scs
__scs_entry_jumppad:
0x0: {  	(pc) =	sbr.rel $0x88, $3  }
0x1: {  	(tag) =	ssettag $0x0;
	lr =	simm.s32 $0x1  }
0x2: {  	[smem:$0x3F9F] =	sst lr;
	_ =	strace $0xD0000000  }
0x3: {  	_ = 	snop  }
0x4: {  	_ = 	snop  }
0x5: {  	_ = 	snop  }
0x6: {  	_ = 	snop  }
0x7: {  	_ = 	snop  }
__scs_overlays_trampoline_lowered:
0x8: {  	[smem:$0x3FAE] =	sst s0  }
0x9: {  	[smem:$0x3FAF] =	sst s1  }
0xa: {  	[smem:$0x3FB0] =	sst s2  }
0xb: {  	[smem:$0x3FB1] =	sst s3  }
0xc: {  	[smem:$0x3FB2] =	sst s4  }
0xd: {  	[smem:$0x3FB3] =	sst s5  }
0xe: {  	[smem:$0x3FB4] =	sst s6  }
0xf: {  	[smem:$0x3FB5] =	sst s7  }
0x10: {  	[smem:$0x3FB6] =	sst s8  }
0x11: {  	[smem:$0x3FB7] =	sst s9;
	s0 =	simm.s32 @!p0 $0x0  }
0x12: {  	s1 =	sld [smem:$0x3F9D];
	s0 =	simm.s32 @p0 $0x1  }
0x13: {  	[smem:$0x3FB8] =	sst s0;
	s0 =	simm.s32 @!p1 $0x0  }
0x14: {  	s2 =	sld [smem:$0x3F9C];
	s0 =	simm.s32 @p1 $0x1  }
0x15: {  	[smem:$0x3FB9] =	sst s0;
	s0 =	simm.s32 @!p2 $0x0  }
0x16: {  	s3 =	sld [smem:$0x3FDB];
	s0 =	simm.s32 @p2 $0x1  }
0x17: {  	s4 =	simm.s32 $0x1BF5;
	[smem:$0x3FBB] =	sst s0  }
0x18: {  	s0 =	sld [smem:$0x3F9E];
	_ =	swait.ge [sflag:s4], $0x0  }
0x19: {  	s7 =	sld [smem:$0x3F9F]  }
0x1a: {  	s8 =	sadd.s32 $0xFFFFE003, lr  }
0x1b: {  	s9 =	sadd.s32 $0xFFFFFEF7, lr;
	s5 =	simm.s32 $0xFFFFFFFF;
	p2 =	slt.u32 s8, $0xFFFFF086  }
0x1c: {  	p1 =	slt.u32 s9, $0xF7A;
	s5 =	simm.s32 @!p2 $0x0  }
0x1d: {  	s5 =	simm.s32 @p1 $0x1;
	p0 =	seq.s32 s7, s2  }
0x1e: {  	s7 =	smul.u32 @!p0 $0xF7A, s2;
	p2 =	seq.s32 @!p0 s5, $0x0  }
0x1f: {  	s9 =	smul.u32 $0xF7A, s1;
	s8 =	simm.s32 @!p0 $0x1BF5;
	p2 =	por !p2, p0  }
0x20: {  	[sflag:s8] =	ssyncset.s32 @!p0 $0xFFFFF086;
	s6 =	sadd.s32 @!p0 s3, s7;
	s7 =	simm.s32 @!p0 $0x108  }
0x21: {  	s3 =	sadd.s32 s3, s9;
	s6 =	sadd.s32 @!p0 $0x88, s6;
	s7 =	simm.s32 @p2 $0x1082  }
0x22: {  	[simem:s7], [sflag:s8] =	dma.local @!p0 [hbm:s6], $0xF7A  }
0x23: {  	s9 =	sor.u32 $0xD0000000, s2;
	s6 =	simm.s32 $0x108;
	_ =	swait.ge @!p0 [sflag:s8], $0x0  }
0x24: {  	s3 =	sadd.s32 $0x88, s3;
	s6 =	simm.s32 @!p1 $0x1082;
	[sflag:s4] =	ssyncset.s32 $0xFFFFF086  }
0x25: {  	[simem:s6], [sflag:s4] =	dma.local [hbm:s3], $0xF7A  }
0x26: {  	[smem:$0x3F9F] =	sst s1;
	(tag) =	ssettag s2;
	_ =	strace s9  }
0x27: {  	s1 =	sld [smem:$0x3FAF]  }
0x28: {  	s2 =	sld [smem:$0x3FB0]  }
0x29: {  	s4 =	sld [smem:$0x3FB2]  }
0x2a: {  	p0 =	seq.s32 s5, $0x0;
	s5 =	sld [smem:$0x3FB3]  }
0x2b: {  	s6 =	sld [smem:$0x3FB4]  }
0x2c: {  	s7 =	sld [smem:$0x3FB5]  }
0x2d: {  	s3 =	simm.s32 $0x108;
	s8 =	sld [smem:$0x3FB6]  }
0x2e: {  	s3 =	simm.s32 @!p0 $0x1082;
	s9 =	sld [smem:$0x3FB7]  }
0x2f: {  	lr =	sadd.s32 s0, s3;
	s0 =	sld [smem:$0x3FAE]  }
0x30: {  	s3 =	sld [smem:$0x3FB1]  }
0x31: {  	[smem:$0x3FBA] =	sst s10  }
0x32: {  	s10 =	sld [smem:$0x3FB8];
	_ =	sdelay $0x3  }
0x33: {  	p0 =	seq.s32 s10, $0x1;
	s10 =	sld [smem:$0x3FBA];
	_ =	sdelay $0x3  }
0x34: {  	[smem:$0x3FBA] =	sst s10  }
0x35: {  	s10 =	sld [smem:$0x3FB9];
	_ =	sdelay $0x3  }
0x36: {  	p1 =	seq.s32 s10, $0x1;
	s10 =	sld [smem:$0x3FBA];
	_ =	sdelay $0x3  }
0x37: {  	[smem:$0x3FBA] =	sst s10  }
0x38: {  	s10 =	sld [smem:$0x3FBB]  }
0x39: {  	_ = 	snop;
	(pc) =	sbr.ind lr, $3  }
0x3a: {  	_ = 	snop  }
0x3b: {  	_ = 	snop  }
0x3c: {  	p2 =	seq.s32 s10, $0x1;
	s10 =	sld [smem:$0x3FBA]  }
0x3d: {  	_ =	shalt  }
0x3e: {  	_ =	shalt  }
0x3f: {  	_ =	shalt  }
0x40: {  	_ =	shalt  }
0x41: {  	_ =	shalt  }
0x42: {  	_ =	shalt  }
0x43: {  	_ =	shalt  }
0x44: {  	_ =	shalt  }
0x45: {  	_ =	shalt  }
0x46: {  	_ =	shalt  }
0x47: {  	_ =	shalt  }
0x48: {  	_ =	shalt  }
0x49: {  	_ =	shalt  }
0x4a: {  	_ =	shalt  }
0x4b: {  	_ =	shalt  }
0x4c: {  	_ =	shalt  }
0x4d: {  	_ =	shalt  }
0x4e: {  	_ =	shalt  }
0x4f: {  	_ =	shalt  }
0x50: {  	_ =	shalt  }
0x51: {  	_ =	shalt  }
0x52: {  	_ =	shalt  }
0x53: {  	_ =	shalt  }
0x54: {  	_ =	shalt  }
0x55: {  	_ =	shalt  }
0x56: {  	_ =	shalt  }
0x57: {  	_ =	shalt  }
0x58: {  	_ =	shalt  }
0x59: {  	_ =	shalt  }
0x5a: {  	_ =	shalt  }
0x5b: {  	_ =	shalt  }
0x5c: {  	_ =	shalt  }
0x5d: {  	_ =	shalt  }
0x5e: {  	_ =	shalt  }
0x5f: {  	_ =	shalt  }
0x60: {  	_ =	shalt  }
0x61: {  	_ =	shalt  }
0x62: {  	_ =	shalt  }
0x63: {  	_ =	shalt  }
0x64: {  	_ =	shalt  }
0x65: {  	_ =	shalt  }
0x66: {  	_ =	shalt  }
0x67: {  	_ =	shalt  }
0x68: {  	_ =	shalt  }
0x69: {  	_ =	shalt  }
0x6a: {  	_ =	shalt  }
0x6b: {  	_ =	shalt  }
0x6c: {  	_ =	shalt  }
0x6d: {  	_ =	shalt  }
0x6e: {  	_ =	shalt  }
0x6f: {  	_ =	shalt  }
0x70: {  	_ =	shalt  }
0x71: {  	_ =	shalt  }
0x72: {  	_ =	shalt  }
0x73: {  	_ =	shalt  }
0x74: {  	_ =	shalt  }
0x75: {  	_ =	shalt  }
0x76: {  	_ =	shalt  }
0x77: {  	_ =	shalt  }
0x78: {  	_ =	shalt  }
0x79: {  	_ =	shalt  }
0x7a: {  	_ =	shalt  }
0x7b: {  	_ =	shalt  }
0x7c: {  	_ =	shalt  }
0x7d: {  	_ =	shalt  }
0x7e: {  	_ =	shalt  }
0x7f: {  	_ =	shalt  }
0x80: {  	_ =	shalt  }
0x81: {  	_ =	shalt  }
0x82: {  	_ =	shalt  }
0x83: {  	_ =	shalt  }
0x84: {  	_ =	shalt  }
0x85: {  	_ =	shalt  }
0x86: {  	_ =	shalt  }
0x87: {  	_ =	shalt  }
.Lfunc_end0:
.L_simem_size_0:
called_computation.1_lowered:
.L_overlay_start_0:
0x88: {  	s2 =	sld [smem:$0x3FD9]  }
0x89: {  	s3 =	sld [smem:$0x3FFE];
	_ =	sdelay $0x1  }
0x8a: {  	s1 =	srdreg.scid  }
0x8b: {  	s0 =	sand.u32 $0x1, s1  }
0x8c: {  	s17 =	sshll.u32 s0, $0xA;
	s2 =	sadd.s32 s3, s2  }
0x8d: {  	s2 =	sadd.s32 s2, s17  }
0x8e: {  	[smem:$0x3FC6] =	sst s2  }
0x8f: {  	_ = 	snop  }
0x90: {  	s2 =	sld [smem:$0x3FD0];
	(tm) =	ssettm $0x1  }
0x91: {  	s18 =	sld [smem:$0x3FFB];
	_ =	sdelay $0x3  }
0x92: {  	_ =	strace s18  }
0x93: {  	s3 =	sld [smem:$0x3FFC];
	_ =	sdelay $0x3  }
0x94: {  	_ =	strace s3  }
0x95: {  	s3 =	sld [smem:$0x3FFD];
	_ =	sdelay $0x3  }
0x96: {  	_ =	strace s3  }
0x97: {  	_ =	strace $0x8FFFFFFF  }
0x98: {  	s19 =	sld [smem:$0x3FDB];
	_ =	sdelay $0x1  }
0x99: {  	s4 =	simm.s32 $_scs_section_size  }
0x9a: {  	s5 =	simm.s32 $_size__tile_overlayer_lowered;
	s6 =	simm.s32 $_tile_overlayer_lowered  }
0x9b: {  	s22 =	simm.s32 $0x1BFF;
	s21 =	sshll.u32 s6, $0x1;
	s3 =	sadd.s32 s4, s19  }
0x9c: {  	s7 =	simm.s32 $0x0;
	s20 =	sshll.u32 s5, $0x1;
	s5 =	sadd.s32 s21, s3  }
0x9d: {  	[timem:s7], [sflag:s22] =	dma.local [hbm:s5], s20  }
0x9e: {  	_ =	swait.ge [sflag:s22], s20  }
0x9f: {  	s4 =	ssub.s32 $0x0, s20;
	[sflag:s22] =	ssyncset.done $0x0  }
0xa0: {  	[sflag:s22] =	ssyncadd.s32 s4;
	_ =	sdelay $0x1  }
0xa1: {  	s23 =	simm.s32 $0x1B8B  }
0xa2: {  	_ =	swait.ge [sflag:s23], $0x1  }
0xa3: {  	[sflag:s23] =	ssyncset.done $0x0  }
0xa4: {  	s25 =	simm.s32 $0x1B8E;
	s24 =	sld [smem:$0x3FFE];
	[sflag:s23] =	ssyncadd.s32 $0xFFFFFFFF  }
0xa5: {  	s26 =	simm.s32 $execute0_lowered;
	[smem:$0x3FD2] =	sst s25  }
0xa6: {  	s5 =	sshll.u32 s26, $0x1;
	_ =	strace $0x80000046;
	[dreg:$0x1] =	wrdreg $0xFFFFFFFF  }
0xa7: {  	s28 =	simm.s32 $_size_execute0_lowered;
	s3 =	sadd.s32 s3, s5;
	[dreg:$0x0] =	wrdreg $0x0  }
0xa8: {  	s5 =	sshll.u32 s28, $0x1;
	[dreg:$0x2] =	wrdreg s3  }
0xa9: {  	[dreg:$0x3] =	wrdreg s5  }
0xaa: {  	[dreg:$0x4] =	wrdreg $0xC0  }
0xab: {  	_ =	task [dreg:s7], $0x5FFFF  }
0xac: {  	[dreg:$0x1] =	wrdreg $0xFFFFFFFF  }
0xad: {  	[dreg:$0x0] =	wrdreg $0x60  }
0xae: {  	[dreg:$0x2] =	wrdreg s2  }
0xaf: {  	[dreg:$0x3] =	wrdreg s24  }
0xb0: {  	[dreg:$0x4] =	wrdreg $0x9  }
0xb1: {  	_ =	task.clear_ibuf [dreg:s7], $0x5FFFF;
	_ =	strace $0x90000046  }
0xb2: {  	s29 =	simm.s32 $0x9;
	_ =	strace $0x80000048  }
0xb3: {  	_ =	swait.ge [sflag:s29], $0x1  }
0xb4: {  	[sflag:s29] =	ssyncadd.s32 $0xFFFFFFFF  }
0xb5: {  	_ =	strace $0x90000048  }
0xb6: {  	_ =	sfence  }
0xb7: {  	s30 =	sld [smem:$0x0];
	_ =	sdelay $0x2  }
0xb8: {  	s31 =	sshll.u32 s1, $0xD;
	s1 =	sshrl.u32 s1, $0x2  }
0xb9: {  	s3 =	sand.u32 $0x4000, s31;
	s1 =	sadd.s32 s1, s30  }
0xba: {  	s0 =	sor.u32 s3, s0;
	s1 =	sshll.u32 s1, $0x11  }
0xbb: {  	s0 =	sor.u32 s1, s0  }
0xbc: {  	s0 =	sadd.s32 $0x8F2B, s0  }
0xbd: {  	[sflag:s0] =	ssyncadd.remote.s32 $0x1  }
0xbe: {  	_ =	sfence.sel $0xFFFF  }
0xbf: {  	[dreg:$0x0] =	wrdreg $0xFFFFFFFF;
	(pc) =	sbr.abs _section_cstart, $3  }
0xc0: {  	[dreg:$0x1] =	wrdreg $0xFFFFFFFF  }
0xc1: {  	_ =	task.clear_ibuf [dreg:s7], $0x2FFFF;
	_ =	strace $0x9FFFFFFF  }
0xc2: {  	(tm) =	ssettm $0x7FFFFFFF  }
0xc3: {  	_ =	shalt  }
tec
execute0_lowered:
.L_overlay_start_1:
0x0: {  	(tag) =	ssettag $0x1  }
0x1: {  	s4 =	rddreg [dreg:$0x0]  }
0x2: {  	s5 =	rddreg [dreg:$0x1]  }
0x3: {  	s0 =	rddreg [dreg:$0x2];
	s3 =	srdreg.scid  }
0x4: {  	s1 =	stileid.u32;
	s2 =	simm.s32 $0x0;
	s9 =	simm.s32 $0x3  }
0x5: {  	s10 =	simm.s32 $0x1;
	s11 =	simm.s32 $0x1000;
	s13 =	simm.s32 $0x5000  }
0x6: {  	s3 =	sand.u32 $0x1, s3;
	s6 =	sshll.u32 s1, $0x1;
	[smem:$0x7FF] =	sst s2  }
0x7: {  	s14 =	simm.s32 $0x0;
	s6 =	sor.u32 s3, s6;
	_ =	strace $0x80000047  }
0x8: {  	s8 =	ssub.s32 $0x2, s3;
	s3 =	sadd.s32 $0x800, s5;
	s7 =	sshll.u32 s6, $0x10  }
0x9: {  	s30 =	sshrl.u32 s8, $0x1;
	s31 =	sand.u32 $0x7, s6;
	s6 =	sshll.u32 s6, $0x9  }
0xa: {  	s7 =	sadd.s32 s7, s5;
	s8 =	ssub.s32 s8, s30;
	s12 =	smul.u32 $0x186A0, s31  }
0xb: {  	s4 =	sadd.s32 s4, s6;
	s5 =	sadd.s32 $0xC36000, s7;
	s6 =	sadd.s32 $0xC45000, s7  }
0xc: {  	s7 =	sadd.s32 $0xC45800, s7;
	s8 =	smax.u32 s8, $0x1;
	v0 =	vmov s12;
	s12 =	simm.s32 $0x2  }
.LBB2_1:
0xd: {  	[tilespmem:s2], [sflag:$0x3] =	stream.linear.gather [hbm4b:s4+s2], $0x1000, $0x38;
	[tilespmem:$0x9000] =	vst v63  }
0xe: {  	_ =	swait.ge [sflag:s9], $0x1000  }
0xf: {  	[sflag:s9] =	ssyncset.done $0x0  }
0x10: {  	s15 =	simm.s32 $0x0;
	[sflag:s9] =	ssyncadd.s32 $0xFFFFF000  }
0x11: {  	v3 =	vld [tilespmem:s15+$0x0]  }
0x12: {  	v5 =	vld [tilespmem:s15+$0x10]  }
0x13: {  	v4 =	vld [tilespmem:s15+$0x20]  }
0x14: {  	v2 =	vld [tilespmem:s15+$0x30]  }
0x15: {  	v1 =	vld [tilespmem:s15+$0x40]  }
0x16: {  	v6 =	vadd.s32 v0, v3;
	v3 =	vld [tilespmem:s15+$0x50]  }
0x17: {  	s16 =	simm.s32 $0x200;
	[tilespmem:s15+$0x0] =	vst v6;
	v6 =	vadd.s32 v0, v5;
	v5 =	vld [tilespmem:s15+$0x60]  }
.LBB2_2:
0x18: {  	s17 =	sshra.s32 s16, $0x2;
	p0 =	sne.s32 s16, $0x3E00;
	[tilespmem:s15+$0x10] =	vst v6;
	v4 =	vadd.s32 v0, v4;
	v6 =	vld [tilespmem:s15+$0x70]  }
0x19: {  	v7 =	vld [tilespmem:s17+$0x0];
	[tilespmem:s15+$0x20] =	vst v4;
	v2 =	vadd.s32 v0, v2  }
0x1a: {  	v8 =	vld [tilespmem:s17+$0x10];
	[tilespmem:s15+$0x30] =	vst v2;
	v1 =	vadd.s32 v0, v1  }
.Ltmp0:
0x1b: {  	v4 =	vld [tilespmem:s17+$0x20];
	[tilespmem:s15+$0x40] =	vst v1;
	v1 =	vadd.s32 v0, v3;
	(pc) =	sbr.rel @p0 .LBB2_2-.Ltmp0, $4  }
0x1c: {  	v2 =	vld [tilespmem:s17+$0x30];
	[tilespmem:s15+$0x50] =	vst v1;
	v3 =	vadd.s32 v0, v5  }
0x1d: {  	v1 =	vld [tilespmem:s17+$0x40];
	[tilespmem:s15+$0x60] =	vst v3;
	v5 =	vadd.s32 v0, v6  }
0x1e: {  	v6 =	vadd.s32 v0, v7;
	v3 =	vld [tilespmem:s17+$0x50];
	[tilespmem:s15+$0x70] =	vst v5;
	s15 =	smov.u32 s17  }
0x1f: {  	s16 =	sadd.s32 $0x200, s16;
	[tilespmem:s15+$0x0] =	vst v6;
	v6 =	vadd.s32 v0, v8;
	v5 =	vld [tilespmem:s15+$0x60]  }
0x20: {  	[tilespmem:s15+$0x10] =	vst v6;
	v4 =	vadd.s32 v0, v4;
	v63 =	vld [tilespmem:s15+$0x70]  }
0x21: {  	[tilespmem:s15+$0x20] =	vst v4;
	v2 =	vadd.s32 v0, v2  }
0x22: {  	[tilespmem:s15+$0x30] =	vst v2;
	v1 =	vadd.s32 v0, v1  }
0x23: {  	[tilespmem:s15+$0x40] =	vst v1;
	v1 =	vadd.s32 v0, v3  }
0x24: {  	[tilespmem:s15+$0x50] =	vst v1;
	v1 =	vadd.s32 v0, v5  }
0x25: {  	[tilespmem:s15+$0x60] =	vst v1;
	v1 =	vadd.s32 v0, v63  }
0x26: {  	s16 =	simm.s32 $0x0;
	s17 =	simm.s32 $0x0;
	[tilespmem:s15+$0x70] =	vst v1;
	s15 =	simm.s32 $0x0  }
.LBB2_4:
0x27: {  	v1 =	vld [tilespmem:s15+$0x0];
	_ =	sdelay $0x4  }
0x28: {  	v2 =	vshrl.u32 v1, $0x3  }
0x29: {  	v1 =	vand.u32 $0x7, v1;
	v2 =	vshll.u32 v2, $0xA  }
0x2a: {  	v1 =	vshll.u32 v1, $0x7;
	(v2sf) =	vpush v2, $0x0  }
0x2b: {  	(v2sf) =	vpush v1, $0x0;
	_ =	sdelay $0x2  }
0x2c: {  	(v2sf) =	vpush v2, $0x1  }
0x2d: {  	(v2sf) =	vpush v1, $0x1;
	_ =	sdelay $0x1  }
0x2e: {  	(v2sf) =	vpush v2, $0x2;
	_ =	sdelay $0x1  }
0x2f: {  	(v2sf) =	vpush v1, $0x2;
	_ =	sdelay $0x5  }
0x30: {  	s18 =	spop (v2sf);
	(v2sf) =	vpush v2, $0x3  }
0x31: {  	s19 =	spop (v2sf);
	(v2sf) =	vpush v1, $0x3;
	_ =	sdelay $0x2  }
0x32: {  	s30 =	spop (v2sf);
	(v2sf) =	vpush v2, $0x4  }
0x33: {  	s31 =	spop (v2sf);
	(v2sf) =	vpush v1, $0x4;
	_ =	sdelay $0x1  }
0x34: {  	s22 =	spop (v2sf);
	(v2sf) =	vpush v2, $0x5;
	_ =	sdelay $0x1  }
0x35: {  	s23 =	spop (v2sf);
	(v2sf) =	vpush v1, $0x5;
	_ =	sdelay $0x1  }
0x36: {  	s19 =	sor.u32 s19, s18  }
0x37: {  	s18 =	sshra.s32 s17, $0x2;
	s19 =	sshrl.u32 s19, $0x3  }
0x38: {  	s20 =	sadd.s32 $0x1000, s18;
	s19 =	sadd.s32 s3, s19  }
0x39: {  	[tilespmem:s20], [sflag:$0x1] =	stream.linear.gather [hbm4b:s19+s16], $0x80, $0x38;
	[tilespmem:$0x9000] =	vst v63  }
0x3a: {  	s19 =	sor.u32 s31, s30;
	s25 =	spop (v2sf);
	(v2sf) =	vpush v2, $0x6  }
0x3b: {  	s19 =	sshrl.u32 s19, $0x3;
	s26 =	spop (v2sf);
	(v2sf) =	vpush v1, $0x6  }
0x3c: {  	s21 =	sadd.s32 $0x1080, s18;
	s19 =	sadd.s32 s3, s19  }
0x3d: {  	[tilespmem:s21], [sflag:$0x1] =	stream.linear.gather [hbm4b:s19+s16], $0x80, $0x38;
	[tilespmem:$0x9000] =	vst v63  }
0x3e: {  	s29 =	spop (v2sf);
	(v2sf) =	vpush v2, $0x7  }
0x3f: {  	s19 =	sor.u32 s23, s22;
	s30 =	spop (v2sf);
	(v2sf) =	vpush v1, $0x7  }
0x40: {  	s19 =	sshrl.u32 s19, $0x3  }
0x41: {  	s24 =	sadd.s32 $0x1100, s18;
	s19 =	sadd.s32 s3, s19;
	s20 =	spop (v2sf);
	(v2sf) =	vpush v2, $0x8  }
0x42: {  	[tilespmem:s24], [sflag:$0x1] =	stream.linear.gather [hbm4b:s19+s16], $0x80, $0x38;
	[tilespmem:$0x9000] =	vst v63  }
0x43: {  	s21 =	spop (v2sf);
	(v2sf) =	vpush v1, $0x8  }
0x44: {  	s19 =	sor.u32 s26, s25  }
0x45: {  	s19 =	sshrl.u32 s19, $0x3  }
0x46: {  	s28 =	sadd.s32 $0x1180, s18;
	s19 =	sadd.s32 s3, s19  }
0x47: {  	[tilespmem:s28], [sflag:$0x1] =	stream.linear.gather [hbm4b:s19+s16], $0x80, $0x38;
	[tilespmem:$0x9000] =	vst v63  }
0x48: {  	s19 =	sor.u32 s30, s29  }
0x49: {  	s19 =	sshrl.u32 s19, $0x3;
	s23 =	spop (v2sf);
	(v2sf) =	vpush v2, $0x9  }
0x4a: {  	s31 =	sadd.s32 $0x1200, s18;
	s19 =	sadd.s32 s3, s19;
	s24 =	spop (v2sf);
	(v2sf) =	vpush v1, $0x9  }
0x4b: {  	[tilespmem:s31], [sflag:$0x1] =	stream.linear.gather [hbm4b:s19+s16], $0x80, $0x38;
	[tilespmem:$0x9000] =	vst v63  }
0x4c: {  	s19 =	sor.u32 s21, s20  }
0x4d: {  	s19 =	sshrl.u32 s19, $0x3;
	s26 =	spop (v2sf);
	(v2sf) =	vpush v2, $0xA  }
0x4e: {  	s22 =	sadd.s32 $0x1280, s18;
	s19 =	sadd.s32 s3, s19;
	s28 =	spop (v2sf);
	(v2sf) =	vpush v1, $0xA  }
0x4f: {  	[tilespmem:s22], [sflag:$0x1] =	stream.linear.gather [hbm4b:s19+s16], $0x80, $0x38;
	[tilespmem:$0x9000] =	vst v63  }
0x50: {  	s19 =	sor.u32 s24, s23;
	s30 =	spop (v2sf);
	(v2sf) =	vpush v2, $0xB  }
0x51: {  	s19 =	sshrl.u32 s19, $0x3  }
0x52: {  	s25 =	sadd.s32 $0x1300, s18;
	s19 =	sadd.s32 s3, s19;
	s31 =	spop (v2sf);
	(v2sf) =	vpush v1, $0xB  }
0x53: {  	[tilespmem:s25], [sflag:$0x1] =	stream.linear.gather [hbm4b:s19+s16], $0x80, $0x38;
	[tilespmem:$0x9000] =	vst v63  }
0x54: {  	s19 =	sor.u32 s28, s26  }
0x55: {  	s19 =	sshrl.u32 s19, $0x3  }
0x56: {  	s29 =	sadd.s32 $0x1380, s18;
	s19 =	sadd.s32 s3, s19  }
0x57: {  	[tilespmem:s29], [sflag:$0x1] =	stream.linear.gather [hbm4b:s19+s16], $0x80, $0x38;
	[tilespmem:$0x9000] =	vst v63  }
0x58: {  	s19 =	sor.u32 s31, s30;
	s22 =	spop (v2sf);
	(v2sf) =	vpush v2, $0xC  }
0x59: {  	s19 =	sshrl.u32 s19, $0x3;
	s23 =	spop (v2sf);
	(v2sf) =	vpush v1, $0xC  }
0x5a: {  	s21 =	sadd.s32 $0x1400, s18;
	s19 =	sadd.s32 s3, s19  }
0x5b: {  	[tilespmem:s21], [sflag:$0x1] =	stream.linear.gather [hbm4b:s19+s16], $0x80, $0x38;
	[tilespmem:$0x9000] =	vst v63  }
0x5c: {  	s25 =	spop (v2sf);
	(v2sf) =	vpush v2, $0xD  }
0x5d: {  	s19 =	sor.u32 s23, s22;
	s26 =	spop (v2sf);
	(v2sf) =	vpush v1, $0xD  }
0x5e: {  	s19 =	sshrl.u32 s19, $0x3  }
0x5f: {  	s24 =	sadd.s32 $0x1480, s18;
	s19 =	sadd.s32 s3, s19;
	s29 =	spop (v2sf)  }
0x60: {  	(v2sf) =	vpush v2, $0xE;
	[tilespmem:s24], [sflag:$0x1] =	stream.linear.gather [hbm4b:s19+s16], $0x80, $0x38;
	[tilespmem:$0x9000] =	vst v63  }
0x61: {  	s30 =	spop (v2sf);
	(v2sf) =	vpush v1, $0xE  }
0x62: {  	s19 =	sor.u32 s26, s25  }
0x63: {  	s19 =	sshrl.u32 s19, $0x3  }
0x64: {  	s28 =	sadd.s32 $0x1500, s18;
	s19 =	sadd.s32 s3, s19  }
0x65: {  	[tilespmem:s28], [sflag:$0x1] =	stream.linear.gather [hbm4b:s19+s16], $0x80, $0x38;
	[tilespmem:$0x9000] =	vst v63  }
0x66: {  	s19 =	sor.u32 s30, s29  }
0x67: {  	s19 =	sshrl.u32 s19, $0x3;
	s20 =	spop (v2sf);
	(v2sf) =	vpush v2, $0xF  }
0x68: {  	s31 =	sadd.s32 $0x1580, s18;
	s19 =	sadd.s32 s3, s19;
	s21 =	spop (v2sf);
	(v2sf) =	vpush v1, $0xF  }
0x69: {  	[tilespmem:s31], [sflag:$0x1] =	stream.linear.gather [hbm4b:s19+s16], $0x80, $0x38;
	[tilespmem:$0x9000] =	vst v63  }
0x6a: {  	s19 =	sor.u32 s21, s20  }
0x6b: {  	s23 =	spop (v2sf);
	s19 =	sshrl.u32 s19, $0x3  }
0x6c: {  	s22 =	sadd.s32 $0x1600, s18;
	s24 =	spop (v2sf);
	s19 =	sadd.s32 s3, s19  }
0x6d: {  	[tilespmem:s22], [sflag:$0x1] =	stream.linear.gather [hbm4b:s19+s16], $0x80, $0x38;
	[tilespmem:$0x9000] =	vst v63  }
0x6e: {  	s19 =	sor.u32 s24, s23  }
0x6f: {  	s26 =	spop (v2sf);
	s19 =	sshrl.u32 s19, $0x3  }
0x70: {  	s25 =	sadd.s32 $0x1680, s18;
	s28 =	spop (v2sf);
	s19 =	sadd.s32 s3, s19  }
0x71: {  	[tilespmem:s25], [sflag:$0x1] =	stream.linear.gather [hbm4b:s19+s16], $0x80, $0x38;
	[tilespmem:$0x9000] =	vst v63  }
0x72: {  	s19 =	sor.u32 s28, s26  }
0x73: {  	s19 =	sshrl.u32 s19, $0x3  }
0x74: {  	s29 =	sadd.s32 $0x1700, s18;
	s19 =	sadd.s32 s3, s19  }
0x75: {  	[tilespmem:s29], [sflag:$0x1] =	stream.linear.gather [hbm4b:s19+s16], $0x80, $0x38;
	[tilespmem:$0x9000] =	vst v63  }
0x76: {  	p0 =	sne.s32 s17, $0xE000;
	s30 =	spop (v2sf)  }
.Ltmp1:
0x77: {  	s31 =	spop (v2sf);
	(pc) =	sbr.rel @p0 .LBB2_4-.Ltmp1, $4  }
0x78: {  	s19 =	sor.u32 s31, s30  }
0x79: {  	s15 =	sadd.s32 $0x10, s15;
	s19 =	sshrl.u32 s19, $0x3  }
0x7a: {  	s17 =	sadd.s32 $0x2000, s17;
	s18 =	sadd.s32 $0x1780, s18;
	s19 =	sadd.s32 s3, s19  }
0x7b: {  	[tilespmem:s18], [sflag:$0x1] =	stream.linear.gather [hbm4b:s19+s16], $0x80, $0x38;
	[tilespmem:$0x9000] =	vst v63  }
0x7c: {  	s17 =	simm.s32 $0x80  }
.LBB2_6:
0x7d: {  	v1 =	vld [tilespmem:s17+$0x0];
	_ =	sdelay $0x4  }
0x7e: {  	v2 =	vshrl.u32 v1, $0x3  }
0x7f: {  	v1 =	vand.u32 $0x7, v1;
	v2 =	vshll.u32 v2, $0xA  }
0x80: {  	v1 =	vshll.u32 v1, $0x7;
	(v2sf) =	vpush v2, $0x0  }
0x81: {  	(v2sf) =	vpush v1, $0x0;
	_ =	sdelay $0x2  }
0x82: {  	(v2sf) =	vpush v2, $0x1  }
0x83: {  	(v2sf) =	vpush v1, $0x1;
	_ =	sdelay $0x1  }
0x84: {  	(v2sf) =	vpush v2, $0x2;
	_ =	sdelay $0x1  }
0x85: {  	(v2sf) =	vpush v1, $0x2;
	_ =	sdelay $0x5  }
0x86: {  	s15 =	spop (v2sf);
	(v2sf) =	vpush v2, $0x3  }
0x87: {  	s18 =	spop (v2sf);
	(v2sf) =	vpush v1, $0x3;
	_ =	sdelay $0x2  }
0x88: {  	s30 =	spop (v2sf);
	(v2sf) =	vpush v2, $0x4  }
0x89: {  	s31 =	spop (v2sf);
	(v2sf) =	vpush v1, $0x4;
	_ =	sdelay $0x1  }
0x8a: {  	s22 =	spop (v2sf);
	(v2sf) =	vpush v2, $0x5;
	_ =	sdelay $0x1  }
0x8b: {  	s23 =	spop (v2sf);
	(v2sf) =	vpush v1, $0x5;
	_ =	sdelay $0x1  }
0x8c: {  	s15 =	sor.u32 s18, s15  }
0x8d: {  	s18 =	sshra.s32 s16, $0x2;
	s15 =	sshrl.u32 s15, $0x3  }
0x8e: {  	s19 =	sadd.s32 $0x5000, s18;
	s20 =	sadd.s32 s3, s15;
	s15 =	simm.s32 $0x0  }
0x8f: {  	[tilespmem:s19], [sflag:$0x2] =	stream.linear.gather [hbm4b:s20+s15], $0x80, $0x38;
	[tilespmem:$0x9000] =	vst v63  }
0x90: {  	s19 =	sor.u32 s31, s30;
	s25 =	spop (v2sf);
	(v2sf) =	vpush v2, $0x6  }
0x91: {  	s19 =	sshrl.u32 s19, $0x3;
	s26 =	spop (v2sf);
	(v2sf) =	vpush v1, $0x6  }
0x92: {  	s21 =	sadd.s32 $0x5080, s18;
	s19 =	sadd.s32 s3, s19  }
0x93: {  	[tilespmem:s21], [sflag:$0x2] =	stream.linear.gather [hbm4b:s19+s15], $0x80, $0x38;
	[tilespmem:$0x9000] =	vst v63  }
0x94: {  	s29 =	spop (v2sf);
	(v2sf) =	vpush v2, $0x7  }
0x95: {  	s19 =	sor.u32 s23, s22;
	s30 =	spop (v2sf);
	(v2sf) =	vpush v1, $0x7  }
0x96: {  	s19 =	sshrl.u32 s19, $0x3  }
0x97: {  	s24 =	sadd.s32 $0x5100, s18;
	s19 =	sadd.s32 s3, s19;
	s20 =	spop (v2sf);
	(v2sf) =	vpush v2, $0x8  }
0x98: {  	[tilespmem:s24], [sflag:$0x2] =	stream.linear.gather [hbm4b:s19+s15], $0x80, $0x38;
	[tilespmem:$0x9000] =	vst v63  }
0x99: {  	s21 =	spop (v2sf);
	(v2sf) =	vpush v1, $0x8  }
0x9a: {  	s19 =	sor.u32 s26, s25  }
0x9b: {  	s19 =	sshrl.u32 s19, $0x3  }
0x9c: {  	s28 =	sadd.s32 $0x5180, s18;
	s19 =	sadd.s32 s3, s19  }
0x9d: {  	[tilespmem:s28], [sflag:$0x2] =	stream.linear.gather [hbm4b:s19+s15], $0x80, $0x38;
	[tilespmem:$0x9000] =	vst v63  }
0x9e: {  	s19 =	sor.u32 s30, s29  }
0x9f: {  	s19 =	sshrl.u32 s19, $0x3;
	s23 =	spop (v2sf);
	(v2sf) =	vpush v2, $0x9  }
0xa0: {  	s31 =	sadd.s32 $0x5200, s18;
	s19 =	sadd.s32 s3, s19;
	s24 =	spop (v2sf);
	(v2sf) =	vpush v1, $0x9  }
0xa1: {  	[tilespmem:s31], [sflag:$0x2] =	stream.linear.gather [hbm4b:s19+s15], $0x80, $0x38;
	[tilespmem:$0x9000] =	vst v63  }
0xa2: {  	s19 =	sor.u32 s21, s20  }
0xa3: {  	s19 =	sshrl.u32 s19, $0x3;
	s26 =	spop (v2sf);
	(v2sf) =	vpush v2, $0xA  }
0xa4: {  	s22 =	sadd.s32 $0x5280, s18;
	s19 =	sadd.s32 s3, s19;
	s28 =	spop (v2sf);
	(v2sf) =	vpush v1, $0xA  }
0xa5: {  	[tilespmem:s22], [sflag:$0x2] =	stream.linear.gather [hbm4b:s19+s15], $0x80, $0x38;
	[tilespmem:$0x9000] =	vst v63  }
0xa6: {  	s19 =	sor.u32 s24, s23;
	s30 =	spop (v2sf);
	(v2sf) =	vpush v2, $0xB  }
0xa7: {  	s19 =	sshrl.u32 s19, $0x3  }
0xa8: {  	s25 =	sadd.s32 $0x5300, s18;
	s19 =	sadd.s32 s3, s19;
	s31 =	spop (v2sf);
	(v2sf) =	vpush v1, $0xB  }
0xa9: {  	[tilespmem:s25], [sflag:$0x2] =	stream.linear.gather [hbm4b:s19+s15], $0x80, $0x38;
	[tilespmem:$0x9000] =	vst v63  }
0xaa: {  	s19 =	sor.u32 s28, s26  }
0xab: {  	s19 =	sshrl.u32 s19, $0x3  }
0xac: {  	s29 =	sadd.s32 $0x5380, s18;
	s19 =	sadd.s32 s3, s19  }
0xad: {  	[tilespmem:s29], [sflag:$0x2] =	stream.linear.gather [hbm4b:s19+s15], $0x80, $0x38;
	[tilespmem:$0x9000] =	vst v63  }
0xae: {  	s19 =	sor.u32 s31, s30;
	s22 =	spop (v2sf);
	(v2sf) =	vpush v2, $0xC  }
0xaf: {  	s19 =	sshrl.u32 s19, $0x3;
	s23 =	spop (v2sf);
	(v2sf) =	vpush v1, $0xC  }
0xb0: {  	s21 =	sadd.s32 $0x5400, s18;
	s19 =	sadd.s32 s3, s19  }
0xb1: {  	[tilespmem:s21], [sflag:$0x2] =	stream.linear.gather [hbm4b:s19+s15], $0x80, $0x38;
	[tilespmem:$0x9000] =	vst v63  }
0xb2: {  	s25 =	spop (v2sf);
	(v2sf) =	vpush v2, $0xD  }
0xb3: {  	s19 =	sor.u32 s23, s22;
	s26 =	spop (v2sf);
	(v2sf) =	vpush v1, $0xD  }
0xb4: {  	s19 =	sshrl.u32 s19, $0x3  }
0xb5: {  	s24 =	sadd.s32 $0x5480, s18;
	s19 =	sadd.s32 s3, s19;
	s29 =	spop (v2sf)  }
0xb6: {  	(v2sf) =	vpush v2, $0xE;
	[tilespmem:s24], [sflag:$0x2] =	stream.linear.gather [hbm4b:s19+s15], $0x80, $0x38;
	[tilespmem:$0x9000] =	vst v63  }
0xb7: {  	s30 =	spop (v2sf);
	(v2sf) =	vpush v1, $0xE  }
0xb8: {  	s19 =	sor.u32 s26, s25  }
0xb9: {  	s19 =	sshrl.u32 s19, $0x3  }
0xba: {  	s28 =	sadd.s32 $0x5500, s18;
	s19 =	sadd.s32 s3, s19  }
0xbb: {  	[tilespmem:s28], [sflag:$0x2] =	stream.linear.gather [hbm4b:s19+s15], $0x80, $0x38;
	[tilespmem:$0x9000] =	vst v63  }
0xbc: {  	s19 =	sor.u32 s30, s29  }
0xbd: {  	s19 =	sshrl.u32 s19, $0x3;
	s20 =	spop (v2sf);
	(v2sf) =	vpush v2, $0xF  }
0xbe: {  	s31 =	sadd.s32 $0x5580, s18;
	s19 =	sadd.s32 s3, s19;
	s21 =	spop (v2sf);
	(v2sf) =	vpush v1, $0xF  }
0xbf: {  	[tilespmem:s31], [sflag:$0x2] =	stream.linear.gather [hbm4b:s19+s15], $0x80, $0x38;
	[tilespmem:$0x9000] =	vst v63  }
0xc0: {  	s19 =	sor.u32 s21, s20  }
0xc1: {  	s23 =	spop (v2sf);
	s19 =	sshrl.u32 s19, $0x3  }
0xc2: {  	s22 =	sadd.s32 $0x5600, s18;
	s24 =	spop (v2sf);
	s19 =	sadd.s32 s3, s19  }
0xc3: {  	[tilespmem:s22], [sflag:$0x2] =	stream.linear.gather [hbm4b:s19+s15], $0x80, $0x38;
	[tilespmem:$0x9000] =	vst v63  }
0xc4: {  	s19 =	sor.u32 s24, s23  }
0xc5: {  	s26 =	spop (v2sf);
	s19 =	sshrl.u32 s19, $0x3  }
0xc6: {  	s25 =	sadd.s32 $0x5680, s18;
	s28 =	spop (v2sf);
	s19 =	sadd.s32 s3, s19  }
0xc7: {  	[tilespmem:s25], [sflag:$0x2] =	stream.linear.gather [hbm4b:s19+s15], $0x80, $0x38;
	[tilespmem:$0x9000] =	vst v63  }
0xc8: {  	s19 =	sor.u32 s28, s26  }
0xc9: {  	s19 =	sshrl.u32 s19, $0x3  }
0xca: {  	s29 =	sadd.s32 $0x5700, s18;
	s19 =	sadd.s32 s3, s19  }
0xcb: {  	[tilespmem:s29], [sflag:$0x2] =	stream.linear.gather [hbm4b:s19+s15], $0x80, $0x38;
	[tilespmem:$0x9000] =	vst v63  }
0xcc: {  	p0 =	sne.s32 s16, $0xE000;
	s30 =	spop (v2sf)  }
.Ltmp2:
0xcd: {  	s31 =	spop (v2sf);
	(pc) =	sbr.rel @p0 .LBB2_6-.Ltmp2, $4  }
0xce: {  	s19 =	sor.u32 s31, s30  }
0xcf: {  	s17 =	sadd.s32 $0x10, s17;
	s19 =	sshrl.u32 s19, $0x3  }
0xd0: {  	s16 =	sadd.s32 $0x2000, s16;
	s18 =	sadd.s32 $0x5780, s18;
	s19 =	sadd.s32 s3, s19  }
0xd1: {  	[tilespmem:s18], [sflag:$0x2] =	stream.linear.gather [hbm4b:s19+s15], $0x80, $0x38;
	[tilespmem:$0x9000] =	vst v63  }
0xd2: {  	s16 =	simm.s32 $0x100;
	s17 =	simm.s32 $0x180;
	s18 =	simm.s32 $0x0  }
.LBB2_8:
0xd3: {  	_ =	swait.ge [sflag:s10], $0x4000  }
0xd4: {  	s19 =	sshll.u32 s18, $0xC;
	[sflag:s10] =	ssyncset.done $0x0  }
0xd5: {  	s19 =	sadd.s32 s19, s5;
	[sflag:s10] =	ssyncadd.s32 $0xFFFFC000  }
0xd6: {  	[hbm4b:s19+s15] =	stream.linear.scatter [tilespmem:s11], [sflag:$0x3], $0x4000, $0x38;
	[tilespmem:$0x9000] =	vst v63  }
0xd7: {  	_ =	swait.ge [sflag:s9], $0x4000  }
0xd8: {  	[sflag:s9] =	ssyncset.done $0x0  }
0xd9: {  	s20 =	smov.u32 s16;
	s21 =	simm.s32 $0x0;
	[sflag:s9] =	ssyncadd.s32 $0xFFFFC000  }
.LBB2_9:
0xda: {  	v1 =	vld [tilespmem:s20+$0x0];
	_ =	sdelay $0x4  }
0xdb: {  	v2 =	vshrl.u32 v1, $0x3  }
0xdc: {  	v1 =	vand.u32 $0x7, v1;
	v2 =	vshll.u32 v2, $0xA  }
0xdd: {  	v1 =	vshll.u32 v1, $0x7;
	(v2sf) =	vpush v2, $0x0  }
0xde: {  	(v2sf) =	vpush v1, $0x0;
	_ =	sdelay $0x2  }
0xdf: {  	(v2sf) =	vpush v2, $0x1  }
0xe0: {  	(v2sf) =	vpush v1, $0x1;
	_ =	sdelay $0x1  }
0xe1: {  	(v2sf) =	vpush v2, $0x2;
	_ =	sdelay $0x1  }
0xe2: {  	(v2sf) =	vpush v1, $0x2;
	_ =	sdelay $0x5  }
0xe3: {  	s22 =	spop (v2sf);
	(v2sf) =	vpush v2, $0x3  }
0xe4: {  	s23 =	spop (v2sf);
	(v2sf) =	vpush v1, $0x3;
	_ =	sdelay $0x2  }
0xe5: {  	s30 =	spop (v2sf);
	(v2sf) =	vpush v2, $0x4  }
0xe6: {  	s31 =	spop (v2sf);
	(v2sf) =	vpush v1, $0x4;
	_ =	sdelay $0x1  }
0xe7: {  	s26 =	spop (v2sf);
	(v2sf) =	vpush v2, $0x5;
	_ =	sdelay $0x1  }
0xe8: {  	s28 =	spop (v2sf);
	(v2sf) =	vpush v1, $0x5  }
0xe9: {  	s23 =	sor.u32 s23, s22  }
0xea: {  	s22 =	sshra.s32 s21, $0x2;
	s23 =	sshrl.u32 s23, $0x3  }
0xeb: {  	s24 =	sadd.s32 $0x1000, s22;
	s23 =	sadd.s32 s3, s23  }
0xec: {  	[tilespmem:s24], [sflag:$0x1] =	stream.linear.gather [hbm4b:s23+s2], $0x80, $0x38;
	[tilespmem:$0x9000] =	vst v63  }
0xed: {  	s23 =	sor.u32 s31, s30  }
0xee: {  	s23 =	sshrl.u32 s23, $0x3;
	s30 =	spop (v2sf);
	(v2sf) =	vpush v2, $0x6  }
0xef: {  	s25 =	sadd.s32 $0x1080, s22;
	s23 =	sadd.s32 s3, s23;
	s31 =	spop (v2sf);
	(v2sf) =	vpush v1, $0x6  }
0xf0: {  	[tilespmem:s25], [sflag:$0x1] =	stream.linear.gather [hbm4b:s23+s2], $0x80, $0x38;
	[tilespmem:$0x9000] =	vst v63  }
0xf1: {  	s23 =	sor.u32 s28, s26  }
0xf2: {  	s23 =	sshrl.u32 s23, $0x3;
	s26 =	spop (v2sf);
	(v2sf) =	vpush v2, $0x7  }
0xf3: {  	s29 =	sadd.s32 $0x1100, s22;
	s23 =	sadd.s32 s3, s23;
	s28 =	spop (v2sf);
	(v2sf) =	vpush v1, $0x7  }
0xf4: {  	[tilespmem:s29], [sflag:$0x1] =	stream.linear.gather [hbm4b:s23+s2], $0x80, $0x38;
	[tilespmem:$0x9000] =	vst v63  }
0xf5: {  	s23 =	sor.u32 s31, s30;
	s30 =	spop (v2sf);
	(v2sf) =	vpush v2, $0x8;
	_ =	sdelay $0x1  }
0xf6: {  	s31 =	spop (v2sf);
	(v2sf) =	vpush v1, $0x8;
	_ =	sdelay $0x1  }
0xf7: {  	s23 =	sshrl.u32 s23, $0x3  }
0xf8: {  	s25 =	sadd.s32 $0x1180, s22;
	s23 =	sadd.s32 s3, s23  }
0xf9: {  	[tilespmem:s25], [sflag:$0x1] =	stream.linear.gather [hbm4b:s23+s2], $0x80, $0x38;
	[tilespmem:$0x9000] =	vst v63  }
0xfa: {  	s23 =	sor.u32 s28, s26  }
0xfb: {  	s23 =	sshrl.u32 s23, $0x3;
	s26 =	spop (v2sf);
	(v2sf) =	vpush v2, $0x9  }
0xfc: {  	s29 =	sadd.s32 $0x1200, s22;
	s23 =	sadd.s32 s3, s23;
	s28 =	spop (v2sf);
	(v2sf) =	vpush v1, $0x9  }
0xfd: {  	[tilespmem:s29], [sflag:$0x1] =	stream.linear.gather [hbm4b:s23+s2], $0x80, $0x38;
	[tilespmem:$0x9000] =	vst v63  }
0xfe: {  	s23 =	sor.u32 s31, s30  }
0xff: {  	s23 =	sshrl.u32 s23, $0x3;
	s30 =	spop (v2sf);
	(v2sf) =	vpush v2, $0xA  }
0x100: {  	s25 =	sadd.s32 $0x1280, s22;
	s23 =	sadd.s32 s3, s23;
	s31 =	spop (v2sf);
	(v2sf) =	vpush v1, $0xA  }
0x101: {  	[tilespmem:s25], [sflag:$0x1] =	stream.linear.gather [hbm4b:s23+s2], $0x80, $0x38;
	[tilespmem:$0x9000] =	vst v63  }
0x102: {  	s23 =	sor.u32 s28, s26;
	s26 =	spop (v2sf);
	(v2sf) =	vpush v2, $0xB  }
0x103: {  	s23 =	sshrl.u32 s23, $0x3  }
0x104: {  	s29 =	sadd.s32 $0x1300, s22;
	s23 =	sadd.s32 s3, s23;
	s28 =	spop (v2sf);
	(v2sf) =	vpush v1, $0xB  }
0x105: {  	[tilespmem:s29], [sflag:$0x1] =	stream.linear.gather [hbm4b:s23+s2], $0x80, $0x38;
	[tilespmem:$0x9000] =	vst v63  }
0x106: {  	s23 =	sor.u32 s31, s30  }
0x107: {  	s23 =	sshrl.u32 s23, $0x3  }
0x108: {  	s25 =	sadd.s32 $0x1380, s22;
	s23 =	sadd.s32 s3, s23  }
0x109: {  	[tilespmem:s25], [sflag:$0x1] =	stream.linear.gather [hbm4b:s23+s2], $0x80, $0x38;
	[tilespmem:$0x9000] =	vst v63  }
0x10a: {  	s23 =	sor.u32 s28, s26;
	s30 =	spop (v2sf);
	(v2sf) =	vpush v2, $0xC  }
0x10b: {  	s23 =	sshrl.u32 s23, $0x3;
	s31 =	spop (v2sf);
	(v2sf) =	vpush v1, $0xC  }
0x10c: {  	s29 =	sadd.s32 $0x1400, s22;
	s23 =	sadd.s32 s3, s23  }
0x10d: {  	[tilespmem:s29], [sflag:$0x1] =	stream.linear.gather [hbm4b:s23+s2], $0x80, $0x38;
	[tilespmem:$0x9000] =	vst v63  }
0x10e: {  	s26 =	spop (v2sf);
	(v2sf) =	vpush v2, $0xD  }
0x10f: {  	s23 =	sor.u32 s31, s30;
	s28 =	spop (v2sf);
	(v2sf) =	vpush v1, $0xD  }
0x110: {  	s23 =	sshrl.u32 s23, $0x3  }
0x111: {  	s25 =	sadd.s32 $0x1480, s22;
	s23 =	sadd.s32 s3, s23;
	s30 =	spop (v2sf)  }
0x112: {  	(v2sf) =	vpush v2, $0xE;
	[tilespmem:s25], [sflag:$0x1] =	stream.linear.gather [hbm4b:s23+s2], $0x80, $0x38;
	[tilespmem:$0x9000] =	vst v63  }
0x113: {  	s31 =	spop (v2sf);
	(v2sf) =	vpush v1, $0xE  }
0x114: {  	s23 =	sor.u32 s28, s26  }
0x115: {  	s23 =	sshrl.u32 s23, $0x3  }
0x116: {  	s29 =	sadd.s32 $0x1500, s22;
	s23 =	sadd.s32 s3, s23  }
0x117: {  	[tilespmem:s29], [sflag:$0x1] =	stream.linear.gather [hbm4b:s23+s2], $0x80, $0x38;
	[tilespmem:$0x9000] =	vst v63  }
0x118: {  	s23 =	sor.u32 s31, s30  }
0x119: {  	s23 =	sshrl.u32 s23, $0x3;
	s26 =	spop (v2sf);
	(v2sf) =	vpush v2, $0xF  }
0x11a: {  	s25 =	sadd.s32 $0x1580, s22;
	s23 =	sadd.s32 s3, s23;
	s28 =	spop (v2sf);
	(v2sf) =	vpush v1, $0xF  }
0x11b: {  	[tilespmem:s25], [sflag:$0x1] =	stream.linear.gather [hbm4b:s23+s2], $0x80, $0x38;
	[tilespmem:$0x9000] =	vst v63  }
0x11c: {  	s23 =	sor.u32 s28, s26  }
0x11d: {  	s30 =	spop (v2sf);
	s23 =	sshrl.u32 s23, $0x3  }
0x11e: {  	s29 =	sadd.s32 $0x1600, s22;
	s31 =	spop (v2sf);
	s23 =	sadd.s32 s3, s23  }
0x11f: {  	[tilespmem:s29], [sflag:$0x1] =	stream.linear.gather [hbm4b:s23+s2], $0x80, $0x38;
	[tilespmem:$0x9000] =	vst v63  }
0x120: {  	s23 =	sor.u32 s31, s30  }
0x121: {  	s26 =	spop (v2sf);
	s23 =	sshrl.u32 s23, $0x3  }
0x122: {  	s25 =	sadd.s32 $0x1680, s22;
	s28 =	spop (v2sf);
	s23 =	sadd.s32 s3, s23  }
0x123: {  	[tilespmem:s25], [sflag:$0x1] =	stream.linear.gather [hbm4b:s23+s2], $0x80, $0x38;
	[tilespmem:$0x9000] =	vst v63  }
0x124: {  	s23 =	sor.u32 s28, s26  }
0x125: {  	s23 =	sshrl.u32 s23, $0x3  }
0x126: {  	s29 =	sadd.s32 $0x1700, s22;
	s23 =	sadd.s32 s3, s23  }
0x127: {  	[tilespmem:s29], [sflag:$0x1] =	stream.linear.gather [hbm4b:s23+s2], $0x80, $0x38;
	[tilespmem:$0x9000] =	vst v63  }
0x128: {  	p0 =	sne.s32 s21, $0xE000;
	s30 =	spop (v2sf)  }
.Ltmp3:
0x129: {  	s31 =	spop (v2sf);
	(pc) =	sbr.rel @p0 .LBB2_9-.Ltmp3, $4  }
0x12a: {  	s23 =	sor.u32 s31, s30  }
0x12b: {  	s20 =	sadd.s32 $0x10, s20;
	s23 =	sshrl.u32 s23, $0x3  }
0x12c: {  	s21 =	sadd.s32 $0x2000, s21;
	s22 =	sadd.s32 $0x1780, s22;
	s23 =	sadd.s32 s3, s23  }
0x12d: {  	[tilespmem:s22], [sflag:$0x1] =	stream.linear.gather [hbm4b:s23+s2], $0x80, $0x38;
	[tilespmem:$0x9000] =	vst v63  }
0x12e: {  	_ =	swait.ge [sflag:s12], $0x4000  }
0x12f: {  	[sflag:s12] =	ssyncset.done $0x0  }
0x130: {  	s20 =	sadd.s32 $0x800, s19;
	s19 =	simm.s32 $0x0;
	[sflag:s12] =	ssyncadd.s32 $0xFFFFC000  }
0x131: {  	[hbm4b:s20+s19] =	stream.linear.scatter [tilespmem:s13], [sflag:$0x3], $0x4000, $0x38;
	[tilespmem:$0x9000] =	vst v63  }
0x132: {  	_ =	swait.ge [sflag:s9], $0x4000  }
0x133: {  	[sflag:s9] =	ssyncset.done $0x0  }
0x134: {  	s20 =	smov.u32 s17;
	[sflag:s9] =	ssyncadd.s32 $0xFFFFC000  }
.LBB2_11:
0x135: {  	v1 =	vld [tilespmem:s20+$0x0];
	_ =	sdelay $0x4  }
0x136: {  	v2 =	vshrl.u32 v1, $0x3  }
0x137: {  	v1 =	vand.u32 $0x7, v1;
	v2 =	vshll.u32 v2, $0xA  }
0x138: {  	v1 =	vshll.u32 v1, $0x7;
	(v2sf) =	vpush v2, $0x0  }
0x139: {  	(v2sf) =	vpush v1, $0x0;
	_ =	sdelay $0x2  }
0x13a: {  	(v2sf) =	vpush v2, $0x1  }
0x13b: {  	(v2sf) =	vpush v1, $0x1;
	_ =	sdelay $0x1  }
0x13c: {  	(v2sf) =	vpush v2, $0x2;
	_ =	sdelay $0x1  }
0x13d: {  	(v2sf) =	vpush v1, $0x2;
	_ =	sdelay $0x5  }
0x13e: {  	s21 =	spop (v2sf);
	(v2sf) =	vpush v2, $0x3  }
0x13f: {  	s22 =	spop (v2sf);
	(v2sf) =	vpush v1, $0x3;
	_ =	sdelay $0x2  }
0x140: {  	s25 =	spop (v2sf);
	(v2sf) =	vpush v2, $0x4  }
0x141: {  	s26 =	spop (v2sf);
	(v2sf) =	vpush v1, $0x4;
	_ =	sdelay $0x1  }
0x142: {  	s29 =	spop (v2sf);
	(v2sf) =	vpush v2, $0x5;
	_ =	sdelay $0x1  }
0x143: {  	s30 =	spop (v2sf);
	(v2sf) =	vpush v1, $0x5;
	_ =	sdelay $0x1  }
0x144: {  	s22 =	sor.u32 s22, s21  }
0x145: {  	s21 =	sshra.s32 s19, $0x2;
	s22 =	sshrl.u32 s22, $0x3  }
0x146: {  	s23 =	sadd.s32 $0x5000, s21;
	s22 =	sadd.s32 s3, s22  }
0x147: {  	[tilespmem:s23], [sflag:$0x2] =	stream.linear.gather [hbm4b:s22+s2], $0x80, $0x38;
	[tilespmem:$0x9000] =	vst v63  }
0x148: {  	s22 =	sor.u32 s26, s25;
	s23 =	spop (v2sf);
	(v2sf) =	vpush v2, $0x6  }
0x149: {  	s22 =	sshrl.u32 s22, $0x3;
	s24 =	spop (v2sf);
	(v2sf) =	vpush v1, $0x6  }
0x14a: {  	s28 =	sadd.s32 $0x5080, s21;
	s22 =	sadd.s32 s3, s22  }
0x14b: {  	[tilespmem:s28], [sflag:$0x2] =	stream.linear.gather [hbm4b:s22+s2], $0x80, $0x38;
	[tilespmem:$0x9000] =	vst v63  }
0x14c: {  	s26 =	spop (v2sf);
	(v2sf) =	vpush v2, $0x7  }
0x14d: {  	s22 =	sor.u32 s30, s29;
	s28 =	spop (v2sf);
	(v2sf) =	vpush v1, $0x7  }
0x14e: {  	s22 =	sshrl.u32 s22, $0x3  }
0x14f: {  	s31 =	sadd.s32 $0x5100, s21;
	s22 =	sadd.s32 s3, s22;
	s30 =	spop (v2sf);
	(v2sf) =	vpush v2, $0x8  }
0x150: {  	[tilespmem:s31], [sflag:$0x2] =	stream.linear.gather [hbm4b:s22+s2], $0x80, $0x38;
	[tilespmem:$0x9000] =	vst v63  }
0x151: {  	s31 =	spop (v2sf);
	(v2sf) =	vpush v1, $0x8  }
0x152: {  	s22 =	sor.u32 s24, s23  }
0x153: {  	s22 =	sshrl.u32 s22, $0x3  }
0x154: {  	s25 =	sadd.s32 $0x5180, s21;
	s22 =	sadd.s32 s3, s22  }
0x155: {  	[tilespmem:s25], [sflag:$0x2] =	stream.linear.gather [hbm4b:s22+s2], $0x80, $0x38;
	[tilespmem:$0x9000] =	vst v63  }
0x156: {  	s22 =	sor.u32 s28, s26  }
0x157: {  	s22 =	sshrl.u32 s22, $0x3;
	s25 =	spop (v2sf);
	(v2sf) =	vpush v2, $0x9  }
0x158: {  	s29 =	sadd.s32 $0x5200, s21;
	s22 =	sadd.s32 s3, s22;
	s26 =	spop (v2sf);
	(v2sf) =	vpush v1, $0x9  }
0x159: {  	[tilespmem:s29], [sflag:$0x2] =	stream.linear.gather [hbm4b:s22+s2], $0x80, $0x38;
	[tilespmem:$0x9000] =	vst v63  }
0x15a: {  	s22 =	sor.u32 s31, s30  }
0x15b: {  	s22 =	sshrl.u32 s22, $0x3;
	s29 =	spop (v2sf);
	(v2sf) =	vpush v2, $0xA  }
0x15c: {  	s24 =	sadd.s32 $0x5280, s21;
	s22 =	sadd.s32 s3, s22;
	s30 =	spop (v2sf);
	(v2sf) =	vpush v1, $0xA  }
0x15d: {  	[tilespmem:s24], [sflag:$0x2] =	stream.linear.gather [hbm4b:s22+s2], $0x80, $0x38;
	[tilespmem:$0x9000] =	vst v63  }
0x15e: {  	s22 =	sor.u32 s26, s25;
	s23 =	spop (v2sf);
	(v2sf) =	vpush v2, $0xB  }
0x15f: {  	s22 =	sshrl.u32 s22, $0x3  }
0x160: {  	s28 =	sadd.s32 $0x5300, s21;
	s22 =	sadd.s32 s3, s22;
	s24 =	spop (v2sf);
	(v2sf) =	vpush v1, $0xB  }
0x161: {  	[tilespmem:s28], [sflag:$0x2] =	stream.linear.gather [hbm4b:s22+s2], $0x80, $0x38;
	[tilespmem:$0x9000] =	vst v63  }
0x162: {  	s22 =	sor.u32 s30, s29  }
0x163: {  	s22 =	sshrl.u32 s22, $0x3  }
0x164: {  	s31 =	sadd.s32 $0x5380, s21;
	s22 =	sadd.s32 s3, s22  }
0x165: {  	[tilespmem:s31], [sflag:$0x2] =	stream.linear.gather [hbm4b:s22+s2], $0x80, $0x38;
	[tilespmem:$0x9000] =	vst v63  }
0x166: {  	s22 =	sor.u32 s24, s23;
	s26 =	spop (v2sf);
	(v2sf) =	vpush v2, $0xC  }
0x167: {  	s22 =	sshrl.u32 s22, $0x3;
	s28 =	spop (v2sf);
	(v2sf) =	vpush v1, $0xC  }
0x168: {  	s25 =	sadd.s32 $0x5400, s21;
	s22 =	sadd.s32 s3, s22  }
0x169: {  	[tilespmem:s25], [sflag:$0x2] =	stream.linear.gather [hbm4b:s22+s2], $0x80, $0x38;
	[tilespmem:$0x9000] =	vst v63  }
0x16a: {  	s30 =	spop (v2sf);
	(v2sf) =	vpush v2, $0xD  }
0x16b: {  	s22 =	sor.u32 s28, s26;
	s31 =	spop (v2sf);
	(v2sf) =	vpush v1, $0xD  }
0x16c: {  	s22 =	sshrl.u32 s22, $0x3  }
0x16d: {  	s29 =	sadd.s32 $0x5480, s21;
	s22 =	sadd.s32 s3, s22;
	s25 =	spop (v2sf)  }
0x16e: {  	(v2sf) =	vpush v2, $0xE;
	[tilespmem:s29], [sflag:$0x2] =	stream.linear.gather [hbm4b:s22+s2], $0x80, $0x38;
	[tilespmem:$0x9000] =	vst v63  }
0x16f: {  	s26 =	spop (v2sf);
	(v2sf) =	vpush v1, $0xE  }
0x170: {  	s22 =	sor.u32 s31, s30  }
0x171: {  	s22 =	sshrl.u32 s22, $0x3  }
0x172: {  	s24 =	sadd.s32 $0x5500, s21;
	s22 =	sadd.s32 s3, s22  }
0x173: {  	[tilespmem:s24], [sflag:$0x2] =	stream.linear.gather [hbm4b:s22+s2], $0x80, $0x38;
	[tilespmem:$0x9000] =	vst v63  }
0x174: {  	s22 =	sor.u32 s26, s25  }
0x175: {  	s22 =	sshrl.u32 s22, $0x3;
	s29 =	spop (v2sf);
	(v2sf) =	vpush v2, $0xF  }
0x176: {  	s28 =	sadd.s32 $0x5580, s21;
	s22 =	sadd.s32 s3, s22;
	s30 =	spop (v2sf);
	(v2sf) =	vpush v1, $0xF  }
0x177: {  	[tilespmem:s28], [sflag:$0x2] =	stream.linear.gather [hbm4b:s22+s2], $0x80, $0x38;
	[tilespmem:$0x9000] =	vst v63  }
0x178: {  	s22 =	sor.u32 s30, s29  }
0x179: {  	s23 =	spop (v2sf);
	s22 =	sshrl.u32 s22, $0x3  }
0x17a: {  	s31 =	sadd.s32 $0x5600, s21;
	s24 =	spop (v2sf);
	s22 =	sadd.s32 s3, s22  }
0x17b: {  	[tilespmem:s31], [sflag:$0x2] =	stream.linear.gather [hbm4b:s22+s2], $0x80, $0x38;
	[tilespmem:$0x9000] =	vst v63  }
0x17c: {  	s22 =	sor.u32 s24, s23  }
0x17d: {  	s26 =	spop (v2sf);
	s22 =	sshrl.u32 s22, $0x3  }
0x17e: {  	s25 =	sadd.s32 $0x5680, s21;
	s28 =	spop (v2sf);
	s22 =	sadd.s32 s3, s22  }
0x17f: {  	[tilespmem:s25], [sflag:$0x2] =	stream.linear.gather [hbm4b:s22+s2], $0x80, $0x38;
	[tilespmem:$0x9000] =	vst v63  }
0x180: {  	s22 =	sor.u32 s28, s26  }
0x181: {  	s22 =	sshrl.u32 s22, $0x3  }
0x182: {  	s29 =	sadd.s32 $0x5700, s21;
	s22 =	sadd.s32 s3, s22  }
0x183: {  	[tilespmem:s29], [sflag:$0x2] =	stream.linear.gather [hbm4b:s22+s2], $0x80, $0x38;
	[tilespmem:$0x9000] =	vst v63  }
0x184: {  	p0 =	sne.s32 s19, $0xE000;
	s30 =	spop (v2sf)  }
.Ltmp4:
0x185: {  	s31 =	spop (v2sf);
	(pc) =	sbr.rel @p0 .LBB2_11-.Ltmp4, $4  }
0x186: {  	s22 =	sor.u32 s31, s30  }
0x187: {  	s20 =	sadd.s32 $0x10, s20;
	s22 =	sshrl.u32 s22, $0x3  }
0x188: {  	s19 =	sadd.s32 $0x2000, s19;
	s21 =	sadd.s32 $0x5780, s21;
	s22 =	sadd.s32 s3, s22  }
0x189: {  	[tilespmem:s21], [sflag:$0x2] =	stream.linear.gather [hbm4b:s22+s2], $0x80, $0x38;
	[tilespmem:$0x9000] =	vst v63  }
0x18a: {  	s18 =	sadd.s32 $0x1, s18  }
0x18b: {  	p0 =	sne.s32 s18, $0xF  }
.Ltmp5:
0x18c: {  	_ = 	snop;
	(pc) =	sbr.rel @p0 .LBB2_8-.Ltmp5, $2  }
0x18d: {  	_ =	sdelay $0x2  }
0x18e: {  	s16 =	sadd.s32 $0x100, s16;
	s17 =	sadd.s32 $0x100, s17  }
0x18f: {  	_ =	swait.ge [sflag:s10], $0x4000  }
0x190: {  	[sflag:s10] =	ssyncset.done $0x0  }
0x191: {  	[sflag:s10] =	ssyncadd.s32 $0xFFFFC000  }
0x192: {  	[hbm4b:s6+s2] =	stream.linear.scatter [tilespmem:s11], [sflag:$0x3], $0x4000, $0x38;
	[tilespmem:$0x9000] =	vst v63  }
0x193: {  	_ =	swait.ge [sflag:s9], $0x4000  }
0x194: {  	[sflag:s9] =	ssyncset.done $0x0  }
0x195: {  	[sflag:s9] =	ssyncadd.s32 $0xFFFFC000  }
0x196: {  	s14 =	sadd.s32 $0x1, s14;
	_ =	swait.ge [sflag:s12], $0x4000  }
0x197: {  	p0 =	sne.s32 s14, s8;
	[sflag:s12] =	ssyncset.done $0x0  }
.Ltmp6:
0x198: {  	[sflag:s12] =	ssyncadd.s32 $0xFFFFC000;
	(pc) =	sbr.rel @p0 .LBB2_1-.Ltmp6, $4  }
0x199: {  	[hbm4b:s7+s2] =	stream.linear.scatter [tilespmem:s13], [sflag:$0x3], $0x4000, $0x38;
	[tilespmem:$0x9000] =	vst v63  }
0x19a: {  	_ =	swait.ge [sflag:s9], $0x4000  }
0x19b: {  	[sflag:s9] =	ssyncset.done $0x0  }
0x19c: {  	[sflag:s9] =	ssyncadd.s32 $0xFFFFC000  }
0x19d: {  	_ =	sfence.sel $0x180000  }
0x19e: {  	[bflag:$0x0] =	sbarrier.arrive $0xFFFF  }
0x19f: {  	p0 =	sne.s32 s1, $0x0;
	_ =	strace $0x90000047  }
0x1a0: {  	s0 =	sadd.s32 @!p0 $0x100000, s0;
	[bflag:$0x2] =	sbarrier.arrive $0xFFFF  }
0x1a1: {  	[sflag:s0] =	ssyncadd.tile.s32 @!p0 $0x1;
	_ =	shalt  }
.Lfunc_end2:
_tile_overlayer_lowered:
.L_overlay_start_2:
0x1a2: {  	(tag) =	ssettag $0x2  }
0x1a3: {  	s0 =	rddreg [dreg:$0x0];
	s2 =	stileid.u32  }
0x1a4: {  	s1 =	rddreg [dreg:$0x1];
	p0 =	sne.s32 s2, $0x0  }
0x1a5: {  	s3 =	rddreg [dreg:$0x2];
	[bflag:$0x3] =	sbarrier.arrive $0xFFFF;
	s2 =	simm.s32 @!p0 $0x1C03  }
0x1a6: {  	[timem:s3], [sflag:s2] =	dma.local @!p0 [hbm:s0], s1  }
0x1a7: {  	s0 =	simm.s32 @!p0 $0x3  }
0x1a8: {  	_ =	swait.ge @!p0 [sflag:s0], s1  }
0x1a9: {  	s1 =	ssub.s32 @!p0 $0x0, s1;
	[sflag:s0] =	ssyncset.done @!p0 $0x0  }
0x1aa: {  	[sflag:s0] =	ssyncadd.s32 @!p0 s1  }
0x1ab: {  	[bflag:$0x3] =	sbarrier.arrive $0xFFFF  }
0x1ac: {  	_ =	shalt  }

// kernel: sparse-core-data-format-call.cloned.1.call-start
scs
called_computation_lowered:
.L_overlay_start_0:
0x0: {  	s2 =	sld [smem:$0x3FD9]  }
0x1: {  	s3 =	sld [smem:$0x3FFE];
	_ =	sdelay $0x1  }
0x2: {  	s1 =	srdreg.scid  }
0x3: {  	s0 =	sand.u32 $0x1, s1  }
0x4: {  	s18 =	sshll.u32 s0, $0xA;
	s2 =	sadd.s32 s3, s2  }
0x5: {  	s2 =	sadd.s32 s2, s18  }
0x6: {  	[smem:$0x3FC6] =	sst s2  }
0x7: {  	_ = 	snop  }
0x8: {  	s2 =	sld [smem:$0x3FD0];
	(tm) =	ssettm $0x1  }
0x9: {  	s19 =	sld [smem:$0x3FFB];
	_ =	sdelay $0x3  }
0xa: {  	_ =	strace s19  }
0xb: {  	s3 =	sld [smem:$0x3FFC];
	_ =	sdelay $0x3  }
0xc: {  	_ =	strace s3  }
0xd: {  	s3 =	sld [smem:$0x3FFD];
	_ =	sdelay $0x3  }
0xe: {  	_ =	strace s3  }
0xf: {  	_ =	strace $0x8FFFFFFF  }
0x10: {  	s20 =	sld [smem:$0x3FDB];
	_ =	sdelay $0x1  }
0x11: {  	s4 =	simm.s32 $_scs_section_size  }
0x12: {  	s5 =	simm.s32 $_size__tile_overlayer_lowered;
	s6 =	simm.s32 $_tile_overlayer_lowered  }
0x13: {  	s23 =	simm.s32 $0x1BFF;
	s22 =	sshll.u32 s6, $0x1;
	s3 =	sadd.s32 s4, s20  }
0x14: {  	s7 =	simm.s32 $0x0;
	s21 =	sshll.u32 s5, $0x1;
	s5 =	sadd.s32 s22, s3  }
0x15: {  	[timem:s7], [sflag:s23] =	dma.local [hbm:s5], s21  }
0x16: {  	_ =	swait.ge [sflag:s23], s21  }
0x17: {  	s4 =	ssub.s32 $0x0, s21;
	[sflag:s23] =	ssyncset.done $0x0  }
0x18: {  	[sflag:s23] =	ssyncadd.s32 s4;
	_ =	sdelay $0x1  }
0x19: {  	s24 =	simm.s32 $0x1B8B  }
0x1a: {  	_ =	swait.ge [sflag:s24], $0x1  }
0x1b: {  	[sflag:s24] =	ssyncset.done $0x0  }
0x1c: {  	s26 =	simm.s32 $0x1B8E;
	s25 =	sld [smem:$0x3FFE];
	[sflag:s24] =	ssyncadd.s32 $0xFFFFFFFF  }
0x1d: {  	s27 =	simm.s32 $execute0_lowered;
	[smem:$0x3FD2] =	sst s26  }
0x1e: {  	s5 =	sshll.u32 s27, $0x1;
	_ =	strace $0x80000049;
	[dreg:$0x1] =	wrdreg $0xFFFFFFFF  }
0x1f: {  	s28 =	simm.s32 $_size_execute0_lowered;
	s3 =	sadd.s32 s3, s5;
	[dreg:$0x0] =	wrdreg $0x0  }
0x20: {  	s5 =	sshll.u32 s28, $0x1;
	[dreg:$0x2] =	wrdreg s3  }
0x21: {  	[dreg:$0x3] =	wrdreg s5  }
0x22: {  	[dreg:$0x4] =	wrdreg $0xC0  }
0x23: {  	_ =	task [dreg:s7], $0x5FFFF  }
0x24: {  	[dreg:$0x1] =	wrdreg $0xFFFFFFFF  }
0x25: {  	[dreg:$0x0] =	wrdreg $0x60  }
0x26: {  	[dreg:$0x2] =	wrdreg s25  }
0x27: {  	[dreg:$0x3] =	wrdreg s2  }
0x28: {  	[dreg:$0x4] =	wrdreg $0x9  }
0x29: {  	_ =	task.clear_ibuf [dreg:s7], $0x5FFFF;
	_ =	strace $0x90000049  }
0x2a: {  	s29 =	simm.s32 $0x9;
	_ =	strace $0x8000004B  }
0x2b: {  	_ =	swait.ge [sflag:s29], $0x1  }
0x2c: {  	[sflag:s29] =	ssyncadd.s32 $0xFFFFFFFF  }
0x2d: {  	_ =	strace $0x9000004B  }
0x2e: {  	_ =	sfence  }
0x2f: {  	s30 =	sld [smem:$0x0];
	_ =	sdelay $0x2  }
0x30: {  	s31 =	sshll.u32 s1, $0xD;
	s1 =	sshrl.u32 s1, $0x2  }
0x31: {  	s3 =	sand.u32 $0x4000, s31;
	s1 =	sadd.s32 s1, s30  }
0x32: {  	s0 =	sor.u32 s3, s0;
	s1 =	sshll.u32 s1, $0x11  }
0x33: {  	s0 =	sor.u32 s1, s0  }
0x34: {  	s0 =	sadd.s32 $0x8F2B, s0  }
0x35: {  	[sflag:s0] =	ssyncadd.remote.s32 $0x1  }
0x36: {  	_ =	sfence.sel $0xFFFF  }
0x37: {  	[dreg:$0x0] =	wrdreg $0xFFFFFFFF;
	(pc) =	sbr.abs _section_cstart, $3  }
0x38: {  	[dreg:$0x1] =	wrdreg $0xFFFFFFFF  }
0x39: {  	_ =	task.clear_ibuf [dreg:s7], $0x2FFFF;
	_ =	strace $0x9FFFFFFF  }
0x3a: {  	(tm) =	ssettm $0x7FFFFFFF  }
0x3b: {  	_ =	shalt  }
tec
execute0_lowered:
.L_overlay_start_1:
0x0: {  	(tag) =	ssettag $0x1  }
0x1: {  	s0 =	stileid.u32;
	s9 =	rddreg [dreg:$0x0]  }
0x2: {  	s1 =	srdreg.scid;
	s2 =	rddreg [dreg:$0x1];
	s31 =	simm.s32 $0x2  }
0x3: {  	s16 =	simm.s32 $0x0;
	s11 =	simm.s32 $0x8000;
	s17 =	simm.s32 $0x0  }
0x4: {  	s18 =	simm.s32 $0x0;
	s15 =	simm.s32 $0x0;
	s3 =	sshrl.u32 s0, $0x1  }
0x5: {  	s4 =	sshll.u32 s1, $0x7;
	s1 =	rddreg [dreg:$0x2];
	s3 =	sand.u32 $0x6, s3  }
0x6: {  	_ =	strace $0x8000004A;
	s4 =	sand.u32 $0x80, s4;
	s5 =	ssub.s32 $0x8, s3  }
0x7: {  	s7 =	ssub.s32 $0x1000, s4;
	s12 =	smov.u32 s4;
	s13 =	smov.u32 s3  }
0x8: {  	s6 =	sshrl.u32 s5, $0x3;
	s5 =	sand.u32 $0x6, s5;
	s8 =	sshrl.u32 s7, $0x7  }
0x9: {  	s7 =	sshrl.u32 s7, $0x8;
	p0 =	sne.s32 s5, $0x0;
	s5 =	simm.s32 $0x1  }
.Ltmp0:
0xa: {  	s8 =	sand.u32 $0x1, s8;
	s5 =	simm.s32 @!p0 $0x0;
	(pc) =	sbr.rel .LBB1_1-.Ltmp0, $4  }
0xb: {  	s7 =	sadd.s32 s7, s8;
	s8 =	sand.u32 $0x3, s0;
	s10 =	sadd.s32 s5, s6  }
0xc: {  	p0 =	por $0x0, $0x0;
	s6 =	simm.s32 $0x1;
	s7 =	smul.u32 s7, s10  }
0xd: {  	s5 =	sadd.s32 $0xC36000, s9;
	s9 =	sadd.s32 $0xC46000, s9;
	[sflag:s6] =	ssyncpa.u1 $0x0  }
0xe: {  	s14 =	smov.u32 s8;
	[sflag:s31] =	ssyncpa.u1 $0x0;
	s10 =	sadd.s32 $0x1, s7  }
.LBB1_7:
0xf: {  	s19 =	sadd.s32 $0x100, s12  }
0x10: {  	s16 =	sadd.s32 $0x8, s13;
	s20 =	smov.u32 s13;
	p2 =	sgt.s32 s19, $0xFFF  }
0x11: {  	s20 =	smov.u32 @p2 s16  }
0x12: {  	s22 =	smov.u32 s14;
	s16 =	sadd.s32 $0x4, s14;
	p3 =	sgt.s32 s20, $0x7  }
0x13: {  	s22 =	smov.u32 @p3 s16  }
0x14: {  	s19 =	smov.u32 @p2 s4;
	p2 =	sgt.s32 s22, $0x3  }
0x15: {  	p1 =	slt.u32 s15, $0x2;
	s22 =	smov.u32 @p2 s8;
	p2 =	sne.s32 s15, s10  }
.Ltmp1:
0x16: {  	s21 =	simm.s32 @!p1 $0x2;
	(pc) =	sbr.rel @!p2 .LBB1_8-.Ltmp1, $4  }
0x17: {  	s17 =	smov.u32 s13;
	s18 =	smov.u32 s14;
	_ =	swait.ge @!p1 [sflag:s21], $0x4000  }
0x18: {  	p0 =	por !p0, !p0;
	[sflag:s21] =	ssyncset.done @!p1 $0x0;
	s20 =	smov.u32 @p3 s3  }
0x19: {  	s16 =	smov.u32 s12;
	[sflag:s21] =	ssyncadd.s32 @!p1 $0xFFFFC000;
	s12 =	smov.u32 s19  }
0x1a: {  	s13 =	smov.u32 s20;
	s15 =	sadd.s32 $0x1, s15;
	s14 =	smov.u32 s22  }
.LBB1_1:
0x1b: {  	p1 =	sge.u32 s15, s7  }
0x1c: {  	s19 =	sxor.u32 @!p1 $0xFFFFFFFF, s15;
	s20 =	sshll.u32 @!p1 s14, $0x13  }
0x1d: {  	s21 =	sshll.u32 @!p1 s13, $0x10;
	s23 =	sshll.u32 @!p1 s12, $0x4;
	s24 =	simm.s32 @!p1 $0x40  }
0x1e: {  	s25 =	simm.s32 @!p1 $0x80;
	s19 =	sshll.u32 @!p1 s19, $0xE;
	s22 =	sadd.s32 @!p1 s20, s21  }
0x1f: {  	s23 =	sand.u32 @!p1 $0xFFF0, s23;
	s20 =	sadd.s32 @!p1 s20, s9;
	s22 =	sadd.s32 @!p1 s5, s22  }
0x20: {  	s19 =	sand.u32 @!p1 $0x4000, s19;
	s20 =	sadd.s32 @!p1 s21, s20;
	s22 =	sadd.s32 @!p1 s23, s22  }
0x21: {  	[tilespmem:s19], [sflag:$0x1] =	stream.strided.gather @!p1 [hbm4b:s22+s24], $0x2000, s25, s24, $0x38;
	[tilespmem:$0x10100] =	vst v63  }
0x22: {  	s31 =	sadd.s32 $0xFFFFFFFF, s15;
	s20 =	sadd.s32 @!p1 s23, s20;
	s19 =	sor.u32 @!p1 $0x2000, s19  }
0x23: {  	[tilespmem:s19], [sflag:$0x1] =	stream.strided.gather @!p1 [hbm4b:s20+s24], $0x2000, s25, s24, $0x38;
	[tilespmem:$0x10100] =	vst v63  }
0x24: {  	p1 =	sge.u32 s31, s7  }
.Ltmp2:
0x25: {  	_ = 	snop;
	(pc) =	sbr.rel @p1 .LBB1_7-.Ltmp2, $1  }
0x26: {  	_ =	sdelay $0x3  }
0x27: {  	s19 =	simm.s32 $0x1;
	s21 =	sand.u32 $0x1, s15  }
0x28: {  	_ =	swait.ge [sflag:s6], $0x4000;
	s19 =	simm.s32 @!p0 $0x0;
	s21 =	smul.u32 $0x10200, s21  }
0x29: {  	p2 =	por $0x1, $0x1;
	[sflag:s6] =	ssyncset.done $0x0;
	s20 =	smul.u32 $0x10200, s19  }
0x2a: {  	s22 =	sshll.u32 s19, $0x10;
	[sflag:s6] =	ssyncadd.s32 $0xFFFFC000;
	s30 =	sshrl.u32 s21, $0x2  }
0x2b: {  	s31 =	sshrl.u32 s22, $0x2;
	s22 =	simm.s32 $0x0;
	s20 =	sshrl.u32 s20, $0x2  }
0x2c: {  	s19 =	sor.u32 $0x8000, s30;
	s21 =	sadd.s32 $0x20, s31;
	s20 =	sor.u32 $0x8000, s20  }
.LBB1_3:
0x2d: {  	s23 =	sshll.u32 s22, $0xD  }
0x2e: {  	s23 =	sand.u32 $0x3FFFE000, s23  }
0x2f: {  	s25 =	sadd.s32 s23, s21  }
0x30: {  	s31 =	smul.u32 $0x8100, s22;
	v3 =	vld [tilespmem:s25+$0x10]  }
0x31: {  	v1 =	vld [tilespmem:s25+$0xFFFFFFF0]  }
0x32: {  	s22 =	sshra.s32 s31, $0x2;
	v0 =	vld [tilespmem:s25+$0x0]  }
0x33: {  	s22 =	sadd.s32 s22, s20;
	v2 =	vld [tilespmem:s25+$0xFFFFFFE0]  }
0x34: {  	s23 =	sadd.s32 $0x0, s22  }
0x35: {  	p1 =	por p2, p2;
	s24 =	simm.s32 $0x4;
	s25 =	sadd.s32 $0x40, s25;
	[tilespmem:s23+$0x1830 ss:$0x81] =	vst.msk $0xffff, v3  }
.LBB1_4:
0x36: {  	v3 =	vld [tilespmem:s25+$0x10];
	p2 =	sne.s32 s24, $0x1FC;
	[tilespmem:s23+$0x810 ss:$0x81] =	vst.msk $0xffff, v1;
	s26 =	smov.u32 s24;
	s24 =	sadd.s32 $0x4, s24  }
.Ltmp3:
0x37: {  	v1 =	vld [tilespmem:s25+$0xFFFFFFF0];
	[tilespmem:s23+$0x1020 ss:$0x81] =	vst.msk $0xffff, v0;
	(pc) =	sbr.rel @p2 .LBB1_4-.Ltmp3, $4  }
0x38: {  	v0 =	vld [tilespmem:s25+$0x0];
	[tilespmem:s23+$0x0 ss:$0x81] =	vst.msk $0xffff, v2  }
0x39: {  	s23 =	sshra.s32 s26, $0x2;
	v2 =	vld [tilespmem:s25+$0xFFFFFFE0]  }
0x3a: {  	s23 =	sadd.s32 s23, s22  }
0x3b: {  	s25 =	sadd.s32 $0x40, s25;
	[tilespmem:s23+$0x1830 ss:$0x81] =	vst.msk $0xffff, v3  }
.Ltmp4:
0x3c: {  	(pc) =	sbr.rel @p1 .LBB1_3-.Ltmp4, $4  }
0x3d: {  	_ = 	snop  }
0x3e: {  	[tilespmem:s23+$0x810 ss:$0x81] =	vst.msk $0xffff, v1  }
0x3f: {  	[tilespmem:s23+$0x1020 ss:$0x81] =	vst.msk $0xffff, v0  }
0x40: {  	s22 =	simm.s32 $0x1;
	p2 =	por $0x0, $0x0;
	[tilespmem:s23+$0x0 ss:$0x81] =	vst.msk $0xffff, v2  }
0x41: {  	s20 =	sshll.u32 s16, $0x3;
	s21 =	sand.u32 $0x78, s16  }
0x42: {  	s18 =	sshll.u32 s18, $0x12;
	s17 =	sshll.u32 s17, $0xF;
	s29 =	sand.u32 $0x7E00, s16  }
.Ltmp5:
0x43: {  	s20 =	sand.u32 $0xC00, s20;
	s18 =	sadd.s32 s2, s18;
	(pc) =	sbr.rel .LBB1_7-.Ltmp5, $4  }
0x44: {  	s30 =	sand.u32 $0x7, s16;
	s20 =	sor.u32 s21, s20;
	s17 =	sadd.s32 s17, s18  }
0x45: {  	s16 =	sshll.u32 s30, $0x12;
	s31 =	sshrl.u32 s20, $0x3;
	s17 =	sadd.s32 s29, s17  }
0x46: {  	s16 =	sor.u32 $0x400, s16;
	s17 =	sadd.s32 s31, s17  }
0x47: {  	[hbm4b:s17+s16] =	stream.strided.scatter [tilespmem:s19], [sflag:$0x2], $0x4000, s11, s16, $0x20;
	[tilespmem:$0x10100] =	vst v63  }
.LBB1_8:
0x48: {  	_ =	sfence.sel $0x180000  }
0x49: {  	s2 =	simm.s32 $0x1;
	[bflag:$0x0] =	sbarrier.arrive $0xFFFF  }
0x4a: {  	s31 =	simm.s32 $0x2;
	[sflag:s2] =	ssyncpa.u1 $0x1  }
0x4b: {  	[sflag:s31] =	ssyncpa.u1 $0x1  }
0x4c: {  	p0 =	sne.s32 s0, $0x0;
	_ =	strace $0x9000004A  }
0x4d: {  	s0 =	sadd.s32 @!p0 $0x100000, s1;
	[bflag:$0x2] =	sbarrier.arrive $0xFFFF  }
0x4e: {  	[sflag:s0] =	ssyncadd.tile.s32 @!p0 $0x1;
	_ =	shalt  }
.Lfunc_end1:
_tile_overlayer_lowered:
.L_overlay_start_2:
0x4f: {  	(tag) =	ssettag $0x2  }
0x50: {  	s0 =	rddreg [dreg:$0x0];
	s2 =	stileid.u32  }
0x51: {  	s1 =	rddreg [dreg:$0x1];
	p0 =	sne.s32 s2, $0x0  }
0x52: {  	s3 =	rddreg [dreg:$0x2];
	[bflag:$0x3] =	sbarrier.arrive $0xFFFF;
	s2 =	simm.s32 @!p0 $0x1C01  }
0x53: {  	[timem:s3], [sflag:s2] =	dma.local @!p0 [hbm:s0], s1  }
0x54: {  	s0 =	simm.s32 @!p0 $0x1  }
0x55: {  	_ =	swait.ge @!p0 [sflag:s0], s1  }
0x56: {  	s1 =	ssub.s32 @!p0 $0x0, s1;
	[sflag:s0] =	ssyncset.done @!p0 $0x0  }
0x57: {  	[sflag:s0] =	ssyncadd.s32 @!p0 s1  }
0x58: {  	[bflag:$0x3] =	sbarrier.arrive $0xFFFF  }
0x59: {  	_ =	shalt  }

</sc_bundles>
